<compile_context>
chip_gen: v7x
topology: tpu7x:2x2x1
jax: 0.10.2.dev20260603
libtpu: 0.0.44.dev20260713+nightly
codegen_flags: <defaults>
</compile_context>

<pallas_src>
import dataclasses
import functools

import jax
import jax.numpy as jnp
from jax import lax
from jax.experimental import pallas as pl
from jax.experimental.pallas import tpu as pltpu
from jax.experimental.pallas import tpu_sc as plsc

N = 262144
B = 1024
NZ = 100
DE = 16
H = 64

A = 16384
NB = N // A
A2 = 8192
NB2 = N // A2
NW = 32
CH = N // NW

_SC_MESH = dict(core_axis_name="c", subcore_axis_name="s")


def _sc_compiler_params():
    cp = pltpu.CompilerParams()
    if "needs_layout_passes" in pltpu.CompilerParams.__dataclass_fields__:
        cp = dataclasses.replace(cp, needs_layout_passes=False)
    return cp


AH = A // 2


def _tc_body(rx_ref, ry_ref, rz_ref, z_ref, embT_ref, W1eT_ref, W1rT_ref,
             U_ref, w2c_ref, b1c_ref, b2_ref,
             ea_ref, gx_ref, gy_ref, gz_ref, MT_ref):
    i = pl.program_id(0)

    @pl.when(i == 0)
    def _():
        MT_ref[...] = lax.dot_general(W1eT_ref[...], embT_ref[...],
                                      (((1,), (0,)), ((), ())),
                                      preferred_element_type=jnp.float32)

    MT = MT_ref[...]
    w2c = w2c_ref[...]
    b1c = b1c_ref[...]

    for s in range(2):
        sl = slice(s * AH, (s + 1) * AH)
        rT = jnp.concatenate([rx_ref[0][:, sl], ry_ref[0][:, sl],
                              rz_ref[0][:, sl]], axis=0)
        z = z_ref[0][:, sl]

        idx = jnp.broadcast_to(z, (H, AH))
        acc = jnp.take_along_axis(MT, idx, axis=1)
        acc = acc + lax.dot_general(W1rT_ref[...], rT,
                                    (((1,), (0,)), ((), ())),
                                    preferred_element_type=jnp.float32)
        hpre = acc + b1c
        h = jnp.tanh(hpre)

        hw = h * w2c
        d = w2c - h * hw

        X = jnp.concatenate([h, d], axis=0)
        Y = lax.dot_general(U_ref[...], X, (((1,), (0,)), ((), ())),
                            preferred_element_type=jnp.float32)

        ea_ref[0, :, sl] = Y[0:1] + b2_ref[...]
        gx_ref[0, :, sl] = Y[1:2]
        gy_ref[0, :, sl] = Y[2:3]
        gz_ref[0, :, sl] = Y[3:4]


def _tc_stage(rx3, ry3, rz3, z3, embT, W1eT, W1rT, U, w2c, b1c, b2r):
    row = pl.BlockSpec((1, 1, A), lambda i: (i, 0, 0))
    full = lambda s: pl.BlockSpec(s, lambda i: tuple(0 for _ in s))
    out1 = jax.ShapeDtypeStruct((NB, 1, A), jnp.float32)
    return pl.pallas_call(
        _tc_body,
        grid=(NB,),
        in_specs=[row, row, row, row,
                  full((16, 128)), full((64, 16)), full((64, 3)),
                  full((8, 128)), full((64, 1)), full((64, 1)),
                  full((1, 1))],
        out_specs=[row, row, row, row],
        out_shape=[out1, out1, out1, out1],
        scratch_shapes=[pltpu.VMEM((64, 128), jnp.float32)],
    )(rx3, ry3, rz3, z3, embT, W1eT, W1rT, U, w2c, b1c, b2r)


def _tc2_body(eb_ref, m_ref, gx_ref, gy_ref, gz_ref, p_ref, jt_ref):
    eb = eb_ref[0]
    m2 = m_ref[0]
    a = eb + m2
    px = jnp.broadcast_to(p_ref[0, :, 0:1], (1, A2))
    py = jnp.broadcast_to(p_ref[0, :, 16:17], (1, A2))
    pz = jnp.broadcast_to(p_ref[0, :, 32:33], (1, A2))
    jt_ref[...] = jnp.concatenate(
        [gx_ref[0] * eb, gy_ref[0] * eb, gz_ref[0] * eb,
         a * px, a * py, a * pz], axis=0)


def _tc2_stage(eb3, m3, gx3, gy3, gz3, p48):
    row = pl.BlockSpec((1, 1, A2), lambda i: (i, 0, 0))
    return pl.pallas_call(
        _tc2_body,
        grid=(NB2,),
        in_specs=[row, row, row, row, row,
                  pl.BlockSpec((1, 1, 48), lambda i: (0, 0, 0))],
        out_specs=pl.BlockSpec((6, A2), lambda i: (0, i)),
        out_shape=jax.ShapeDtypeStruct((6, N), jnp.float32),
    )(eb3, m3, gx3, gy3, gz3, p48)


@functools.lru_cache(maxsize=None)
def _build_kin_seg_sum():
    @functools.partial(
        pl.kernel,
        mesh=plsc.VectorSubcoreMesh(**_SC_MESH),
        compiler_params=_sc_compiler_params(),
        out_type=(
            jax.ShapeDtypeStruct((NW * B,), jnp.float32),
            jax.ShapeDtypeStruct((NW * 48,), jnp.float32),
        ),
        scratch_types=[
            pltpu.VMEM((CH,), jnp.int32),
            pltpu.VMEM((CH,), jnp.float32),
            pltpu.VMEM((CH,), jnp.float32),
            pltpu.VMEM((CH,), jnp.float32),
            pltpu.VMEM((CH,), jnp.float32),
            pltpu.VMEM((B,), jnp.float32),
            pltpu.VMEM((48,), jnp.float32),
            pltpu.SemaphoreType.DMA,
        ],
    )
    def _kin_seg(batch_hbm, vx_hbm, vy_hbm, vz_hbm, m_hbm, out_hbm, pp_hbm,
                 ids_v, vx_v, vy_v, vz_v, m_v, acc_v, pst_v, sem):
        wid = lax.axis_index("c") * 16 + lax.axis_index("s")
        base = wid * CH
        cps = [pltpu.async_copy(batch_hbm.at[pl.ds(base, CH)], ids_v, sem),
               pltpu.async_copy(vx_hbm.at[pl.ds(base, CH)], vx_v, sem),
               pltpu.async_copy(vy_hbm.at[pl.ds(base, CH)], vy_v, sem),
               pltpu.async_copy(vz_hbm.at[pl.ds(base, CH)], vz_v, sem),
               pltpu.async_copy(m_hbm.at[pl.ds(base, CH)], m_v, sem)]

        zero16 = jnp.zeros((16,), jnp.float32)

        @pl.loop(0, B, step=16)
        def _(k):
            acc_v[pl.ds(k, 16)] = zero16

        pst_v[pl.ds(0, 16)] = zero16
        pst_v[pl.ds(16, 16)] = zero16
        pst_v[pl.ds(32, 16)] = zero16

        for cp in cps:
            cp.wait()

        iota = lax.iota(jnp.int32, 16)
        m_last = iota == 15
        m_first = iota == 0
        sh_next = jnp.minimum(iota + 1, 15)
        sh_prev = jnp.maximum(iota - 1, 0)

        def rb(x):
            b = lax.bitcast_convert_type(x, jnp.int32)
            r = (b + ((b >> 16) & 1) + jnp.int32(0x7FFF)) & jnp.int32(-65536)
            return lax.bitcast_convert_type(r, jnp.float32)

        @pl.loop(0, CH, step=16)
        def _(c):
            ids = ids_v[pl.ds(c, 16)]
            va = vx_v[pl.ds(c, 16)]
            vb = vy_v[pl.ds(c, 16)]
            vc = vz_v[pl.ds(c, 16)]
            mm = m_v[pl.ds(c, 16)]
            vals = 0.5 * mm * (va * va + vb * vb + vc * vc)
            ids_n = plsc.load_gather(ids_v, [c + sh_next])
            ids_p = plsc.load_gather(ids_v, [c + sh_prev])
            bnd = (ids != ids_n) | m_last
            stt = (ids != ids_p) | m_first
            ps = plsc.cumsum(vals)
            plsc.addupdate_scatter(acc_v, [ids], ps, mask=bnd)
            plsc.addupdate_scatter(acc_v, [ids], vals - ps, mask=stt)
            mb = rb(mm)
            pst_v[pl.ds(0, 16)] = pst_v[pl.ds(0, 16)] + mb * rb(va)
            pst_v[pl.ds(16, 16)] = pst_v[pl.ds(16, 16)] + mb * rb(vb)
            pst_v[pl.ds(32, 16)] = pst_v[pl.ds(32, 16)] + mb * rb(vc)

        pltpu.sync_copy(acc_v, out_hbm.at[pl.ds(wid * B, B)])
        pltpu.sync_copy(pst_v, pp_hbm.at[pl.ds(wid * 48, 48)])

    return _kin_seg


@functools.lru_cache(maxsize=None)
def _build_seg_sum():
    @functools.partial(
        pl.kernel,
        mesh=plsc.VectorSubcoreMesh(**_SC_MESH),
        compiler_params=_sc_compiler_params(),
        out_type=jax.ShapeDtypeStruct((NW * B,), jnp.float32),
        scratch_types=[
            pltpu.VMEM((CH,), jnp.float32),
            pltpu.VMEM((CH,), jnp.int32),
            pltpu.VMEM((B,), jnp.float32),
            pltpu.SemaphoreType.DMA,
        ],
    )
    def _seg_sum(ea_hbm, batch_hbm, out_hbm, vals_v, ids_v, acc_v, sem):
        wid = lax.axis_index("c") * 16 + lax.axis_index("s")
        base = wid * CH
        cp1 = pltpu.async_copy(ea_hbm.at[pl.ds(base, CH)], vals_v, sem)
        cp2 = pltpu.async_copy(batch_hbm.at[pl.ds(base, CH)], ids_v, sem)

        zero16 = jnp.zeros((16,), jnp.float32)

        @pl.loop(0, B, step=16)
        def _(k):
            acc_v[pl.ds(k, 16)] = zero16

        cp1.wait()
        cp2.wait()

        iota = lax.iota(jnp.int32, 16)
        m_last = iota == 15
        m_first = iota == 0
        sh_next = jnp.minimum(iota + 1, 15)
        sh_prev = jnp.maximum(iota - 1, 0)

        @pl.loop(0, CH, step=16)
        def _(c):
            ids = ids_v[pl.ds(c, 16)]
            vals = vals_v[pl.ds(c, 16)]
            ids_n = plsc.load_gather(ids_v, [c + sh_next])
            ids_p = plsc.load_gather(ids_v, [c + sh_prev])
            bnd = (ids != ids_n) | m_last
            stt = (ids != ids_p) | m_first
            ps = plsc.cumsum(vals)
            plsc.addupdate_scatter(acc_v, [ids], ps, mask=bnd)
            plsc.addupdate_scatter(acc_v, [ids], vals - ps, mask=stt)

        pltpu.sync_copy(acc_v, out_hbm.at[pl.ds(wid * B, B)])

    return _seg_sum


@functools.lru_cache(maxsize=None)
def _build_ec_gather():
    @functools.partial(
        pl.kernel,
        mesh=plsc.VectorSubcoreMesh(**_SC_MESH),
        compiler_params=_sc_compiler_params(),
        out_type=(
            jax.ShapeDtypeStruct((B,), jnp.float32),
            jax.ShapeDtypeStruct((48,), jnp.float32),
            jax.ShapeDtypeStruct((N,), jnp.float32),
        ),
        scratch_types=[
            pltpu.VMEM((NW * B,), jnp.float32),
            pltpu.VMEM((NW * B,), jnp.float32),
            pltpu.VMEM((NW * 48,), jnp.float32),
            pltpu.VMEM((B,), jnp.float32),
            pltpu.VMEM((B,), jnp.float32),
            pltpu.VMEM((48,), jnp.float32),
            pltpu.VMEM((CH,), jnp.int32),
            pltpu.VMEM((CH,), jnp.float32),
            pltpu.SemaphoreType.DMA,
        ],
    )
    def _ec_gather(pk_hbm, pp_hbm, ppart_hbm, e0_hbm, batch_hbm,
                   ec_hbm, pout_hbm, eb_hbm,
                   pk_v, pp_v, ppart_v, e0_v, ec_v, pst_v, ids_v, eb_v, sem):
        wid = lax.axis_index("c") * 16 + lax.axis_index("s")
        base = wid * CH

        cps = [pltpu.async_copy(batch_hbm.at[pl.ds(base, CH)], ids_v, sem),
               pltpu.async_copy(pk_hbm, pk_v, sem),
               pltpu.async_copy(pp_hbm, pp_v, sem),
               pltpu.async_copy(ppart_hbm, ppart_v, sem),
               pltpu.async_copy(e0_hbm, e0_v, sem)]
        for cp in cps:
            cp.wait()

        zero16 = jnp.zeros((16,), jnp.float32)
        px = zero16
        py = zero16
        pz = zero16
        for w in range(NW):
            px = px + ppart_v[pl.ds(w * 48, 16)]
            py = py + ppart_v[pl.ds(w * 48 + 16, 16)]
            pz = pz + ppart_v[pl.ds(w * 48 + 32, 16)]
        px = zero16 + jnp.sum(px)
        py = zero16 + jnp.sum(py)
        pz = zero16 + jnp.sum(pz)

        @pl.loop(0, B, step=16)
        def _(k):
            a16 = -e0_v[pl.ds(k, 16)]
            for r in range(NW):
                a16 = a16 + pk_v[pl.ds(k + r * B, 16)]
                a16 = a16 + pp_v[pl.ds(k + r * B, 16)]
            ec_v[pl.ds(k, 16)] = a16

        pltpu.sync_copy(ec_v.at[pl.ds(wid * 32, 32)],
                        ec_hbm.at[pl.ds(wid * 32, 32)])

        @pl.when(wid == 0)
        def _():
            pst_v[pl.ds(0, 16)] = px
            pst_v[pl.ds(16, 16)] = py
            pst_v[pl.ds(32, 16)] = pz
            pltpu.sync_copy(pst_v, pout_hbm)

        @pl.loop(0, CH, step=16)
        def _(c):
            ids = ids_v[pl.ds(c, 16)]
            eb_v[pl.ds(c, 16)] = plsc.load_gather(ec_v, [ids])

        pltpu.sync_copy(eb_v, eb_hbm.at[pl.ds(base, CH)])

    return _ec_gather


def kernel(r, v, batch, z, m, emb, W1, b1, W2, b2, E0):
    f32 = jnp.float32
    bf16 = jnp.bfloat16
    r = r.astype(f32)
    v = v.astype(f32)
    rx3 = r[:, 0].reshape(NB, 1, A)
    ry3 = r[:, 1].reshape(NB, 1, A)
    rz3 = r[:, 2].reshape(NB, 1, A)
    vx = v[:, 0]
    vy = v[:, 1]
    vz = v[:, 2]
    batch_i = batch.astype(jnp.int32)
    z3 = z.astype(jnp.int32).reshape(NB, 1, A)
    m_f = m.astype(f32)

    embT = jnp.pad(emb.astype(f32).T, ((0, 0), (0, 128 - NZ)))
    W1eT = W1[3:].astype(f32).T
    W1rT = W1[:3].astype(f32).T
    w2c = W2.astype(f32)
    U = jnp.zeros((8, 128), f32)
    U = U.at[0, :64].set(W2.astype(f32)[:, 0])
    U = U.at[1:4, 64:].set(W1[:3].astype(f32))
    b1c = b1.astype(f32)[:, None]
    b2r = b2.astype(f32).reshape(1, 1)

    parts_kin, pparts = _build_kin_seg_sum()(batch_i, vx, vy, vz, m_f)

    ea3, gx3, gy3, gz3 = _tc_stage(rx3, ry3, rz3, z3, embT, W1eT, W1rT, U,
                                   w2c, b1c, b2r)
    parts_pot = _build_seg_sum()(ea3.reshape(N), batch_i)

    Ec, p48, Eb = _build_ec_gather()(parts_kin, parts_pot, pparts,
                                     E0.astype(f32), batch_i)

    JT = _tc2_stage(Eb.reshape(NB2, 1, A2), m_f.reshape(NB2, 1, A2),
                    gx3.reshape(NB2, 1, A2), gy3.reshape(NB2, 1, A2),
                    gz3.reshape(NB2, 1, A2), p48.reshape(1, 1, 48))

    p_vec = jnp.stack([p48[0], p48[16], p48[32]])
    c = jnp.concatenate([Ec, p_vec])
    return (c, JT.T)

# --- scband reference (transcript-rebuilt; emitter-appended) ---
"""Pipeline reference for scband-energy-momentum-constraints-77103252897807 (READ-ONLY COPY).

The authoritative reference and input builder live on the scoring server;
editing this copy changes nothing except your own understanding.
"""

import jax, jax.numpy as jnp
import numpy as np

N = 262144
B = 1024
NZ = 100
DE = 16
H = 64

def setup_inputs(seed: int = 0) -> dict:
    key = jax.random.key(seed)
    ks = jax.random.split(key, 12)
    r = jax.random.normal(ks[0], (N, 3), dtype=jnp.float32)
    v = jax.random.normal(ks[1], (N, 3), dtype=jnp.float32)
    batch = jnp.sort(jax.random.randint(ks[2], (N,), 0, B)).astype(jnp.int64)
    z = jax.random.randint(ks[3], (N,), 0, NZ).astype(jnp.int64)
    m = jax.random.uniform(ks[4], (N,), dtype=jnp.float32, minval=0.5, maxval=12.0)
    emb = jax.random.normal(ks[5], (NZ, DE), dtype=jnp.float32) * 0.1
    W1 = jax.random.normal(ks[6], (3 + DE, H), dtype=jnp.float32) * (1.0 / np.sqrt(3 + DE))
    b1 = jnp.zeros((H,), dtype=jnp.float32)
    W2 = jax.random.normal(ks[7], (H, 1), dtype=jnp.float32) * (1.0 / np.sqrt(H))
    b2 = jnp.zeros((1,), dtype=jnp.float32)
    E0 = jax.random.normal(ks[8], (B,), dtype=jnp.float32)
    return {"r": r, "v": v, "batch": batch, "z": z, "m": m, "emb": emb,
            "W1": W1, "b1": b1, "W2": W2, "b2": b2, "E0": E0}


def _potential(rr, z, batch, emb, W1, b1, W2, b2):
    # F(r, batch, z): per-atom MLP energy, summed per graph (embedding gather + segment_sum)
    feat = jnp.concatenate([rr, jnp.take(emb, z, axis=0)], axis=-1)
    h = jnp.tanh(feat @ W1 + b1)
    e_atom = (h @ W2 + b2)[:, 0]
    return jax.ops.segment_sum(e_atom, batch, num_segments=B)


def reference(r, v, batch, z, m, emb, W1, b1, W2, b2, E0):
    def energy(rr):
        E_kin = 0.5 * jax.ops.segment_sum(m * jnp.sum(v ** 2, axis=-1), batch, num_segments=B)
        E_pot = _potential(rr, z, batch, emb, W1, b1, W2, b2)
        return E_pot + E_kin

    E1 = energy(r)
    # torch.autograd.grad(E, r) -> dE/dr (per-graph energies, implicit ones cotangent)
    E_grad = jax.grad(lambda rr: energy(rr).sum())(r)
    Ec = E1 - E0                      # constraint energy residual, [B]
    p = m @ v                         # total momentum, [3] (m[None,:] @ v)
    c = jnp.concatenate([Ec, p], axis=-1)   # [B+3]
    Eb = jnp.take(Ec, batch, axis=0)[:, None]   # broadcast per-graph scalar to atoms
    J1 = E_grad * Eb                  # [N,3]
    J2 = p[None, :] * Eb + m[:, None] * p[None, :]   # [N,3]
    J = jnp.concatenate([J1, J2], axis=-1)   # [N,6]
    return (c, J)

if __name__ == "__main__":
    import jax
    _d = setup_inputs()
    print(jax.jit(kernel)(*tuple(_d.values())))

</pallas_src>

<mosaic_0001>
#map = affine_map<(d0, d1) -> (0)>
module attributes {stable_mosaic.version = 14 : i64} {
  func.func @_seg_sum(%arg0: i32, %arg1: i32, %arg2: memref<262144xf32, #tpu.memory_space<hbm>>, %arg3: memref<262144xi32, #tpu.memory_space<hbm>>, %arg4: memref<32768xf32, #tpu.memory_space<hbm>>, %arg5: memref<8192xf32, #tpu.memory_space<vmem>>, %arg6: memref<8192xi32, #tpu.memory_space<vmem>>, %arg7: memref<1024xf32, #tpu.memory_space<vmem>>, %arg8: memref<!tpu.dma_semaphore, #tpu.memory_space<semaphore_mem>>) attributes {dimension_semantics = [#tpu.dimension_semantics<core_parallel>, #tpu.dimension_semantics<subcore_parallel>], iteration_bounds = array<i64: 2, 16>, scalar_prefetch = 0 : i64, scratch_operands = 4 : i64, tpu.core_type = #tpu.core_type<sc_vector_subcore>, window_params = [{transform_indices = #map}, {transform_indices = #map}, {transform_indices = #map}]} {
    %mul3A = arith.constant 16 : i32
    %mul3A_0 = arith.muli %arg0, %mul3A : i32
    %add3A = arith.addi %mul3A_0, %arg1 : i32
    %mul3A_1 = arith.constant 8192 : i32
    %mul3A_2 = arith.muli %add3A, %mul3A_1 : i32
    %dma_start3A = tpu.memref_slice %arg2[%mul3A_2] : memref<262144xf32, #tpu.memory_space<hbm>> -> memref<8192xf32, #tpu.memory_space<hbm>>
    %dma_start3A_3 = tpu.memref_slice %arg2[%mul3A_2] : memref<262144xf32, #tpu.memory_space<hbm>> -> memref<8192xf32, #tpu.memory_space<hbm>>
    tpu.enqueue_dma source(%dma_start3A_3 : memref<8192xf32, #tpu.memory_space<hbm>>) target(%arg5 : memref<8192xf32, #tpu.memory_space<vmem>>) target_semaphore(%arg8 : memref<!tpu.dma_semaphore, #tpu.memory_space<semaphore_mem>>)
    %dma_start3A_4 = tpu.memref_slice %arg3[%mul3A_2] : memref<262144xi32, #tpu.memory_space<hbm>> -> memref<8192xi32, #tpu.memory_space<hbm>>
    %dma_start3A_5 = tpu.memref_slice %arg3[%mul3A_2] : memref<262144xi32, #tpu.memory_space<hbm>> -> memref<8192xi32, #tpu.memory_space<hbm>>
    tpu.enqueue_dma source(%dma_start3A_5 : memref<8192xi32, #tpu.memory_space<hbm>>) target(%arg6 : memref<8192xi32, #tpu.memory_space<vmem>>) target_semaphore(%arg8 : memref<!tpu.dma_semaphore, #tpu.memory_space<semaphore_mem>>)
    %broadcast_in_dim3A = arith.constant 0.000000e+00 : f32
    %broadcast_in_dim3A_6 = vector.broadcast %broadcast_in_dim3A : f32 to vector<16xf32>
    %scan3A = arith.constant 0 : i32
    %scan3A_7 = arith.constant 64 : i32
    %scan3A_8 = arith.addi %scan3A, %scan3A_7 : i32
    %scan3A_9 = arith.constant 1 : i32
    scf.for %scan3A_35 = %scan3A to %scan3A_8 step %scan3A_9  : i32 {
      %mul3A_36 = arith.constant 16 : i32
      %mul3A_37 = arith.muli %scan3A_35, %mul3A_36 : i32
      %add3A_38 = arith.constant 0 : i32
      %add3A_39 = arith.addi %add3A_38, %mul3A_37 : i32
      %swap3A = arith.index_cast %add3A_39 : i32 to index
      %swap3A_40 = tpu.vector_load %arg7[%swap3A] {strides = array<i32>} : memref<1024xf32, #tpu.memory_space<vmem>>, vector<16xf32>,
      tpu.vector_store %arg7[%swap3A], %broadcast_in_dim3A_6 {strides = array<i32>} : memref<1024xf32, #tpu.memory_space<vmem>>, vector<16xf32>,
    }
    %scan3A_10 = arith.constant 64 : i32
    %dma_wait3A = tpu.memref_slice %arg2[%mul3A_2] : memref<262144xf32, #tpu.memory_space<hbm>> -> memref<8192xf32, #tpu.memory_space<hbm>>
    %dma_wait3A_11 = tpu.memref_slice %arg2[%mul3A_2] : memref<262144xf32, #tpu.memory_space<hbm>> -> memref<8192xf32, #tpu.memory_space<hbm>>
    tpu.wait_dma2 semaphore(%arg8 : memref<!tpu.dma_semaphore, #tpu.memory_space<semaphore_mem>>) src(%dma_wait3A_11 : memref<8192xf32, #tpu.memory_space<hbm>>) dst(%arg5 : memref<8192xf32, #tpu.memory_space<vmem>>)
    %dma_wait3A_12 = tpu.memref_slice %arg3[%mul3A_2] : memref<262144xi32, #tpu.memory_space<hbm>> -> memref<8192xi32, #tpu.memory_space<hbm>>
    %dma_wait3A_13 = tpu.memref_slice %arg3[%mul3A_2] : memref<262144xi32, #tpu.memory_space<hbm>> -> memref<8192xi32, #tpu.memory_space<hbm>>
    tpu.wait_dma2 semaphore(%arg8 : memref<!tpu.dma_semaphore, #tpu.memory_space<semaphore_mem>>) src(%dma_wait3A_13 : memref<8192xi32, #tpu.memory_space<hbm>>) dst(%arg6 : memref<8192xi32, #tpu.memory_space<vmem>>)
    %iota3A = tpu.iota {dimensions = array<i32: 0>} : vector<16xi32>
    %eq3A = arith.constant 15 : i32
    %eq3A_14 = vector.broadcast %eq3A : i32 to vector<16xi32>
    %eq3A_15 = arith.cmpi eq, %iota3A, %eq3A_14 : vector<16xi32>
    %eq3A_16 = arith.constant 0 : i32
    %eq3A_17 = vector.broadcast %eq3A_16 : i32 to vector<16xi32>
    %eq3A_18 = arith.cmpi eq, %iota3A, %eq3A_17 : vector<16xi32>
    %add3A_19 = arith.constant 1 : i32
    %add3A_20 = vector.broadcast %add3A_19 : i32 to vector<16xi32>
    %add3A_21 = arith.addi %iota3A, %add3A_20 : vector<16xi32>
    %min3A = arith.constant 15 : i32
    %min3A_22 = vector.broadcast %min3A : i32 to vector<16xi32>
    %min3A_23 = arith.minsi %add3A_21, %min3A_22 : vector<16xi32>
    %sub3A = arith.constant 1 : i32
    %sub3A_24 = vector.broadcast %sub3A : i32 to vector<16xi32>
    %sub3A_25 = arith.subi %iota3A, %sub3A_24 : vector<16xi32>
    %max3A = arith.constant 0 : i32
    %max3A_26 = vector.broadcast %max3A : i32 to vector<16xi32>
    %max3A_27 = arith.maxsi %sub3A_25, %max3A_26 : vector<16xi32>
    %scan3A_28 = arith.constant 0 : i32
    %scan3A_29 = arith.constant 512 : i32
    %scan3A_30 = arith.addi %scan3A_28, %scan3A_29 : i32
    %scan3A_31 = arith.constant 1 : i32
    scf.for %scan3A_35 = %scan3A_28 to %scan3A_30 step %scan3A_31  : i32 {
      %mul3A_36 = arith.constant 16 : i32
      %mul3A_37 = arith.muli %scan3A_35, %mul3A_36 : i32
      %add3A_38 = arith.constant 0 : i32
      %add3A_39 = arith.addi %add3A_38, %mul3A_37 : i32
      %get3A = arith.index_cast %add3A_39 : i32 to index
      %get3A_40 = tpu.vector_load %arg6[%get3A] {strides = array<i32>} : memref<8192xi32, #tpu.memory_space<vmem>>, vector<16xi32>,
      %get3A_41 = arith.index_cast %add3A_39 : i32 to index
      %get3A_42 = tpu.vector_load %arg5[%get3A_41] {strides = array<i32>} : memref<8192xf32, #tpu.memory_space<vmem>>, vector<16xf32>,
      %add3A_43 = vector.broadcast %add3A_39 : i32 to vector<16xi32>
      %add3A_44 = arith.addi %add3A_43, %min3A_23 : vector<16xi32>
      %gather3A = tpu.vector_load_idx %arg6[%add3A_44] : memref<8192xi32, #tpu.memory_space<vmem>>[vector<16xi32>], vector<16xi32>,
      %add3A_45 = vector.broadcast %add3A_39 : i32 to vector<16xi32>
      %add3A_46 = arith.addi %add3A_45, %max3A_27 : vector<16xi32>
      %gather3A_47 = tpu.vector_load_idx %arg6[%add3A_46] : memref<8192xi32, #tpu.memory_space<vmem>>[vector<16xi32>], vector<16xi32>,
      %ne3A = arith.cmpi ne, %get3A_40, %gather3A : vector<16xi32>
      %or3A = arith.ori %ne3A, %eq3A_15 : vector<16xi1>
      %ne3A_48 = arith.cmpi ne, %get3A_40, %gather3A_47 : vector<16xi32>
      %or3A_49 = arith.ori %ne3A_48, %eq3A_18 : vector<16xi1>
      %broadcast_in_dim3A_50 = arith.constant true
      %broadcast_in_dim3A_51 = vector.broadcast %broadcast_in_dim3A_50 : i1 to vector<16xi1>
      %masked_cumsum3A = tpu.scan <sum>, %get3A_42 masked %broadcast_in_dim3A_51 : vector<16xf32>, vector<16xi1> -> vector<16xf32>
      tpu.vector_store_idx %arg7[%get3A_40], %masked_cumsum3A masked %or3A {add = true} : memref<1024xf32, #tpu.memory_space<vmem>>[vector<16xi32>], vector<16xf32>, vector<16xi1>
      %sub3A_52 = arith.subf %get3A_42, %masked_cumsum3A : vector<16xf32>
      tpu.vector_store_idx %arg7[%get3A_40], %sub3A_52 masked %or3A_49 {add = true} : memref<1024xf32, #tpu.memory_space<vmem>>[vector<16xi32>], vector<16xf32>, vector<16xi1>
    }
    %scan3A_32 = arith.constant 512 : i32
    %mul3A_33 = arith.constant 1024 : i32
    %mul3A_34 = arith.muli %add3A, %mul3A_33 : i32
    "tpu.region"() ({
      %run_scoped3A = tpu.sem_alloc : memref<!tpu.dma_semaphore, #tpu.memory_space<semaphore_mem>>
      %dma_start3A_35 = tpu.memref_slice %arg4[%mul3A_34] : memref<32768xf32, #tpu.memory_space<hbm>> -> memref<1024xf32, #tpu.memory_space<hbm>>
      %dma_start3A_36 = tpu.memref_slice %arg4[%mul3A_34] : memref<32768xf32, #tpu.memory_space<hbm>> -> memref<1024xf32, #tpu.memory_space<hbm>>
      tpu.enqueue_dma source(%arg7 : memref<1024xf32, #tpu.memory_space<vmem>>) target(%dma_start3A_36 : memref<1024xf32, #tpu.memory_space<hbm>>) target_semaphore(%run_scoped3A : memref<!tpu.dma_semaphore, #tpu.memory_space<semaphore_mem>>)
      %dma_wait3A_37 = tpu.memref_slice %arg4[%mul3A_34] : memref<32768xf32, #tpu.memory_space<hbm>> -> memref<1024xf32, #tpu.memory_space<hbm>>
      %dma_wait3A_38 = tpu.memref_slice %arg4[%mul3A_34] : memref<32768xf32, #tpu.memory_space<hbm>> -> memref<1024xf32, #tpu.memory_space<hbm>>
      tpu.wait_dma2 semaphore(%run_scoped3A : memref<!tpu.dma_semaphore, #tpu.memory_space<semaphore_mem>>) src(%arg7 : memref<1024xf32, #tpu.memory_space<vmem>>) dst(%dma_wait3A_38 : memref<1024xf32, #tpu.memory_space<hbm>>)
      tpu.yield
    }) : () -> ()
    return
  }
}

#map = affine_map<(d0, d1) -> (0)>
module attributes {stable_mosaic.version = 14 : i64} {
  func.func @_kin_seg(%arg0: i32, %arg1: i32, %arg2: memref<262144xi32, #tpu.memory_space<hbm>>, %arg3: memref<262144xf32, #tpu.memory_space<hbm>>, %arg4: memref<262144xf32, #tpu.memory_space<hbm>>, %arg5: memref<262144xf32, #tpu.memory_space<hbm>>, %arg6: memref<262144xf32, #tpu.memory_space<hbm>>, %arg7: memref<32768xf32, #tpu.memory_space<hbm>>, %arg8: memref<1536xf32, #tpu.memory_space<hbm>>, %arg9: memref<8192xi32, #tpu.memory_space<vmem>>, %arg10: memref<8192xf32, #tpu.memory_space<vmem>>, %arg11: memref<8192xf32, #tpu.memory_space<vmem>>, %arg12: memref<8192xf32, #tpu.memory_space<vmem>>, %arg13: memref<8192xf32, #tpu.memory_space<vmem>>, %arg14: memref<1024xf32, #tpu.memory_space<vmem>>, %arg15: memref<48xf32, #tpu.memory_space<vmem>>, %arg16: memref<!tpu.dma_semaphore, #tpu.memory_space<semaphore_mem>>) attributes {dimension_semantics = [#tpu.dimension_semantics<core_parallel>, #tpu.dimension_semantics<subcore_parallel>], iteration_bounds = array<i64: 2, 16>, scalar_prefetch = 0 : i64, scratch_operands = 8 : i64, tpu.core_type = #tpu.core_type<sc_vector_subcore>, window_params = [{transform_indices = #map}, {transform_indices = #map}, {transform_indices = #map}, {transform_indices = #map}, {transform_indices = #map}, {transform_indices = #map}, {transform_indices = #map}]} {
    %mul3A = arith.constant 16 : i32
    %mul3A_0 = arith.muli %arg0, %mul3A : i32
    %add3A = arith.addi %mul3A_0, %arg1 : i32
    %mul3A_1 = arith.constant 8192 : i32
    %mul3A_2 = arith.muli %add3A, %mul3A_1 : i32
    %dma_start3A = tpu.memref_slice %arg2[%mul3A_2] : memref<262144xi32, #tpu.memory_space<hbm>> -> memref<8192xi32, #tpu.memory_space<hbm>>
    %dma_start3A_3 = tpu.memref_slice %arg2[%mul3A_2] : memref<262144xi32, #tpu.memory_space<hbm>> -> memref<8192xi32, #tpu.memory_space<hbm>>
    tpu.enqueue_dma source(%dma_start3A_3 : memref<8192xi32, #tpu.memory_space<hbm>>) target(%arg9 : memref<8192xi32, #tpu.memory_space<vmem>>) target_semaphore(%arg16 : memref<!tpu.dma_semaphore, #tpu.memory_space<semaphore_mem>>)
    %dma_start3A_4 = tpu.memref_slice %arg3[%mul3A_2] : memref<262144xf32, #tpu.memory_space<hbm>> -> memref<8192xf32, #tpu.memory_space<hbm>>
    %dma_start3A_5 = tpu.memref_slice %arg3[%mul3A_2] : memref<262144xf32, #tpu.memory_space<hbm>> -> memref<8192xf32, #tpu.memory_space<hbm>>
    tpu.enqueue_dma source(%dma_start3A_5 : memref<8192xf32, #tpu.memory_space<hbm>>) target(%arg10 : memref<8192xf32, #tpu.memory_space<vmem>>) target_semaphore(%arg16 : memref<!tpu.dma_semaphore, #tpu.memory_space<semaphore_mem>>)
    %dma_start3A_6 = tpu.memref_slice %arg4[%mul3A_2] : memref<262144xf32, #tpu.memory_space<hbm>> -> memref<8192xf32, #tpu.memory_space<hbm>>
    %dma_start3A_7 = tpu.memref_slice %arg4[%mul3A_2] : memref<262144xf32, #tpu.memory_space<hbm>> -> memref<8192xf32, #tpu.memory_space<hbm>>
    tpu.enqueue_dma source(%dma_start3A_7 : memref<8192xf32, #tpu.memory_space<hbm>>) target(%arg11 : memref<8192xf32, #tpu.memory_space<vmem>>) target_semaphore(%arg16 : memref<!tpu.dma_semaphore, #tpu.memory_space<semaphore_mem>>)
    %dma_start3A_8 = tpu.memref_slice %arg5[%mul3A_2] : memref<262144xf32, #tpu.memory_space<hbm>> -> memref<8192xf32, #tpu.memory_space<hbm>>
    %dma_start3A_9 = tpu.memref_slice %arg5[%mul3A_2] : memref<262144xf32, #tpu.memory_space<hbm>> -> memref<8192xf32, #tpu.memory_space<hbm>>
    tpu.enqueue_dma source(%dma_start3A_9 : memref<8192xf32, #tpu.memory_space<hbm>>) target(%arg12 : memref<8192xf32, #tpu.memory_space<vmem>>) target_semaphore(%arg16 : memref<!tpu.dma_semaphore, #tpu.memory_space<semaphore_mem>>)
    %dma_start3A_10 = tpu.memref_slice %arg6[%mul3A_2] : memref<262144xf32, #tpu.memory_space<hbm>> -> memref<8192xf32, #tpu.memory_space<hbm>>
    %dma_start3A_11 = tpu.memref_slice %arg6[%mul3A_2] : memref<262144xf32, #tpu.memory_space<hbm>> -> memref<8192xf32, #tpu.memory_space<hbm>>
    tpu.enqueue_dma source(%dma_start3A_11 : memref<8192xf32, #tpu.memory_space<hbm>>) target(%arg13 : memref<8192xf32, #tpu.memory_space<vmem>>) target_semaphore(%arg16 : memref<!tpu.dma_semaphore, #tpu.memory_space<semaphore_mem>>)
    %broadcast_in_dim3A = arith.constant 0.000000e+00 : f32
    %broadcast_in_dim3A_12 = vector.broadcast %broadcast_in_dim3A : f32 to vector<16xf32>
    %scan3A = arith.constant 0 : i32
    %scan3A_13 = arith.constant 64 : i32
    %scan3A_14 = arith.addi %scan3A, %scan3A_13 : i32
    %scan3A_15 = arith.constant 1 : i32
    scf.for %scan3A_54 = %scan3A to %scan3A_14 step %scan3A_15  : i32 {
      %mul3A_55 = arith.constant 16 : i32
      %mul3A_56 = arith.muli %scan3A_54, %mul3A_55 : i32
      %add3A_57 = arith.constant 0 : i32
      %add3A_58 = arith.addi %add3A_57, %mul3A_56 : i32
      %swap3A_59 = arith.index_cast %add3A_58 : i32 to index
      %swap3A_60 = tpu.vector_load %arg14[%swap3A_59] {strides = array<i32>} : memref<1024xf32, #tpu.memory_space<vmem>>, vector<16xf32>,
      tpu.vector_store %arg14[%swap3A_59], %broadcast_in_dim3A_12 {strides = array<i32>} : memref<1024xf32, #tpu.memory_space<vmem>>, vector<16xf32>,
    }
    %scan3A_16 = arith.constant 64 : i32
    %swap3A = arith.constant 0 : index
    %swap3A_17 = tpu.vector_load %arg15[%swap3A] {strides = array<i32>} : memref<48xf32, #tpu.memory_space<vmem>>, vector<16xf32>,
    tpu.vector_store %arg15[%swap3A], %broadcast_in_dim3A_12 {strides = array<i32>} : memref<48xf32, #tpu.memory_space<vmem>>, vector<16xf32>,
    %swap3A_18 = arith.constant 16 : index
    %swap3A_19 = tpu.vector_load %arg15[%swap3A_18] {strides = array<i32>} : memref<48xf32, #tpu.memory_space<vmem>>, vector<16xf32>,
    tpu.vector_store %arg15[%swap3A_18], %broadcast_in_dim3A_12 {strides = array<i32>} : memref<48xf32, #tpu.memory_space<vmem>>, vector<16xf32>,
    %swap3A_20 = arith.constant 32 : index
    %swap3A_21 = tpu.vector_load %arg15[%swap3A_20] {strides = array<i32>} : memref<48xf32, #tpu.memory_space<vmem>>, vector<16xf32>,
    tpu.vector_store %arg15[%swap3A_20], %broadcast_in_dim3A_12 {strides = array<i32>} : memref<48xf32, #tpu.memory_space<vmem>>, vector<16xf32>,
    %dma_wait3A = tpu.memref_slice %arg2[%mul3A_2] : memref<262144xi32, #tpu.memory_space<hbm>> -> memref<8192xi32, #tpu.memory_space<hbm>>
    %dma_wait3A_22 = tpu.memref_slice %arg2[%mul3A_2] : memref<262144xi32, #tpu.memory_space<hbm>> -> memref<8192xi32, #tpu.memory_space<hbm>>
    tpu.wait_dma2 semaphore(%arg16 : memref<!tpu.dma_semaphore, #tpu.memory_space<semaphore_mem>>) src(%dma_wait3A_22 : memref<8192xi32, #tpu.memory_space<hbm>>) dst(%arg9 : memref<8192xi32, #tpu.memory_space<vmem>>)
    %dma_wait3A_23 = tpu.memref_slice %arg3[%mul3A_2] : memref<262144xf32, #tpu.memory_space<hbm>> -> memref<8192xf32, #tpu.memory_space<hbm>>
    %dma_wait3A_24 = tpu.memref_slice %arg3[%mul3A_2] : memref<262144xf32, #tpu.memory_space<hbm>> -> memref<8192xf32, #tpu.memory_space<hbm>>
    tpu.wait_dma2 semaphore(%arg16 : memref<!tpu.dma_semaphore, #tpu.memory_space<semaphore_mem>>) src(%dma_wait3A_24 : memref<8192xf32, #tpu.memory_space<hbm>>) dst(%arg10 : memref<8192xf32, #tpu.memory_space<vmem>>)
    %dma_wait3A_25 = tpu.memref_slice %arg4[%mul3A_2] : memref<262144xf32, #tpu.memory_space<hbm>> -> memref<8192xf32, #tpu.memory_space<hbm>>
    %dma_wait3A_26 = tpu.memref_slice %arg4[%mul3A_2] : memref<262144xf32, #tpu.memory_space<hbm>> -> memref<8192xf32, #tpu.memory_space<hbm>>
    tpu.wait_dma2 semaphore(%arg16 : memref<!tpu.dma_semaphore, #tpu.memory_space<semaphore_mem>>) src(%dma_wait3A_26 : memref<8192xf32, #tpu.memory_space<hbm>>) dst(%arg11 : memref<8192xf32, #tpu.memory_space<vmem>>)
    %dma_wait3A_27 = tpu.memref_slice %arg5[%mul3A_2] : memref<262144xf32, #tpu.memory_space<hbm>> -> memref<8192xf32, #tpu.memory_space<hbm>>
    %dma_wait3A_28 = tpu.memref_slice %arg5[%mul3A_2] : memref<262144xf32, #tpu.memory_space<hbm>> -> memref<8192xf32, #tpu.memory_space<hbm>>
    tpu.wait_dma2 semaphore(%arg16 : memref<!tpu.dma_semaphore, #tpu.memory_space<semaphore_mem>>) src(%dma_wait3A_28 : memref<8192xf32, #tpu.memory_space<hbm>>) dst(%arg12 : memref<8192xf32, #tpu.memory_space<vmem>>)
    %dma_wait3A_29 = tpu.memref_slice %arg6[%mul3A_2] : memref<262144xf32, #tpu.memory_space<hbm>> -> memref<8192xf32, #tpu.memory_space<hbm>>
    %dma_wait3A_30 = tpu.memref_slice %arg6[%mul3A_2] : memref<262144xf32, #tpu.memory_space<hbm>> -> memref<8192xf32, #tpu.memory_space<hbm>>
    tpu.wait_dma2 semaphore(%arg16 : memref<!tpu.dma_semaphore, #tpu.memory_space<semaphore_mem>>) src(%dma_wait3A_30 : memref<8192xf32, #tpu.memory_space<hbm>>) dst(%arg13 : memref<8192xf32, #tpu.memory_space<vmem>>)
    %iota3A = tpu.iota {dimensions = array<i32: 0>} : vector<16xi32>
    %eq3A = arith.constant 15 : i32
    %eq3A_31 = vector.broadcast %eq3A : i32 to vector<16xi32>
    %eq3A_32 = arith.cmpi eq, %iota3A, %eq3A_31 : vector<16xi32>
    %eq3A_33 = arith.constant 0 : i32
    %eq3A_34 = vector.broadcast %eq3A_33 : i32 to vector<16xi32>
    %eq3A_35 = arith.cmpi eq, %iota3A, %eq3A_34 : vector<16xi32>
    %add3A_36 = arith.constant 1 : i32
    %add3A_37 = vector.broadcast %add3A_36 : i32 to vector<16xi32>
    %add3A_38 = arith.addi %iota3A, %add3A_37 : vector<16xi32>
    %min3A = arith.constant 15 : i32
    %min3A_39 = vector.broadcast %min3A : i32 to vector<16xi32>
    %min3A_40 = arith.minsi %add3A_38, %min3A_39 : vector<16xi32>
    %sub3A = arith.constant 1 : i32
    %sub3A_41 = vector.broadcast %sub3A : i32 to vector<16xi32>
    %sub3A_42 = arith.subi %iota3A, %sub3A_41 : vector<16xi32>
    %max3A = arith.constant 0 : i32
    %max3A_43 = vector.broadcast %max3A : i32 to vector<16xi32>
    %max3A_44 = arith.maxsi %sub3A_42, %max3A_43 : vector<16xi32>
    %scan3A_45 = arith.constant 0 : i32
    %scan3A_46 = arith.constant 512 : i32
    %scan3A_47 = arith.addi %scan3A_45, %scan3A_46 : i32
    %scan3A_48 = arith.constant 1 : i32
    scf.for %scan3A_54 = %scan3A_45 to %scan3A_47 step %scan3A_48  : i32 {
      %mul3A_55 = arith.constant 16 : i32
      %mul3A_56 = arith.muli %scan3A_54, %mul3A_55 : i32
      %add3A_57 = arith.constant 0 : i32
      %add3A_58 = arith.addi %add3A_57, %mul3A_56 : i32
      %get3A = arith.index_cast %add3A_58 : i32 to index
      %get3A_59 = tpu.vector_load %arg9[%get3A] {strides = array<i32>} : memref<8192xi32, #tpu.memory_space<vmem>>, vector<16xi32>,
      %get3A_60 = arith.index_cast %add3A_58 : i32 to index
      %get3A_61 = tpu.vector_load %arg10[%get3A_60] {strides = array<i32>} : memref<8192xf32, #tpu.memory_space<vmem>>, vector<16xf32>,
      %get3A_62 = arith.index_cast %add3A_58 : i32 to index
      %get3A_63 = tpu.vector_load %arg11[%get3A_62] {strides = array<i32>} : memref<8192xf32, #tpu.memory_space<vmem>>, vector<16xf32>,
      %get3A_64 = arith.index_cast %add3A_58 : i32 to index
      %get3A_65 = tpu.vector_load %arg12[%get3A_64] {strides = array<i32>} : memref<8192xf32, #tpu.memory_space<vmem>>, vector<16xf32>,
      %get3A_66 = arith.index_cast %add3A_58 : i32 to index
      %get3A_67 = tpu.vector_load %arg13[%get3A_66] {strides = array<i32>} : memref<8192xf32, #tpu.memory_space<vmem>>, vector<16xf32>,
      %mul3A_68 = arith.constant 5.000000e-01 : f32
      %mul3A_69 = vector.broadcast %mul3A_68 : f32 to vector<16xf32>
      %mul3A_70 = arith.mulf %mul3A_69, %get3A_67 : vector<16xf32>
      %mul3A_71 = arith.mulf %get3A_61, %get3A_61 : vector<16xf32>
      %mul3A_72 = arith.mulf %get3A_63, %get3A_63 : vector<16xf32>
      %add3A_73 = arith.addf %mul3A_71, %mul3A_72 : vector<16xf32>
      %mul3A_74 = arith.mulf %get3A_65, %get3A_65 : vector<16xf32>
      %add3A_75 = arith.addf %add3A_73, %mul3A_74 : vector<16xf32>
      %mul3A_76 = arith.mulf %mul3A_70, %add3A_75 : vector<16xf32>
      %add3A_77 = vector.broadcast %add3A_58 : i32 to vector<16xi32>
      %add3A_78 = arith.addi %add3A_77, %min3A_40 : vector<16xi32>
      %gather3A = tpu.vector_load_idx %arg9[%add3A_78] : memref<8192xi32, #tpu.memory_space<vmem>>[vector<16xi32>], vector<16xi32>,
      %add3A_79 = vector.broadcast %add3A_58 : i32 to vector<16xi32>
      %add3A_80 = arith.addi %add3A_79, %max3A_44 : vector<16xi32>
      %gather3A_81 = tpu.vector_load_idx %arg9[%add3A_80] : memref<8192xi32, #tpu.memory_space<vmem>>[vector<16xi32>], vector<16xi32>,
      %ne3A = arith.cmpi ne, %get3A_59, %gather3A : vector<16xi32>
      %or3A = arith.ori %ne3A, %eq3A_32 : vector<16xi1>
      %ne3A_82 = arith.cmpi ne, %get3A_59, %gather3A_81 : vector<16xi32>
      %or3A_83 = arith.ori %ne3A_82, %eq3A_35 : vector<16xi1>
      %broadcast_in_dim3A_84 = arith.constant true
      %broadcast_in_dim3A_85 = vector.broadcast %broadcast_in_dim3A_84 : i1 to vector<16xi1>
      %masked_cumsum3A = tpu.scan <sum>, %mul3A_76 masked %broadcast_in_dim3A_85 : vector<16xf32>, vector<16xi1> -> vector<16xf32>
      tpu.vector_store_idx %arg14[%get3A_59], %masked_cumsum3A masked %or3A {add = true} : memref<1024xf32, #tpu.memory_space<vmem>>[vector<16xi32>], vector<16xf32>, vector<16xi1>
      %sub3A_86 = arith.subf %mul3A_76, %masked_cumsum3A : vector<16xf32>
      tpu.vector_store_idx %arg14[%get3A_59], %sub3A_86 masked %or3A_83 {add = true} : memref<1024xf32, #tpu.memory_space<vmem>>[vector<16xi32>], vector<16xf32>, vector<16xi1>
      %bitcast_convert_type3A = tpu.bitcast %get3A_67 : vector<16xf32> -> vector<16xi32>
      %shift_right_arithmetic3A = arith.constant 16 : i32
      %shift_right_arithmetic3A_87 = vector.broadcast %shift_right_arithmetic3A : i32 to vector<16xi32>
      %shift_right_arithmetic3A_88 = arith.shrsi %bitcast_convert_type3A, %shift_right_arithmetic3A_87 : vector<16xi32>
      %and3A = arith.constant 1 : i32
      %and3A_89 = vector.broadcast %and3A : i32 to vector<16xi32>
      %and3A_90 = arith.andi %shift_right_arithmetic3A_88, %and3A_89 : vector<16xi32>
      %add3A_91 = arith.addi %bitcast_convert_type3A, %and3A_90 : vector<16xi32>
      %add3A_92 = arith.constant 32767 : i32
      %add3A_93 = vector.broadcast %add3A_92 : i32 to vector<16xi32>
      %add3A_94 = arith.addi %add3A_91, %add3A_93 : vector<16xi32>
      %and3A_95 = arith.constant -65536 : i32
      %and3A_96 = vector.broadcast %and3A_95 : i32 to vector<16xi32>
      %and3A_97 = arith.andi %add3A_94, %and3A_96 : vector<16xi32>
      %bitcast_convert_type3A_98 = tpu.bitcast %and3A_97 : vector<16xi32> -> vector<16xf32>
      %get3A_99 = arith.constant 0 : index
      %get3A_100 = tpu.vector_load %arg15[%get3A_99] {strides = array<i32>} : memref<48xf32, #tpu.memory_space<vmem>>, vector<16xf32>,
      %bitcast_convert_type3A_101 = tpu.bitcast %get3A_61 : vector<16xf32> -> vector<16xi32>
      %shift_right_arithmetic3A_102 = arith.constant 16 : i32
      %shift_right_arithmetic3A_103 = vector.broadcast %shift_right_arithmetic3A_102 : i32 to vector<16xi32>
      %shift_right_arithmetic3A_104 = arith.shrsi %bitcast_convert_type3A_101, %shift_right_arithmetic3A_103 : vector<16xi32>
      %and3A_105 = arith.constant 1 : i32
      %and3A_106 = vector.broadcast %and3A_105 : i32 to vector<16xi32>
      %and3A_107 = arith.andi %shift_right_arithmetic3A_104, %and3A_106 : vector<16xi32>
      %add3A_108 = arith.addi %bitcast_convert_type3A_101, %and3A_107 : vector<16xi32>
      %add3A_109 = arith.constant 32767 : i32
      %add3A_110 = vector.broadcast %add3A_109 : i32 to vector<16xi32>
      %add3A_111 = arith.addi %add3A_108, %add3A_110 : vector<16xi32>
      %and3A_112 = arith.constant -65536 : i32
      %and3A_113 = vector.broadcast %and3A_112 : i32 to vector<16xi32>
      %and3A_114 = arith.andi %add3A_111, %and3A_113 : vector<16xi32>
      %bitcast_convert_type3A_115 = tpu.bitcast %and3A_114 : vector<16xi32> -> vector<16xf32>
      %mul3A_116 = arith.mulf %bitcast_convert_type3A_98, %bitcast_convert_type3A_115 : vector<16xf32>
      %add3A_117 = arith.addf %get3A_100, %mul3A_116 : vector<16xf32>
      %swap3A_118 = arith.constant 0 : index
      %swap3A_119 = tpu.vector_load %arg15[%swap3A_118] {strides = array<i32>} : memref<48xf32, #tpu.memory_space<vmem>>, vector<16xf32>,
      tpu.vector_store %arg15[%swap3A_118], %add3A_117 {strides = array<i32>} : memref<48xf32, #tpu.memory_space<vmem>>, vector<16xf32>,
      %get3A_120 = arith.constant 16 : index
      %get3A_121 = tpu.vector_load %arg15[%get3A_120] {strides = array<i32>} : memref<48xf32, #tpu.memory_space<vmem>>, vector<16xf32>,
      %bitcast_convert_type3A_122 = tpu.bitcast %get3A_63 : vector<16xf32> -> vector<16xi32>
      %shift_right_arithmetic3A_123 = arith.constant 16 : i32
      %shift_right_arithmetic3A_124 = vector.broadcast %shift_right_arithmetic3A_123 : i32 to vector<16xi32>
      %shift_right_arithmetic3A_125 = arith.shrsi %bitcast_convert_type3A_122, %shift_right_arithmetic3A_124 : vector<16xi32>
      %and3A_126 = arith.constant 1 : i32
      %and3A_127 = vector.broadcast %and3A_126 : i32 to vector<16xi32>
      %and3A_128 = arith.andi %shift_right_arithmetic3A_125, %and3A_127 : vector<16xi32>
      %add3A_129 = arith.addi %bitcast_convert_type3A_122, %and3A_128 : vector<16xi32>
      %add3A_130 = arith.constant 32767 : i32
      %add3A_131 = vector.broadcast %add3A_130 : i32 to vector<16xi32>
      %add3A_132 = arith.addi %add3A_129, %add3A_131 : vector<16xi32>
      %and3A_133 = arith.constant -65536 : i32
      %and3A_134 = vector.broadcast %and3A_133 : i32 to vector<16xi32>
      %and3A_135 = arith.andi %add3A_132, %and3A_134 : vector<16xi32>
      %bitcast_convert_type3A_136 = tpu.bitcast %and3A_135 : vector<16xi32> -> vector<16xf32>
      %mul3A_137 = arith.mulf %bitcast_convert_type3A_98, %bitcast_convert_type3A_136 : vector<16xf32>
      %add3A_138 = arith.addf %get3A_121, %mul3A_137 : vector<16xf32>
      %swap3A_139 = arith.constant 16 : index
      %swap3A_140 = tpu.vector_load %arg15[%swap3A_139] {strides = array<i32>} : memref<48xf32, #tpu.memory_space<vmem>>, vector<16xf32>,
      tpu.vector_store %arg15[%swap3A_139], %add3A_138 {strides = array<i32>} : memref<48xf32, #tpu.memory_space<vmem>>, vector<16xf32>,
      %get3A_141 = arith.constant 32 : index
      %get3A_142 = tpu.vector_load %arg15[%get3A_141] {strides = array<i32>} : memref<48xf32, #tpu.memory_space<vmem>>, vector<16xf32>,
      %bitcast_convert_type3A_143 = tpu.bitcast %get3A_65 : vector<16xf32> -> vector<16xi32>
      %shift_right_arithmetic3A_144 = arith.constant 16 : i32
      %shift_right_arithmetic3A_145 = vector.broadcast %shift_right_arithmetic3A_144 : i32 to vector<16xi32>
      %shift_right_arithmetic3A_146 = arith.shrsi %bitcast_convert_type3A_143, %shift_right_arithmetic3A_145 : vector<16xi32>
      %and3A_147 = arith.constant 1 : i32
      %and3A_148 = vector.broadcast %and3A_147 : i32 to vector<16xi32>
      %and3A_149 = arith.andi %shift_right_arithmetic3A_146, %and3A_148 : vector<16xi32>
      %add3A_150 = arith.addi %bitcast_convert_type3A_143, %and3A_149 : vector<16xi32>
      %add3A_151 = arith.constant 32767 : i32
      %add3A_152 = vector.broadcast %add3A_151 : i32 to vector<16xi32>
      %add3A_153 = arith.addi %add3A_150, %add3A_152 : vector<16xi32>
      %and3A_154 = arith.constant -65536 : i32
      %and3A_155 = vector.broadcast %and3A_154 : i32 to vector<16xi32>
      %and3A_156 = arith.andi %add3A_153, %and3A_155 : vector<16xi32>
      %bitcast_convert_type3A_157 = tpu.bitcast %and3A_156 : vector<16xi32> -> vector<16xf32>
      %mul3A_158 = arith.mulf %bitcast_convert_type3A_98, %bitcast_convert_type3A_157 : vector<16xf32>
      %add3A_159 = arith.addf %get3A_142, %mul3A_158 : vector<16xf32>
      %swap3A_160 = arith.constant 32 : index
      %swap3A_161 = tpu.vector_load %arg15[%swap3A_160] {strides = array<i32>} : memref<48xf32, #tpu.memory_space<vmem>>, vector<16xf32>,
      tpu.vector_store %arg15[%swap3A_160], %add3A_159 {strides = array<i32>} : memref<48xf32, #tpu.memory_space<vmem>>, vector<16xf32>,
    }
    %scan3A_49 = arith.constant 512 : i32
    %mul3A_50 = arith.constant 1024 : i32
    %mul3A_51 = arith.muli %add3A, %mul3A_50 : i32
    "tpu.region"() ({
      %run_scoped3A = tpu.sem_alloc : memref<!tpu.dma_semaphore, #tpu.memory_space<semaphore_mem>>
      %dma_start3A_54 = tpu.memref_slice %arg7[%mul3A_51] : memref<32768xf32, #tpu.memory_space<hbm>> -> memref<1024xf32, #tpu.memory_space<hbm>>
      %dma_start3A_55 = tpu.memref_slice %arg7[%mul3A_51] : memref<32768xf32, #tpu.memory_space<hbm>> -> memref<1024xf32, #tpu.memory_space<hbm>>
      tpu.enqueue_dma source(%arg14 : memref<1024xf32, #tpu.memory_space<vmem>>) target(%dma_start3A_55 : memref<1024xf32, #tpu.memory_space<hbm>>) target_semaphore(%run_scoped3A : memref<!tpu.dma_semaphore, #tpu.memory_space<semaphore_mem>>)
      %dma_wait3A_56 = tpu.memref_slice %arg7[%mul3A_51] : memref<32768xf32, #tpu.memory_space<hbm>> -> memref<1024xf32, #tpu.memory_space<hbm>>
      %dma_wait3A_57 = tpu.memref_slice %arg7[%mul3A_51] : memref<32768xf32, #tpu.memory_space<hbm>> -> memref<1024xf32, #tpu.memory_space<hbm>>
      tpu.wait_dma2 semaphore(%run_scoped3A : memref<!tpu.dma_semaphore, #tpu.memory_space<semaphore_mem>>) src(%arg14 : memref<1024xf32, #tpu.memory_space<vmem>>) dst(%dma_wait3A_57 : memref<1024xf32, #tpu.memory_space<hbm>>)
      tpu.yield
    }) : () -> ()
    %mul3A_52 = arith.constant 48 : i32
    %mul3A_53 = arith.muli %add3A, %mul3A_52 : i32
    "tpu.region"() ({
      %run_scoped3A = tpu.sem_alloc : memref<!tpu.dma_semaphore, #tpu.memory_space<semaphore_mem>>
      %dma_start3A_54 = tpu.memref_slice %arg8[%mul3A_53] : memref<1536xf32, #tpu.memory_space<hbm>> -> memref<48xf32, #tpu.memory_space<hbm>>
      %dma_start3A_55 = tpu.memref_slice %arg8[%mul3A_53] : memref<1536xf32, #tpu.memory_space<hbm>> -> memref<48xf32, #tpu.memory_space<hbm>>
      tpu.enqueue_dma source(%arg15 : memref<48xf32, #tpu.memory_space<vmem>>) target(%dma_start3A_55 : memref<48xf32, #tpu.memory_space<hbm>>) target_semaphore(%run_scoped3A : memref<!tpu.dma_semaphore, #tpu.memory_space<semaphore_mem>>)
      %dma_wait3A_56 = tpu.memref_slice %arg8[%mul3A_53] : memref<1536xf32, #tpu.memory_space<hbm>> -> memref<48xf32, #tpu.memory_space<hbm>>
      %dma_wait3A_57 = tpu.memref_slice %arg8[%mul3A_53] : memref<1536xf32, #tpu.memory_space<hbm>> -> memref<48xf32, #tpu.memory_space<hbm>>
      tpu.wait_dma2 semaphore(%run_scoped3A : memref<!tpu.dma_semaphore, #tpu.memory_space<semaphore_mem>>) src(%arg15 : memref<48xf32, #tpu.memory_space<vmem>>) dst(%dma_wait3A_57 : memref<48xf32, #tpu.memory_space<hbm>>)
      tpu.yield
    }) : () -> ()
    return
  }
}

#map = affine_map<(d0, d1) -> (0)>
module attributes {stable_mosaic.version = 14 : i64} {
  func.func @_ec_gather(%arg0: i32, %arg1: i32, %arg2: memref<32768xf32, #tpu.memory_space<hbm>>, %arg3: memref<32768xf32, #tpu.memory_space<hbm>>, %arg4: memref<1536xf32, #tpu.memory_space<hbm>>, %arg5: memref<1024xf32, #tpu.memory_space<hbm>>, %arg6: memref<262144xi32, #tpu.memory_space<hbm>>, %arg7: memref<1024xf32, #tpu.memory_space<hbm>>, %arg8: memref<48xf32, #tpu.memory_space<hbm>>, %arg9: memref<262144xf32, #tpu.memory_space<hbm>>, %arg10: memref<32768xf32, #tpu.memory_space<vmem>>, %arg11: memref<32768xf32, #tpu.memory_space<vmem>>, %arg12: memref<1536xf32, #tpu.memory_space<vmem>>, %arg13: memref<1024xf32, #tpu.memory_space<vmem>>, %arg14: memref<1024xf32, #tpu.memory_space<vmem>>, %arg15: memref<48xf32, #tpu.memory_space<vmem>>, %arg16: memref<8192xi32, #tpu.memory_space<vmem>>, %arg17: memref<8192xf32, #tpu.memory_space<vmem>>, %arg18: memref<!tpu.dma_semaphore, #tpu.memory_space<semaphore_mem>>) attributes {dimension_semantics = [#tpu.dimension_semantics<core_parallel>, #tpu.dimension_semantics<subcore_parallel>], iteration_bounds = array<i64: 2, 16>, scalar_prefetch = 0 : i64, scratch_operands = 9 : i64, tpu.core_type = #tpu.core_type<sc_vector_subcore>, window_params = [{transform_indices = #map}, {transform_indices = #map}, {transform_indices = #map}, {transform_indices = #map}, {transform_indices = #map}, {transform_indices = #map}, {transform_indices = #map}, {transform_indices = #map}]} {
    %mul3A = arith.constant 16 : i32
    %mul3A_0 = arith.muli %arg0, %mul3A : i32
    %add3A = arith.addi %mul3A_0, %arg1 : i32
    %mul3A_1 = arith.constant 8192 : i32
    %mul3A_2 = arith.muli %add3A, %mul3A_1 : i32
    %dma_start3A = tpu.memref_slice %arg6[%mul3A_2] : memref<262144xi32, #tpu.memory_space<hbm>> -> memref<8192xi32, #tpu.memory_space<hbm>>
    %dma_start3A_3 = tpu.memref_slice %arg6[%mul3A_2] : memref<262144xi32, #tpu.memory_space<hbm>> -> memref<8192xi32, #tpu.memory_space<hbm>>
    tpu.enqueue_dma source(%dma_start3A_3 : memref<8192xi32, #tpu.memory_space<hbm>>) target(%arg16 : memref<8192xi32, #tpu.memory_space<vmem>>) target_semaphore(%arg18 : memref<!tpu.dma_semaphore, #tpu.memory_space<semaphore_mem>>)
    tpu.enqueue_dma source(%arg2 : memref<32768xf32, #tpu.memory_space<hbm>>) target(%arg10 : memref<32768xf32, #tpu.memory_space<vmem>>) target_semaphore(%arg18 : memref<!tpu.dma_semaphore, #tpu.memory_space<semaphore_mem>>)
    tpu.enqueue_dma source(%arg3 : memref<32768xf32, #tpu.memory_space<hbm>>) target(%arg11 : memref<32768xf32, #tpu.memory_space<vmem>>) target_semaphore(%arg18 : memref<!tpu.dma_semaphore, #tpu.memory_space<semaphore_mem>>)
    tpu.enqueue_dma source(%arg4 : memref<1536xf32, #tpu.memory_space<hbm>>) target(%arg12 : memref<1536xf32, #tpu.memory_space<vmem>>) target_semaphore(%arg18 : memref<!tpu.dma_semaphore, #tpu.memory_space<semaphore_mem>>)
    tpu.enqueue_dma source(%arg5 : memref<1024xf32, #tpu.memory_space<hbm>>) target(%arg13 : memref<1024xf32, #tpu.memory_space<vmem>>) target_semaphore(%arg18 : memref<!tpu.dma_semaphore, #tpu.memory_space<semaphore_mem>>)
    %dma_wait3A = tpu.memref_slice %arg6[%mul3A_2] : memref<262144xi32, #tpu.memory_space<hbm>> -> memref<8192xi32, #tpu.memory_space<hbm>>
    %dma_wait3A_4 = tpu.memref_slice %arg6[%mul3A_2] : memref<262144xi32, #tpu.memory_space<hbm>> -> memref<8192xi32, #tpu.memory_space<hbm>>
    tpu.wait_dma2 semaphore(%arg18 : memref<!tpu.dma_semaphore, #tpu.memory_space<semaphore_mem>>) src(%dma_wait3A_4 : memref<8192xi32, #tpu.memory_space<hbm>>) dst(%arg16 : memref<8192xi32, #tpu.memory_space<vmem>>)
    tpu.wait_dma2 semaphore(%arg18 : memref<!tpu.dma_semaphore, #tpu.memory_space<semaphore_mem>>) src(%arg2 : memref<32768xf32, #tpu.memory_space<hbm>>) dst(%arg10 : memref<32768xf32, #tpu.memory_space<vmem>>)
    tpu.wait_dma2 semaphore(%arg18 : memref<!tpu.dma_semaphore, #tpu.memory_space<semaphore_mem>>) src(%arg3 : memref<32768xf32, #tpu.memory_space<hbm>>) dst(%arg11 : memref<32768xf32, #tpu.memory_space<vmem>>)
    tpu.wait_dma2 semaphore(%arg18 : memref<!tpu.dma_semaphore, #tpu.memory_space<semaphore_mem>>) src(%arg4 : memref<1536xf32, #tpu.memory_space<hbm>>) dst(%arg12 : memref<1536xf32, #tpu.memory_space<vmem>>)
    tpu.wait_dma2 semaphore(%arg18 : memref<!tpu.dma_semaphore, #tpu.memory_space<semaphore_mem>>) src(%arg5 : memref<1024xf32, #tpu.memory_space<hbm>>) dst(%arg13 : memref<1024xf32, #tpu.memory_space<vmem>>)
    %broadcast_in_dim3A = arith.constant 0.000000e+00 : f32
    %broadcast_in_dim3A_5 = vector.broadcast %broadcast_in_dim3A : f32 to vector<16xf32>
    %get3A = arith.constant 0 : index
    %get3A_6 = tpu.vector_load %arg12[%get3A] {strides = array<i32>} : memref<1536xf32, #tpu.memory_space<vmem>>, vector<16xf32>,
    %add3A_7 = arith.addf %broadcast_in_dim3A_5, %get3A_6 : vector<16xf32>
    %get3A_8 = arith.constant 16 : index
    %get3A_9 = tpu.vector_load %arg12[%get3A_8] {strides = array<i32>} : memref<1536xf32, #tpu.memory_space<vmem>>, vector<16xf32>,
    %add3A_10 = arith.addf %broadcast_in_dim3A_5, %get3A_9 : vector<16xf32>
    %get3A_11 = arith.constant 32 : index
    %get3A_12 = tpu.vector_load %arg12[%get3A_11] {strides = array<i32>} : memref<1536xf32, #tpu.memory_space<vmem>>, vector<16xf32>,
    %add3A_13 = arith.addf %broadcast_in_dim3A_5, %get3A_12 : vector<16xf32>
    %get3A_14 = arith.constant 48 : index
    %get3A_15 = tpu.vector_load %arg12[%get3A_14] {strides = array<i32>} : memref<1536xf32, #tpu.memory_space<vmem>>, vector<16xf32>,
    %add3A_16 = arith.addf %add3A_7, %get3A_15 : vector<16xf32>
    %get3A_17 = arith.constant 64 : index
    %get3A_18 = tpu.vector_load %arg12[%get3A_17] {strides = array<i32>} : memref<1536xf32, #tpu.memory_space<vmem>>, vector<16xf32>,
    %add3A_19 = arith.addf %add3A_10, %get3A_18 : vector<16xf32>
    %get3A_20 = arith.constant 80 : index
    %get3A_21 = tpu.vector_load %arg12[%get3A_20] {strides = array<i32>} : memref<1536xf32, #tpu.memory_space<vmem>>, vector<16xf32>,
    %add3A_22 = arith.addf %add3A_13, %get3A_21 : vector<16xf32>
    %get3A_23 = arith.constant 96 : index
    %get3A_24 = tpu.vector_load %arg12[%get3A_23] {strides = array<i32>} : memref<1536xf32, #tpu.memory_space<vmem>>, vector<16xf32>,
    %add3A_25 = arith.addf %add3A_16, %get3A_24 : vector<16xf32>
    %get3A_26 = arith.constant 112 : index
    %get3A_27 = tpu.vector_load %arg12[%get3A_26] {strides = array<i32>} : memref<1536xf32, #tpu.memory_space<vmem>>, vector<16xf32>,
    %add3A_28 = arith.addf %add3A_19, %get3A_27 : vector<16xf32>
    %get3A_29 = arith.constant 128 : index
    %get3A_30 = tpu.vector_load %arg12[%get3A_29] {strides = array<i32>} : memref<1536xf32, #tpu.memory_space<vmem>>, vector<16xf32>,
    %add3A_31 = arith.addf %add3A_22, %get3A_30 : vector<16xf32>
    %get3A_32 = arith.constant 144 : index
    %get3A_33 = tpu.vector_load %arg12[%get3A_32] {strides = array<i32>} : memref<1536xf32, #tpu.memory_space<vmem>>, vector<16xf32>,
    %add3A_34 = arith.addf %add3A_25, %get3A_33 : vector<16xf32>
    %get3A_35 = arith.constant 160 : index
    %get3A_36 = tpu.vector_load %arg12[%get3A_35] {strides = array<i32>} : memref<1536xf32, #tpu.memory_space<vmem>>, vector<16xf32>,
    %add3A_37 = arith.addf %add3A_28, %get3A_36 : vector<16xf32>
    %get3A_38 = arith.constant 176 : index
    %get3A_39 = tpu.vector_load %arg12[%get3A_38] {strides = array<i32>} : memref<1536xf32, #tpu.memory_space<vmem>>, vector<16xf32>,
    %add3A_40 = arith.addf %add3A_31, %get3A_39 : vector<16xf32>
    %get3A_41 = arith.constant 192 : index
    %get3A_42 = tpu.vector_load %arg12[%get3A_41] {strides = array<i32>} : memref<1536xf32, #tpu.memory_space<vmem>>, vector<16xf32>,
    %add3A_43 = arith.addf %add3A_34, %get3A_42 : vector<16xf32>
    %get3A_44 = arith.constant 208 : index
    %get3A_45 = tpu.vector_load %arg12[%get3A_44] {strides = array<i32>} : memref<1536xf32, #tpu.memory_space<vmem>>, vector<16xf32>,
    %add3A_46 = arith.addf %add3A_37, %get3A_45 : vector<16xf32>
    %get3A_47 = arith.constant 224 : index
    %get3A_48 = tpu.vector_load %arg12[%get3A_47] {strides = array<i32>} : memref<1536xf32, #tpu.memory_space<vmem>>, vector<16xf32>,
    %add3A_49 = arith.addf %add3A_40, %get3A_48 : vector<16xf32>
    %get3A_50 = arith.constant 240 : index
    %get3A_51 = tpu.vector_load %arg12[%get3A_50] {strides = array<i32>} : memref<1536xf32, #tpu.memory_space<vmem>>, vector<16xf32>,
    %add3A_52 = arith.addf %add3A_43, %get3A_51 : vector<16xf32>
    %get3A_53 = arith.constant 256 : index
    %get3A_54 = tpu.vector_load %arg12[%get3A_53] {strides = array<i32>} : memref<1536xf32, #tpu.memory_space<vmem>>, vector<16xf32>,
    %add3A_55 = arith.addf %add3A_46, %get3A_54 : vector<16xf32>
    %get3A_56 = arith.constant 272 : index
    %get3A_57 = tpu.vector_load %arg12[%get3A_56] {strides = array<i32>} : memref<1536xf32, #tpu.memory_space<vmem>>, vector<16xf32>,
    %add3A_58 = arith.addf %add3A_49, %get3A_57 : vector<16xf32>
    %get3A_59 = arith.constant 288 : index
    %get3A_60 = tpu.vector_load %arg12[%get3A_59] {strides = array<i32>} : memref<1536xf32, #tpu.memory_space<vmem>>, vector<16xf32>,
    %add3A_61 = arith.addf %add3A_52, %get3A_60 : vector<16xf32>
    %get3A_62 = arith.constant 304 : index
    %get3A_63 = tpu.vector_load %arg12[%get3A_62] {strides = array<i32>} : memref<1536xf32, #tpu.memory_space<vmem>>, vector<16xf32>,
    %add3A_64 = arith.addf %add3A_55, %get3A_63 : vector<16xf32>
    %get3A_65 = arith.constant 320 : index
    %get3A_66 = tpu.vector_load %arg12[%get3A_65] {strides = array<i32>} : memref<1536xf32, #tpu.memory_space<vmem>>, vector<16xf32>,
    %add3A_67 = arith.addf %add3A_58, %get3A_66 : vector<16xf32>
    %get3A_68 = arith.constant 336 : index
    %get3A_69 = tpu.vector_load %arg12[%get3A_68] {strides = array<i32>} : memref<1536xf32, #tpu.memory_space<vmem>>, vector<16xf32>,
    %add3A_70 = arith.addf %add3A_61, %get3A_69 : vector<16xf32>
    %get3A_71 = arith.constant 352 : index
    %get3A_72 = tpu.vector_load %arg12[%get3A_71] {strides = array<i32>} : memref<1536xf32, #tpu.memory_space<vmem>>, vector<16xf32>,
    %add3A_73 = arith.addf %add3A_64, %get3A_72 : vector<16xf32>
    %get3A_74 = arith.constant 368 : index
    %get3A_75 = tpu.vector_load %arg12[%get3A_74] {strides = array<i32>} : memref<1536xf32, #tpu.memory_space<vmem>>, vector<16xf32>,
    %add3A_76 = arith.addf %add3A_67, %get3A_75 : vector<16xf32>
    %get3A_77 = arith.constant 384 : index
    %get3A_78 = tpu.vector_load %arg12[%get3A_77] {strides = array<i32>} : memref<1536xf32, #tpu.memory_space<vmem>>, vector<16xf32>,
    %add3A_79 = arith.addf %add3A_70, %get3A_78 : vector<16xf32>
    %get3A_80 = arith.constant 400 : index
    %get3A_81 = tpu.vector_load %arg12[%get3A_80] {strides = array<i32>} : memref<1536xf32, #tpu.memory_space<vmem>>, vector<16xf32>,
    %add3A_82 = arith.addf %add3A_73, %get3A_81 : vector<16xf32>
    %get3A_83 = arith.constant 416 : index
    %get3A_84 = tpu.vector_load %arg12[%get3A_83] {strides = array<i32>} : memref<1536xf32, #tpu.memory_space<vmem>>, vector<16xf32>,
    %add3A_85 = arith.addf %add3A_76, %get3A_84 : vector<16xf32>
    %get3A_86 = arith.constant 432 : index
    %get3A_87 = tpu.vector_load %arg12[%get3A_86] {strides = array<i32>} : memref<1536xf32, #tpu.memory_space<vmem>>, vector<16xf32>,
    %add3A_88 = arith.addf %add3A_79, %get3A_87 : vector<16xf32>
    %get3A_89 = arith.constant 448 : index
    %get3A_90 = tpu.vector_load %arg12[%get3A_89] {strides = array<i32>} : memref<1536xf32, #tpu.memory_space<vmem>>, vector<16xf32>,
    %add3A_91 = arith.addf %add3A_82, %get3A_90 : vector<16xf32>
    %get3A_92 = arith.constant 464 : index
    %get3A_93 = tpu.vector_load %arg12[%get3A_92] {strides = array<i32>} : memref<1536xf32, #tpu.memory_space<vmem>>, vector<16xf32>,
    %add3A_94 = arith.addf %add3A_85, %get3A_93 : vector<16xf32>
    %get3A_95 = arith.constant 480 : index
    %get3A_96 = tpu.vector_load %arg12[%get3A_95] {strides = array<i32>} : memref<1536xf32, #tpu.memory_space<vmem>>, vector<16xf32>,
    %add3A_97 = arith.addf %add3A_88, %get3A_96 : vector<16xf32>
    %get3A_98 = arith.constant 496 : index
    %get3A_99 = tpu.vector_load %arg12[%get3A_98] {strides = array<i32>} : memref<1536xf32, #tpu.memory_space<vmem>>, vector<16xf32>,
    %add3A_100 = arith.addf %add3A_91, %get3A_99 : vector<16xf32>
    %get3A_101 = arith.constant 512 : index
    %get3A_102 = tpu.vector_load %arg12[%get3A_101] {strides = array<i32>} : memref<1536xf32, #tpu.memory_space<vmem>>, vector<16xf32>,
    %add3A_103 = arith.addf %add3A_94, %get3A_102 : vector<16xf32>
    %get3A_104 = arith.constant 528 : index
    %get3A_105 = tpu.vector_load %arg12[%get3A_104] {strides = array<i32>} : memref<1536xf32, #tpu.memory_space<vmem>>, vector<16xf32>,
    %add3A_106 = arith.addf %add3A_97, %get3A_105 : vector<16xf32>
    %get3A_107 = arith.constant 544 : index
    %get3A_108 = tpu.vector_load %arg12[%get3A_107] {strides = array<i32>} : memref<1536xf32, #tpu.memory_space<vmem>>, vector<16xf32>,
    %add3A_109 = arith.addf %add3A_100, %get3A_108 : vector<16xf32>
    %get3A_110 = arith.constant 560 : index
    %get3A_111 = tpu.vector_load %arg12[%get3A_110] {strides = array<i32>} : memref<1536xf32, #tpu.memory_space<vmem>>, vector<16xf32>,
    %add3A_112 = arith.addf %add3A_103, %get3A_111 : vector<16xf32>
    %get3A_113 = arith.constant 576 : index
    %get3A_114 = tpu.vector_load %arg12[%get3A_113] {strides = array<i32>} : memref<1536xf32, #tpu.memory_space<vmem>>, vector<16xf32>,
    %add3A_115 = arith.addf %add3A_106, %get3A_114 : vector<16xf32>
    %get3A_116 = arith.constant 592 : index
    %get3A_117 = tpu.vector_load %arg12[%get3A_116] {strides = array<i32>} : memref<1536xf32, #tpu.memory_space<vmem>>, vector<16xf32>,
    %add3A_118 = arith.addf %add3A_109, %get3A_117 : vector<16xf32>
    %get3A_119 = arith.constant 608 : index
    %get3A_120 = tpu.vector_load %arg12[%get3A_119] {strides = array<i32>} : memref<1536xf32, #tpu.memory_space<vmem>>, vector<16xf32>,
    %add3A_121 = arith.addf %add3A_112, %get3A_120 : vector<16xf32>
    %get3A_122 = arith.constant 624 : index
    %get3A_123 = tpu.vector_load %arg12[%get3A_122] {strides = array<i32>} : memref<1536xf32, #tpu.memory_space<vmem>>, vector<16xf32>,
    %add3A_124 = arith.addf %add3A_115, %get3A_123 : vector<16xf32>
    %get3A_125 = arith.constant 640 : index
    %get3A_126 = tpu.vector_load %arg12[%get3A_125] {strides = array<i32>} : memref<1536xf32, #tpu.memory_space<vmem>>, vector<16xf32>,
    %add3A_127 = arith.addf %add3A_118, %get3A_126 : vector<16xf32>
    %get3A_128 = arith.constant 656 : index
    %get3A_129 = tpu.vector_load %arg12[%get3A_128] {strides = array<i32>} : memref<1536xf32, #tpu.memory_space<vmem>>, vector<16xf32>,
    %add3A_130 = arith.addf %add3A_121, %get3A_129 : vector<16xf32>
    %get3A_131 = arith.constant 672 : index
    %get3A_132 = tpu.vector_load %arg12[%get3A_131] {strides = array<i32>} : memref<1536xf32, #tpu.memory_space<vmem>>, vector<16xf32>,
    %add3A_133 = arith.addf %add3A_124, %get3A_132 : vector<16xf32>
    %get3A_134 = arith.constant 688 : index
    %get3A_135 = tpu.vector_load %arg12[%get3A_134] {strides = array<i32>} : memref<1536xf32, #tpu.memory_space<vmem>>, vector<16xf32>,
    %add3A_136 = arith.addf %add3A_127, %get3A_135 : vector<16xf32>
    %get3A_137 = arith.constant 704 : index
    %get3A_138 = tpu.vector_load %arg12[%get3A_137] {strides = array<i32>} : memref<1536xf32, #tpu.memory_space<vmem>>, vector<16xf32>,
    %add3A_139 = arith.addf %add3A_130, %get3A_138 : vector<16xf32>
    %get3A_140 = arith.constant 720 : index
    %get3A_141 = tpu.vector_load %arg12[%get3A_140] {strides = array<i32>} : memref<1536xf32, #tpu.memory_space<vmem>>, vector<16xf32>,
    %add3A_142 = arith.addf %add3A_133, %get3A_141 : vector<16xf32>
    %get3A_143 = arith.constant 736 : index
    %get3A_144 = tpu.vector_load %arg12[%get3A_143] {strides = array<i32>} : memref<1536xf32, #tpu.memory_space<vmem>>, vector<16xf32>,
    %add3A_145 = arith.addf %add3A_136, %get3A_144 : vector<16xf32>
    %get3A_146 = arith.constant 752 : index
    %get3A_147 = tpu.vector_load %arg12[%get3A_146] {strides = array<i32>} : memref<1536xf32, #tpu.memory_space<vmem>>, vector<16xf32>,
    %add3A_148 = arith.addf %add3A_139, %get3A_147 : vector<16xf32>
    %get3A_149 = arith.constant 768 : index
    %get3A_150 = tpu.vector_load %arg12[%get3A_149] {strides = array<i32>} : memref<1536xf32, #tpu.memory_space<vmem>>, vector<16xf32>,
    %add3A_151 = arith.addf %add3A_142, %get3A_150 : vector<16xf32>
    %get3A_152 = arith.constant 784 : index
    %get3A_153 = tpu.vector_load %arg12[%get3A_152] {strides = array<i32>} : memref<1536xf32, #tpu.memory_space<vmem>>, vector<16xf32>,
    %add3A_154 = arith.addf %add3A_145, %get3A_153 : vector<16xf32>
    %get3A_155 = arith.constant 800 : index
    %get3A_156 = tpu.vector_load %arg12[%get3A_155] {strides = array<i32>} : memref<1536xf32, #tpu.memory_space<vmem>>, vector<16xf32>,
    %add3A_157 = arith.addf %add3A_148, %get3A_156 : vector<16xf32>
    %get3A_158 = arith.constant 816 : index
    %get3A_159 = tpu.vector_load %arg12[%get3A_158] {strides = array<i32>} : memref<1536xf32, #tpu.memory_space<vmem>>, vector<16xf32>,
    %add3A_160 = arith.addf %add3A_151, %get3A_159 : vector<16xf32>
    %get3A_161 = arith.constant 832 : index
    %get3A_162 = tpu.vector_load %arg12[%get3A_161] {strides = array<i32>} : memref<1536xf32, #tpu.memory_space<vmem>>, vector<16xf32>,
    %add3A_163 = arith.addf %add3A_154, %get3A_162 : vector<16xf32>
    %get3A_164 = arith.constant 848 : index
    %get3A_165 = tpu.vector_load %arg12[%get3A_164] {strides = array<i32>} : memref<1536xf32, #tpu.memory_space<vmem>>, vector<16xf32>,
    %add3A_166 = arith.addf %add3A_157, %get3A_165 : vector<16xf32>
    %get3A_167 = arith.constant 864 : index
    %get3A_168 = tpu.vector_load %arg12[%get3A_167] {strides = array<i32>} : memref<1536xf32, #tpu.memory_space<vmem>>, vector<16xf32>,
    %add3A_169 = arith.addf %add3A_160, %get3A_168 : vector<16xf32>
    %get3A_170 = arith.constant 880 : index
    %get3A_171 = tpu.vector_load %arg12[%get3A_170] {strides = array<i32>} : memref<1536xf32, #tpu.memory_space<vmem>>, vector<16xf32>,
    %add3A_172 = arith.addf %add3A_163, %get3A_171 : vector<16xf32>
    %get3A_173 = arith.constant 896 : index
    %get3A_174 = tpu.vector_load %arg12[%get3A_173] {strides = array<i32>} : memref<1536xf32, #tpu.memory_space<vmem>>, vector<16xf32>,
    %add3A_175 = arith.addf %add3A_166, %get3A_174 : vector<16xf32>
    %get3A_176 = arith.constant 912 : index
    %get3A_177 = tpu.vector_load %arg12[%get3A_176] {strides = array<i32>} : memref<1536xf32, #tpu.memory_space<vmem>>, vector<16xf32>,
    %add3A_178 = arith.addf %add3A_169, %get3A_177 : vector<16xf32>
    %get3A_179 = arith.constant 928 : index
    %get3A_180 = tpu.vector_load %arg12[%get3A_179] {strides = array<i32>} : memref<1536xf32, #tpu.memory_space<vmem>>, vector<16xf32>,
    %add3A_181 = arith.addf %add3A_172, %get3A_180 : vector<16xf32>
    %get3A_182 = arith.constant 944 : index
    %get3A_183 = tpu.vector_load %arg12[%get3A_182] {strides = array<i32>} : memref<1536xf32, #tpu.memory_space<vmem>>, vector<16xf32>,
    %add3A_184 = arith.addf %add3A_175, %get3A_183 : vector<16xf32>
    %get3A_185 = arith.constant 960 : index
    %get3A_186 = tpu.vector_load %arg12[%get3A_185] {strides = array<i32>} : memref<1536xf32, #tpu.memory_space<vmem>>, vector<16xf32>,
    %add3A_187 = arith.addf %add3A_178, %get3A_186 : vector<16xf32>
    %get3A_188 = arith.constant 976 : index
    %get3A_189 = tpu.vector_load %arg12[%get3A_188] {strides = array<i32>} : memref<1536xf32, #tpu.memory_space<vmem>>, vector<16xf32>,
    %add3A_190 = arith.addf %add3A_181, %get3A_189 : vector<16xf32>
    %get3A_191 = arith.constant 992 : index
    %get3A_192 = tpu.vector_load %arg12[%get3A_191] {strides = array<i32>} : memref<1536xf32, #tpu.memory_space<vmem>>, vector<16xf32>,
    %add3A_193 = arith.addf %add3A_184, %get3A_192 : vector<16xf32>
    %get3A_194 = arith.constant 1008 : index
    %get3A_195 = tpu.vector_load %arg12[%get3A_194] {strides = array<i32>} : memref<1536xf32, #tpu.memory_space<vmem>>, vector<16xf32>,
    %add3A_196 = arith.addf %add3A_187, %get3A_195 : vector<16xf32>
    %get3A_197 = arith.constant 1024 : index
    %get3A_198 = tpu.vector_load %arg12[%get3A_197] {strides = array<i32>} : memref<1536xf32, #tpu.memory_space<vmem>>, vector<16xf32>,
    %add3A_199 = arith.addf %add3A_190, %get3A_198 : vector<16xf32>
    %get3A_200 = arith.constant 1040 : index
    %get3A_201 = tpu.vector_load %arg12[%get3A_200] {strides = array<i32>} : memref<1536xf32, #tpu.memory_space<vmem>>, vector<16xf32>,
    %add3A_202 = arith.addf %add3A_193, %get3A_201 : vector<16xf32>
    %get3A_203 = arith.constant 1056 : index
    %get3A_204 = tpu.vector_load %arg12[%get3A_203] {strides = array<i32>} : memref<1536xf32, #tpu.memory_space<vmem>>, vector<16xf32>,
    %add3A_205 = arith.addf %add3A_196, %get3A_204 : vector<16xf32>
    %get3A_206 = arith.constant 1072 : index
    %get3A_207 = tpu.vector_load %arg12[%get3A_206] {strides = array<i32>} : memref<1536xf32, #tpu.memory_space<vmem>>, vector<16xf32>,
    %add3A_208 = arith.addf %add3A_199, %get3A_207 : vector<16xf32>
    %get3A_209 = arith.constant 1088 : index
    %get3A_210 = tpu.vector_load %arg12[%get3A_209] {strides = array<i32>} : memref<1536xf32, #tpu.memory_space<vmem>>, vector<16xf32>,
    %add3A_211 = arith.addf %add3A_202, %get3A_210 : vector<16xf32>
    %get3A_212 = arith.constant 1104 : index
    %get3A_213 = tpu.vector_load %arg12[%get3A_212] {strides = array<i32>} : memref<1536xf32, #tpu.memory_space<vmem>>, vector<16xf32>,
    %add3A_214 = arith.addf %add3A_205, %get3A_213 : vector<16xf32>
    %get3A_215 = arith.constant 1120 : index
    %get3A_216 = tpu.vector_load %arg12[%get3A_215] {strides = array<i32>} : memref<1536xf32, #tpu.memory_space<vmem>>, vector<16xf32>,
    %add3A_217 = arith.addf %add3A_208, %get3A_216 : vector<16xf32>
    %get3A_218 = arith.constant 1136 : index
    %get3A_219 = tpu.vector_load %arg12[%get3A_218] {strides = array<i32>} : memref<1536xf32, #tpu.memory_space<vmem>>, vector<16xf32>,
    %add3A_220 = arith.addf %add3A_211, %get3A_219 : vector<16xf32>
    %get3A_221 = arith.constant 1152 : index
    %get3A_222 = tpu.vector_load %arg12[%get3A_221] {strides = array<i32>} : memref<1536xf32, #tpu.memory_space<vmem>>, vector<16xf32>,
    %add3A_223 = arith.addf %add3A_214, %get3A_222 : vector<16xf32>
    %get3A_224 = arith.constant 1168 : index
    %get3A_225 = tpu.vector_load %arg12[%get3A_224] {strides = array<i32>} : memref<1536xf32, #tpu.memory_space<vmem>>, vector<16xf32>,
    %add3A_226 = arith.addf %add3A_217, %get3A_225 : vector<16xf32>
    %get3A_227 = arith.constant 1184 : index
    %get3A_228 = tpu.vector_load %arg12[%get3A_227] {strides = array<i32>} : memref<1536xf32, #tpu.memory_space<vmem>>, vector<16xf32>,
    %add3A_229 = arith.addf %add3A_220, %get3A_228 : vector<16xf32>
    %get3A_230 = arith.constant 1200 : index
    %get3A_231 = tpu.vector_load %arg12[%get3A_230] {strides = array<i32>} : memref<1536xf32, #tpu.memory_space<vmem>>, vector<16xf32>,
    %add3A_232 = arith.addf %add3A_223, %get3A_231 : vector<16xf32>
    %get3A_233 = arith.constant 1216 : index
    %get3A_234 = tpu.vector_load %arg12[%get3A_233] {strides = array<i32>} : memref<1536xf32, #tpu.memory_space<vmem>>, vector<16xf32>,
    %add3A_235 = arith.addf %add3A_226, %get3A_234 : vector<16xf32>
    %get3A_236 = arith.constant 1232 : index
    %get3A_237 = tpu.vector_load %arg12[%get3A_236] {strides = array<i32>} : memref<1536xf32, #tpu.memory_space<vmem>>, vector<16xf32>,
    %add3A_238 = arith.addf %add3A_229, %get3A_237 : vector<16xf32>
    %get3A_239 = arith.constant 1248 : index
    %get3A_240 = tpu.vector_load %arg12[%get3A_239] {strides = array<i32>} : memref<1536xf32, #tpu.memory_space<vmem>>, vector<16xf32>,
    %add3A_241 = arith.addf %add3A_232, %get3A_240 : vector<16xf32>
    %get3A_242 = arith.constant 1264 : index
    %get3A_243 = tpu.vector_load %arg12[%get3A_242] {strides = array<i32>} : memref<1536xf32, #tpu.memory_space<vmem>>, vector<16xf32>,
    %add3A_244 = arith.addf %add3A_235, %get3A_243 : vector<16xf32>
    %get3A_245 = arith.constant 1280 : index
    %get3A_246 = tpu.vector_load %arg12[%get3A_245] {strides = array<i32>} : memref<1536xf32, #tpu.memory_space<vmem>>, vector<16xf32>,
    %add3A_247 = arith.addf %add3A_238, %get3A_246 : vector<16xf32>
    %get3A_248 = arith.constant 1296 : index
    %get3A_249 = tpu.vector_load %arg12[%get3A_248] {strides = array<i32>} : memref<1536xf32, #tpu.memory_space<vmem>>, vector<16xf32>,
    %add3A_250 = arith.addf %add3A_241, %get3A_249 : vector<16xf32>
    %get3A_251 = arith.constant 1312 : index
    %get3A_252 = tpu.vector_load %arg12[%get3A_251] {strides = array<i32>} : memref<1536xf32, #tpu.memory_space<vmem>>, vector<16xf32>,
    %add3A_253 = arith.addf %add3A_244, %get3A_252 : vector<16xf32>
    %get3A_254 = arith.constant 1328 : index
    %get3A_255 = tpu.vector_load %arg12[%get3A_254] {strides = array<i32>} : memref<1536xf32, #tpu.memory_space<vmem>>, vector<16xf32>,
    %add3A_256 = arith.addf %add3A_247, %get3A_255 : vector<16xf32>
    %get3A_257 = arith.constant 1344 : index
    %get3A_258 = tpu.vector_load %arg12[%get3A_257] {strides = array<i32>} : memref<1536xf32, #tpu.memory_space<vmem>>, vector<16xf32>,
    %add3A_259 = arith.addf %add3A_250, %get3A_258 : vector<16xf32>
    %get3A_260 = arith.constant 1360 : index
    %get3A_261 = tpu.vector_load %arg12[%get3A_260] {strides = array<i32>} : memref<1536xf32, #tpu.memory_space<vmem>>, vector<16xf32>,
    %add3A_262 = arith.addf %add3A_253, %get3A_261 : vector<16xf32>
    %get3A_263 = arith.constant 1376 : index
    %get3A_264 = tpu.vector_load %arg12[%get3A_263] {strides = array<i32>} : memref<1536xf32, #tpu.memory_space<vmem>>, vector<16xf32>,
    %add3A_265 = arith.addf %add3A_256, %get3A_264 : vector<16xf32>
    %get3A_266 = arith.constant 1392 : index
    %get3A_267 = tpu.vector_load %arg12[%get3A_266] {strides = array<i32>} : memref<1536xf32, #tpu.memory_space<vmem>>, vector<16xf32>,
    %add3A_268 = arith.addf %add3A_259, %get3A_267 : vector<16xf32>
    %get3A_269 = arith.constant 1408 : index
    %get3A_270 = tpu.vector_load %arg12[%get3A_269] {strides = array<i32>} : memref<1536xf32, #tpu.memory_space<vmem>>, vector<16xf32>,
    %add3A_271 = arith.addf %add3A_262, %get3A_270 : vector<16xf32>
    %get3A_272 = arith.constant 1424 : index
    %get3A_273 = tpu.vector_load %arg12[%get3A_272] {strides = array<i32>} : memref<1536xf32, #tpu.memory_space<vmem>>, vector<16xf32>,
    %add3A_274 = arith.addf %add3A_265, %get3A_273 : vector<16xf32>
    %get3A_275 = arith.constant 1440 : index
    %get3A_276 = tpu.vector_load %arg12[%get3A_275] {strides = array<i32>} : memref<1536xf32, #tpu.memory_space<vmem>>, vector<16xf32>,
    %add3A_277 = arith.addf %add3A_268, %get3A_276 : vector<16xf32>
    %get3A_278 = arith.constant 1456 : index
    %get3A_279 = tpu.vector_load %arg12[%get3A_278] {strides = array<i32>} : memref<1536xf32, #tpu.memory_space<vmem>>, vector<16xf32>,
    %add3A_280 = arith.addf %add3A_271, %get3A_279 : vector<16xf32>
    %get3A_281 = arith.constant 1472 : index
    %get3A_282 = tpu.vector_load %arg12[%get3A_281] {strides = array<i32>} : memref<1536xf32, #tpu.memory_space<vmem>>, vector<16xf32>,
    %add3A_283 = arith.addf %add3A_274, %get3A_282 : vector<16xf32>
    %get3A_284 = arith.constant 1488 : index
    %get3A_285 = tpu.vector_load %arg12[%get3A_284] {strides = array<i32>} : memref<1536xf32, #tpu.memory_space<vmem>>, vector<16xf32>,
    %add3A_286 = arith.addf %add3A_277, %get3A_285 : vector<16xf32>
    %get3A_287 = arith.constant 1504 : index
    %get3A_288 = tpu.vector_load %arg12[%get3A_287] {strides = array<i32>} : memref<1536xf32, #tpu.memory_space<vmem>>, vector<16xf32>,
    %add3A_289 = arith.addf %add3A_280, %get3A_288 : vector<16xf32>
    %get3A_290 = arith.constant 1520 : index
    %get3A_291 = tpu.vector_load %arg12[%get3A_290] {strides = array<i32>} : memref<1536xf32, #tpu.memory_space<vmem>>, vector<16xf32>,
    %add3A_292 = arith.addf %add3A_283, %get3A_291 : vector<16xf32>
    %reduce_sum3A = arith.constant true
    %reduce_sum3A_293 = vector.broadcast %reduce_sum3A : i1 to vector<16xi1>
    %reduce_sum3A_294 = tpu.scan <sum>, %add3A_286 masked %reduce_sum3A_293 : vector<16xf32>, vector<16xi1> -> vector<16xf32>
    %reduce_sum3A_295 = vector.extract %reduce_sum3A_294[15] : f32 from vector<16xf32>
    %add3A_296 = vector.broadcast %reduce_sum3A_295 : f32 to vector<16xf32>
    %add3A_297 = arith.addf %broadcast_in_dim3A_5, %add3A_296 : vector<16xf32>
    %reduce_sum3A_298 = arith.constant true
    %reduce_sum3A_299 = vector.broadcast %reduce_sum3A_298 : i1 to vector<16xi1>
    %reduce_sum3A_300 = tpu.scan <sum>, %add3A_289 masked %reduce_sum3A_299 : vector<16xf32>, vector<16xi1> -> vector<16xf32>
    %reduce_sum3A_301 = vector.extract %reduce_sum3A_300[15] : f32 from vector<16xf32>
    %add3A_302 = vector.broadcast %reduce_sum3A_301 : f32 to vector<16xf32>
    %add3A_303 = arith.addf %broadcast_in_dim3A_5, %add3A_302 : vector<16xf32>
    %reduce_sum3A_304 = arith.constant true
    %reduce_sum3A_305 = vector.broadcast %reduce_sum3A_304 : i1 to vector<16xi1>
    %reduce_sum3A_306 = tpu.scan <sum>, %add3A_292 masked %reduce_sum3A_305 : vector<16xf32>, vector<16xi1> -> vector<16xf32>
    %reduce_sum3A_307 = vector.extract %reduce_sum3A_306[15] : f32 from vector<16xf32>
    %add3A_308 = vector.broadcast %reduce_sum3A_307 : f32 to vector<16xf32>
    %add3A_309 = arith.addf %broadcast_in_dim3A_5, %add3A_308 : vector<16xf32>
    %scan3A = arith.constant 0 : i32
    %scan3A_310 = arith.constant 64 : i32
    %scan3A_311 = arith.addi %scan3A, %scan3A_310 : i32
    %scan3A_312 = arith.constant 1 : i32
    scf.for %scan3A_325 = %scan3A to %scan3A_311 step %scan3A_312  : i32 {
      %mul3A_326 = arith.constant 16 : i32
      %mul3A_327 = arith.muli %scan3A_325, %mul3A_326 : i32
      %add3A_328 = arith.constant 0 : i32
      %add3A_329 = arith.addi %add3A_328, %mul3A_327 : i32
      %get3A_330 = arith.index_cast %add3A_329 : i32 to index
      %get3A_331 = tpu.vector_load %arg13[%get3A_330] {strides = array<i32>} : memref<1024xf32, #tpu.memory_space<vmem>>, vector<16xf32>,
      %neg3A = arith.constant 0.000000e+00 : f32
      %neg3A_332 = vector.broadcast %neg3A : f32 to vector<16xf32>
      %neg3A_333 = arith.subf %neg3A_332, %get3A_331 : vector<16xf32>
      %add3A_334 = arith.constant 0 : i32
      %add3A_335 = arith.addi %add3A_329, %add3A_334 : i32
      %get3A_336 = arith.index_cast %add3A_335 : i32 to index
      %get3A_337 = tpu.vector_load %arg10[%get3A_336] {strides = array<i32>} : memref<32768xf32, #tpu.memory_space<vmem>>, vector<16xf32>,
      %add3A_338 = arith.addf %neg3A_333, %get3A_337 : vector<16xf32>
      %add3A_339 = arith.constant 0 : i32
      %add3A_340 = arith.addi %add3A_329, %add3A_339 : i32
      %get3A_341 = arith.index_cast %add3A_340 : i32 to index
      %get3A_342 = tpu.vector_load %arg11[%get3A_341] {strides = array<i32>} : memref<32768xf32, #tpu.memory_space<vmem>>, vector<16xf32>,
      %add3A_343 = arith.addf %add3A_338, %get3A_342 : vector<16xf32>
      %add3A_344 = arith.constant 1024 : i32
      %add3A_345 = arith.addi %add3A_329, %add3A_344 : i32
      %get3A_346 = arith.index_cast %add3A_345 : i32 to index
      %get3A_347 = tpu.vector_load %arg10[%get3A_346] {strides = array<i32>} : memref<32768xf32, #tpu.memory_space<vmem>>, vector<16xf32>,
      %add3A_348 = arith.addf %add3A_343, %get3A_347 : vector<16xf32>
      %add3A_349 = arith.constant 1024 : i32
      %add3A_350 = arith.addi %add3A_329, %add3A_349 : i32
      %get3A_351 = arith.index_cast %add3A_350 : i32 to index
      %get3A_352 = tpu.vector_load %arg11[%get3A_351] {strides = array<i32>} : memref<32768xf32, #tpu.memory_space<vmem>>, vector<16xf32>,
      %add3A_353 = arith.addf %add3A_348, %get3A_352 : vector<16xf32>
      %add3A_354 = arith.constant 2048 : i32
      %add3A_355 = arith.addi %add3A_329, %add3A_354 : i32
      %get3A_356 = arith.index_cast %add3A_355 : i32 to index
      %get3A_357 = tpu.vector_load %arg10[%get3A_356] {strides = array<i32>} : memref<32768xf32, #tpu.memory_space<vmem>>, vector<16xf32>,
      %add3A_358 = arith.addf %add3A_353, %get3A_357 : vector<16xf32>
      %add3A_359 = arith.constant 2048 : i32
      %add3A_360 = arith.addi %add3A_329, %add3A_359 : i32
      %get3A_361 = arith.index_cast %add3A_360 : i32 to index
      %get3A_362 = tpu.vector_load %arg11[%get3A_361] {strides = array<i32>} : memref<32768xf32, #tpu.memory_space<vmem>>, vector<16xf32>,
      %add3A_363 = arith.addf %add3A_358, %get3A_362 : vector<16xf32>
      %add3A_364 = arith.constant 3072 : i32
      %add3A_365 = arith.addi %add3A_329, %add3A_364 : i32
      %get3A_366 = arith.index_cast %add3A_365 : i32 to index
      %get3A_367 = tpu.vector_load %arg10[%get3A_366] {strides = array<i32>} : memref<32768xf32, #tpu.memory_space<vmem>>, vector<16xf32>,
      %add3A_368 = arith.addf %add3A_363, %get3A_367 : vector<16xf32>
      %add3A_369 = arith.constant 3072 : i32
      %add3A_370 = arith.addi %add3A_329, %add3A_369 : i32
      %get3A_371 = arith.index_cast %add3A_370 : i32 to index
      %get3A_372 = tpu.vector_load %arg11[%get3A_371] {strides = array<i32>} : memref<32768xf32, #tpu.memory_space<vmem>>, vector<16xf32>,
      %add3A_373 = arith.addf %add3A_368, %get3A_372 : vector<16xf32>
      %add3A_374 = arith.constant 4096 : i32
      %add3A_375 = arith.addi %add3A_329, %add3A_374 : i32
      %get3A_376 = arith.index_cast %add3A_375 : i32 to index
      %get3A_377 = tpu.vector_load %arg10[%get3A_376] {strides = array<i32>} : memref<32768xf32, #tpu.memory_space<vmem>>, vector<16xf32>,
      %add3A_378 = arith.addf %add3A_373, %get3A_377 : vector<16xf32>
      %add3A_379 = arith.constant 4096 : i32
      %add3A_380 = arith.addi %add3A_329, %add3A_379 : i32
      %get3A_381 = arith.index_cast %add3A_380 : i32 to index
      %get3A_382 = tpu.vector_load %arg11[%get3A_381] {strides = array<i32>} : memref<32768xf32, #tpu.memory_space<vmem>>, vector<16xf32>,
      %add3A_383 = arith.addf %add3A_378, %get3A_382 : vector<16xf32>
      %add3A_384 = arith.constant 5120 : i32
      %add3A_385 = arith.addi %add3A_329, %add3A_384 : i32
      %get3A_386 = arith.index_cast %add3A_385 : i32 to index
      %get3A_387 = tpu.vector_load %arg10[%get3A_386] {strides = array<i32>} : memref<32768xf32, #tpu.memory_space<vmem>>, vector<16xf32>,
      %add3A_388 = arith.addf %add3A_383, %get3A_387 : vector<16xf32>
      %add3A_389 = arith.constant 5120 : i32
      %add3A_390 = arith.addi %add3A_329, %add3A_389 : i32
      %get3A_391 = arith.index_cast %add3A_390 : i32 to index
      %get3A_392 = tpu.vector_load %arg11[%get3A_391] {strides = array<i32>} : memref<32768xf32, #tpu.memory_space<vmem>>, vector<16xf32>,
      %add3A_393 = arith.addf %add3A_388, %get3A_392 : vector<16xf32>
      %add3A_394 = arith.constant 6144 : i32
      %add3A_395 = arith.addi %add3A_329, %add3A_394 : i32
      %get3A_396 = arith.index_cast %add3A_395 : i32 to index
      %get3A_397 = tpu.vector_load %arg10[%get3A_396] {strides = array<i32>} : memref<32768xf32, #tpu.memory_space<vmem>>, vector<16xf32>,
      %add3A_398 = arith.addf %add3A_393, %get3A_397 : vector<16xf32>
      %add3A_399 = arith.constant 6144 : i32
      %add3A_400 = arith.addi %add3A_329, %add3A_399 : i32
      %get3A_401 = arith.index_cast %add3A_400 : i32 to index
      %get3A_402 = tpu.vector_load %arg11[%get3A_401] {strides = array<i32>} : memref<32768xf32, #tpu.memory_space<vmem>>, vector<16xf32>,
      %add3A_403 = arith.addf %add3A_398, %get3A_402 : vector<16xf32>
      %add3A_404 = arith.constant 7168 : i32
      %add3A_405 = arith.addi %add3A_329, %add3A_404 : i32
      %get3A_406 = arith.index_cast %add3A_405 : i32 to index
      %get3A_407 = tpu.vector_load %arg10[%get3A_406] {strides = array<i32>} : memref<32768xf32, #tpu.memory_space<vmem>>, vector<16xf32>,
      %add3A_408 = arith.addf %add3A_403, %get3A_407 : vector<16xf32>
      %add3A_409 = arith.constant 7168 : i32
      %add3A_410 = arith.addi %add3A_329, %add3A_409 : i32
      %get3A_411 = arith.index_cast %add3A_410 : i32 to index
      %get3A_412 = tpu.vector_load %arg11[%get3A_411] {strides = array<i32>} : memref<32768xf32, #tpu.memory_space<vmem>>, vector<16xf32>,
      %add3A_413 = arith.addf %add3A_408, %get3A_412 : vector<16xf32>
      %add3A_414 = arith.constant 8192 : i32
      %add3A_415 = arith.addi %add3A_329, %add3A_414 : i32
      %get3A_416 = arith.index_cast %add3A_415 : i32 to index
      %get3A_417 = tpu.vector_load %arg10[%get3A_416] {strides = array<i32>} : memref<32768xf32, #tpu.memory_space<vmem>>, vector<16xf32>,
      %add3A_418 = arith.addf %add3A_413, %get3A_417 : vector<16xf32>
      %add3A_419 = arith.constant 8192 : i32
      %add3A_420 = arith.addi %add3A_329, %add3A_419 : i32
      %get3A_421 = arith.index_cast %add3A_420 : i32 to index
      %get3A_422 = tpu.vector_load %arg11[%get3A_421] {strides = array<i32>} : memref<32768xf32, #tpu.memory_space<vmem>>, vector<16xf32>,
      %add3A_423 = arith.addf %add3A_418, %get3A_422 : vector<16xf32>
      %add3A_424 = arith.constant 9216 : i32
      %add3A_425 = arith.addi %add3A_329, %add3A_424 : i32
      %get3A_426 = arith.index_cast %add3A_425 : i32 to index
      %get3A_427 = tpu.vector_load %arg10[%get3A_426] {strides = array<i32>} : memref<32768xf32, #tpu.memory_space<vmem>>, vector<16xf32>,
      %add3A_428 = arith.addf %add3A_423, %get3A_427 : vector<16xf32>
      %add3A_429 = arith.constant 9216 : i32
      %add3A_430 = arith.addi %add3A_329, %add3A_429 : i32
      %get3A_431 = arith.index_cast %add3A_430 : i32 to index
      %get3A_432 = tpu.vector_load %arg11[%get3A_431] {strides = array<i32>} : memref<32768xf32, #tpu.memory_space<vmem>>, vector<16xf32>,
      %add3A_433 = arith.addf %add3A_428, %get3A_432 : vector<16xf32>
      %add3A_434 = arith.constant 10240 : i32
      %add3A_435 = arith.addi %add3A_329, %add3A_434 : i32
      %get3A_436 = arith.index_cast %add3A_435 : i32 to index
      %get3A_437 = tpu.vector_load %arg10[%get3A_436] {strides = array<i32>} : memref<32768xf32, #tpu.memory_space<vmem>>, vector<16xf32>,
      %add3A_438 = arith.addf %add3A_433, %get3A_437 : vector<16xf32>
      %add3A_439 = arith.constant 10240 : i32
      %add3A_440 = arith.addi %add3A_329, %add3A_439 : i32
      %get3A_441 = arith.index_cast %add3A_440 : i32 to index
      %get3A_442 = tpu.vector_load %arg11[%get3A_441] {strides = array<i32>} : memref<32768xf32, #tpu.memory_space<vmem>>, vector<16xf32>,
      %add3A_443 = arith.addf %add3A_438, %get3A_442 : vector<16xf32>
      %add3A_444 = arith.constant 11264 : i32
      %add3A_445 = arith.addi %add3A_329, %add3A_444 : i32
      %get3A_446 = arith.index_cast %add3A_445 : i32 to index
      %get3A_447 = tpu.vector_load %arg10[%get3A_446] {strides = array<i32>} : memref<32768xf32, #tpu.memory_space<vmem>>, vector<16xf32>,
      %add3A_448 = arith.addf %add3A_443, %get3A_447 : vector<16xf32>
      %add3A_449 = arith.constant 11264 : i32
      %add3A_450 = arith.addi %add3A_329, %add3A_449 : i32
      %get3A_451 = arith.index_cast %add3A_450 : i32 to index
      %get3A_452 = tpu.vector_load %arg11[%get3A_451] {strides = array<i32>} : memref<32768xf32, #tpu.memory_space<vmem>>, vector<16xf32>,
      %add3A_453 = arith.addf %add3A_448, %get3A_452 : vector<16xf32>
      %add3A_454 = arith.constant 12288 : i32
      %add3A_455 = arith.addi %add3A_329, %add3A_454 : i32
      %get3A_456 = arith.index_cast %add3A_455 : i32 to index
      %get3A_457 = tpu.vector_load %arg10[%get3A_456] {strides = array<i32>} : memref<32768xf32, #tpu.memory_space<vmem>>, vector<16xf32>,
      %add3A_458 = arith.addf %add3A_453, %get3A_457 : vector<16xf32>
      %add3A_459 = arith.constant 12288 : i32
      %add3A_460 = arith.addi %add3A_329, %add3A_459 : i32
      %get3A_461 = arith.index_cast %add3A_460 : i32 to index
      %get3A_462 = tpu.vector_load %arg11[%get3A_461] {strides = array<i32>} : memref<32768xf32, #tpu.memory_space<vmem>>, vector<16xf32>,
      %add3A_463 = arith.addf %add3A_458, %get3A_462 : vector<16xf32>
      %add3A_464 = arith.constant 13312 : i32
      %add3A_465 = arith.addi %add3A_329, %add3A_464 : i32
      %get3A_466 = arith.index_cast %add3A_465 : i32 to index
      %get3A_467 = tpu.vector_load %arg10[%get3A_466] {strides = array<i32>} : memref<32768xf32, #tpu.memory_space<vmem>>, vector<16xf32>,
      %add3A_468 = arith.addf %add3A_463, %get3A_467 : vector<16xf32>
      %add3A_469 = arith.constant 13312 : i32
      %add3A_470 = arith.addi %add3A_329, %add3A_469 : i32
      %get3A_471 = arith.index_cast %add3A_470 : i32 to index
      %get3A_472 = tpu.vector_load %arg11[%get3A_471] {strides = array<i32>} : memref<32768xf32, #tpu.memory_space<vmem>>, vector<16xf32>,
      %add3A_473 = arith.addf %add3A_468, %get3A_472 : vector<16xf32>
      %add3A_474 = arith.constant 14336 : i32
      %add3A_475 = arith.addi %add3A_329, %add3A_474 : i32
      %get3A_476 = arith.index_cast %add3A_475 : i32 to index
      %get3A_477 = tpu.vector_load %arg10[%get3A_476] {strides = array<i32>} : memref<32768xf32, #tpu.memory_space<vmem>>, vector<16xf32>,
      %add3A_478 = arith.addf %add3A_473, %get3A_477 : vector<16xf32>
      %add3A_479 = arith.constant 14336 : i32
      %add3A_480 = arith.addi %add3A_329, %add3A_479 : i32
      %get3A_481 = arith.index_cast %add3A_480 : i32 to index
      %get3A_482 = tpu.vector_load %arg11[%get3A_481] {strides = array<i32>} : memref<32768xf32, #tpu.memory_space<vmem>>, vector<16xf32>,
      %add3A_483 = arith.addf %add3A_478, %get3A_482 : vector<16xf32>
      %add3A_484 = arith.constant 15360 : i32
      %add3A_485 = arith.addi %add3A_329, %add3A_484 : i32
      %get3A_486 = arith.index_cast %add3A_485 : i32 to index
      %get3A_487 = tpu.vector_load %arg10[%get3A_486] {strides = array<i32>} : memref<32768xf32, #tpu.memory_space<vmem>>, vector<16xf32>,
      %add3A_488 = arith.addf %add3A_483, %get3A_487 : vector<16xf32>
      %add3A_489 = arith.constant 15360 : i32
      %add3A_490 = arith.addi %add3A_329, %add3A_489 : i32
      %get3A_491 = arith.index_cast %add3A_490 : i32 to index
      %get3A_492 = tpu.vector_load %arg11[%get3A_491] {strides = array<i32>} : memref<32768xf32, #tpu.memory_space<vmem>>, vector<16xf32>,
      %add3A_493 = arith.addf %add3A_488, %get3A_492 : vector<16xf32>
      %add3A_494 = arith.constant 16384 : i32
      %add3A_495 = arith.addi %add3A_329, %add3A_494 : i32
      %get3A_496 = arith.index_cast %add3A_495 : i32 to index
      %get3A_497 = tpu.vector_load %arg10[%get3A_496] {strides = array<i32>} : memref<32768xf32, #tpu.memory_space<vmem>>, vector<16xf32>,
      %add3A_498 = arith.addf %add3A_493, %get3A_497 : vector<16xf32>
      %add3A_499 = arith.constant 16384 : i32
      %add3A_500 = arith.addi %add3A_329, %add3A_499 : i32
      %get3A_501 = arith.index_cast %add3A_500 : i32 to index
      %get3A_502 = tpu.vector_load %arg11[%get3A_501] {strides = array<i32>} : memref<32768xf32, #tpu.memory_space<vmem>>, vector<16xf32>,
      %add3A_503 = arith.addf %add3A_498, %get3A_502 : vector<16xf32>
      %add3A_504 = arith.constant 17408 : i32
      %add3A_505 = arith.addi %add3A_329, %add3A_504 : i32
      %get3A_506 = arith.index_cast %add3A_505 : i32 to index
      %get3A_507 = tpu.vector_load %arg10[%get3A_506] {strides = array<i32>} : memref<32768xf32, #tpu.memory_space<vmem>>, vector<16xf32>,
      %add3A_508 = arith.addf %add3A_503, %get3A_507 : vector<16xf32>
      %add3A_509 = arith.constant 17408 : i32
      %add3A_510 = arith.addi %add3A_329, %add3A_509 : i32
      %get3A_511 = arith.index_cast %add3A_510 : i32 to index
      %get3A_512 = tpu.vector_load %arg11[%get3A_511] {strides = array<i32>} : memref<32768xf32, #tpu.memory_space<vmem>>, vector<16xf32>,
      %add3A_513 = arith.addf %add3A_508, %get3A_512 : vector<16xf32>
      %add3A_514 = arith.constant 18432 : i32
      %add3A_515 = arith.addi %add3A_329, %add3A_514 : i32
      %get3A_516 = arith.index_cast %add3A_515 : i32 to index
      %get3A_517 = tpu.vector_load %arg10[%get3A_516] {strides = array<i32>} : memref<32768xf32, #tpu.memory_space<vmem>>, vector<16xf32>,
      %add3A_518 = arith.addf %add3A_513, %get3A_517 : vector<16xf32>
      %add3A_519 = arith.constant 18432 : i32
      %add3A_520 = arith.addi %add3A_329, %add3A_519 : i32
      %get3A_521 = arith.index_cast %add3A_520 : i32 to index
      %get3A_522 = tpu.vector_load %arg11[%get3A_521] {strides = array<i32>} : memref<32768xf32, #tpu.memory_space<vmem>>, vector<16xf32>,
      %add3A_523 = arith.addf %add3A_518, %get3A_522 : vector<16xf32>
      %add3A_524 = arith.constant 19456 : i32
      %add3A_525 = arith.addi %add3A_329, %add3A_524 : i32
      %get3A_526 = arith.index_cast %add3A_525 : i32 to index
      %get3A_527 = tpu.vector_load %arg10[%get3A_526] {strides = array<i32>} : memref<32768xf32, #tpu.memory_space<vmem>>, vector<16xf32>,
      %add3A_528 = arith.addf %add3A_523, %get3A_527 : vector<16xf32>
      %add3A_529 = arith.constant 19456 : i32
      %add3A_530 = arith.addi %add3A_329, %add3A_529 : i32
      %get3A_531 = arith.index_cast %add3A_530 : i32 to index
      %get3A_532 = tpu.vector_load %arg11[%get3A_531] {strides = array<i32>} : memref<32768xf32, #tpu.memory_space<vmem>>, vector<16xf32>,
      %add3A_533 = arith.addf %add3A_528, %get3A_532 : vector<16xf32>
      %add3A_534 = arith.constant 20480 : i32
      %add3A_535 = arith.addi %add3A_329, %add3A_534 : i32
      %get3A_536 = arith.index_cast %add3A_535 : i32 to index
      %get3A_537 = tpu.vector_load %arg10[%get3A_536] {strides = array<i32>} : memref<32768xf32, #tpu.memory_space<vmem>>, vector<16xf32>,
      %add3A_538 = arith.addf %add3A_533, %get3A_537 : vector<16xf32>
      %add3A_539 = arith.constant 20480 : i32
      %add3A_540 = arith.addi %add3A_329, %add3A_539 : i32
      %get3A_541 = arith.index_cast %add3A_540 : i32 to index
      %get3A_542 = tpu.vector_load %arg11[%get3A_541] {strides = array<i32>} : memref<32768xf32, #tpu.memory_space<vmem>>, vector<16xf32>,
      %add3A_543 = arith.addf %add3A_538, %get3A_542 : vector<16xf32>
      %add3A_544 = arith.constant 21504 : i32
      %add3A_545 = arith.addi %add3A_329, %add3A_544 : i32
      %get3A_546 = arith.index_cast %add3A_545 : i32 to index
      %get3A_547 = tpu.vector_load %arg10[%get3A_546] {strides = array<i32>} : memref<32768xf32, #tpu.memory_space<vmem>>, vector<16xf32>,
      %add3A_548 = arith.addf %add3A_543, %get3A_547 : vector<16xf32>
      %add3A_549 = arith.constant 21504 : i32
      %add3A_550 = arith.addi %add3A_329, %add3A_549 : i32
      %get3A_551 = arith.index_cast %add3A_550 : i32 to index
      %get3A_552 = tpu.vector_load %arg11[%get3A_551] {strides = array<i32>} : memref<32768xf32, #tpu.memory_space<vmem>>, vector<16xf32>,
      %add3A_553 = arith.addf %add3A_548, %get3A_552 : vector<16xf32>
      %add3A_554 = arith.constant 22528 : i32
      %add3A_555 = arith.addi %add3A_329, %add3A_554 : i32
      %get3A_556 = arith.index_cast %add3A_555 : i32 to index
      %get3A_557 = tpu.vector_load %arg10[%get3A_556] {strides = array<i32>} : memref<32768xf32, #tpu.memory_space<vmem>>, vector<16xf32>,
      %add3A_558 = arith.addf %add3A_553, %get3A_557 : vector<16xf32>
      %add3A_559 = arith.constant 22528 : i32
      %add3A_560 = arith.addi %add3A_329, %add3A_559 : i32
      %get3A_561 = arith.index_cast %add3A_560 : i32 to index
      %get3A_562 = tpu.vector_load %arg11[%get3A_561] {strides = array<i32>} : memref<32768xf32, #tpu.memory_space<vmem>>, vector<16xf32>,
      %add3A_563 = arith.addf %add3A_558, %get3A_562 : vector<16xf32>
      %add3A_564 = arith.constant 23552 : i32
      %add3A_565 = arith.addi %add3A_329, %add3A_564 : i32
      %get3A_566 = arith.index_cast %add3A_565 : i32 to index
      %get3A_567 = tpu.vector_load %arg10[%get3A_566] {strides = array<i32>} : memref<32768xf32, #tpu.memory_space<vmem>>, vector<16xf32>,
      %add3A_568 = arith.addf %add3A_563, %get3A_567 : vector<16xf32>
      %add3A_569 = arith.constant 23552 : i32
      %add3A_570 = arith.addi %add3A_329, %add3A_569 : i32
      %get3A_571 = arith.index_cast %add3A_570 : i32 to index
      %get3A_572 = tpu.vector_load %arg11[%get3A_571] {strides = array<i32>} : memref<32768xf32, #tpu.memory_space<vmem>>, vector<16xf32>,
      %add3A_573 = arith.addf %add3A_568, %get3A_572 : vector<16xf32>
      %add3A_574 = arith.constant 24576 : i32
      %add3A_575 = arith.addi %add3A_329, %add3A_574 : i32
      %get3A_576 = arith.index_cast %add3A_575 : i32 to index
      %get3A_577 = tpu.vector_load %arg10[%get3A_576] {strides = array<i32>} : memref<32768xf32, #tpu.memory_space<vmem>>, vector<16xf32>,
      %add3A_578 = arith.addf %add3A_573, %get3A_577 : vector<16xf32>
      %add3A_579 = arith.constant 24576 : i32
      %add3A_580 = arith.addi %add3A_329, %add3A_579 : i32
      %get3A_581 = arith.index_cast %add3A_580 : i32 to index
      %get3A_582 = tpu.vector_load %arg11[%get3A_581] {strides = array<i32>} : memref<32768xf32, #tpu.memory_space<vmem>>, vector<16xf32>,
      %add3A_583 = arith.addf %add3A_578, %get3A_582 : vector<16xf32>
      %add3A_584 = arith.constant 25600 : i32
      %add3A_585 = arith.addi %add3A_329, %add3A_584 : i32
      %get3A_586 = arith.index_cast %add3A_585 : i32 to index
      %get3A_587 = tpu.vector_load %arg10[%get3A_586] {strides = array<i32>} : memref<32768xf32, #tpu.memory_space<vmem>>, vector<16xf32>,
      %add3A_588 = arith.addf %add3A_583, %get3A_587 : vector<16xf32>
      %add3A_589 = arith.constant 25600 : i32
      %add3A_590 = arith.addi %add3A_329, %add3A_589 : i32
      %get3A_591 = arith.index_cast %add3A_590 : i32 to index
      %get3A_592 = tpu.vector_load %arg11[%get3A_591] {strides = array<i32>} : memref<32768xf32, #tpu.memory_space<vmem>>, vector<16xf32>,
      %add3A_593 = arith.addf %add3A_588, %get3A_592 : vector<16xf32>
      %add3A_594 = arith.constant 26624 : i32
      %add3A_595 = arith.addi %add3A_329, %add3A_594 : i32
      %get3A_596 = arith.index_cast %add3A_595 : i32 to index
      %get3A_597 = tpu.vector_load %arg10[%get3A_596] {strides = array<i32>} : memref<32768xf32, #tpu.memory_space<vmem>>, vector<16xf32>,
      %add3A_598 = arith.addf %add3A_593, %get3A_597 : vector<16xf32>
      %add3A_599 = arith.constant 26624 : i32
      %add3A_600 = arith.addi %add3A_329, %add3A_599 : i32
      %get3A_601 = arith.index_cast %add3A_600 : i32 to index
      %get3A_602 = tpu.vector_load %arg11[%get3A_601] {strides = array<i32>} : memref<32768xf32, #tpu.memory_space<vmem>>, vector<16xf32>,
      %add3A_603 = arith.addf %add3A_598, %get3A_602 : vector<16xf32>
      %add3A_604 = arith.constant 27648 : i32
      %add3A_605 = arith.addi %add3A_329, %add3A_604 : i32
      %get3A_606 = arith.index_cast %add3A_605 : i32 to index
      %get3A_607 = tpu.vector_load %arg10[%get3A_606] {strides = array<i32>} : memref<32768xf32, #tpu.memory_space<vmem>>, vector<16xf32>,
      %add3A_608 = arith.addf %add3A_603, %get3A_607 : vector<16xf32>
      %add3A_609 = arith.constant 27648 : i32
      %add3A_610 = arith.addi %add3A_329, %add3A_609 : i32
      %get3A_611 = arith.index_cast %add3A_610 : i32 to index
      %get3A_612 = tpu.vector_load %arg11[%get3A_611] {strides = array<i32>} : memref<32768xf32, #tpu.memory_space<vmem>>, vector<16xf32>,
      %add3A_613 = arith.addf %add3A_608, %get3A_612 : vector<16xf32>
      %add3A_614 = arith.constant 28672 : i32
      %add3A_615 = arith.addi %add3A_329, %add3A_614 : i32
      %get3A_616 = arith.index_cast %add3A_615 : i32 to index
      %get3A_617 = tpu.vector_load %arg10[%get3A_616] {strides = array<i32>} : memref<32768xf32, #tpu.memory_space<vmem>>, vector<16xf32>,
      %add3A_618 = arith.addf %add3A_613, %get3A_617 : vector<16xf32>
      %add3A_619 = arith.constant 28672 : i32
      %add3A_620 = arith.addi %add3A_329, %add3A_619 : i32
      %get3A_621 = arith.index_cast %add3A_620 : i32 to index
      %get3A_622 = tpu.vector_load %arg11[%get3A_621] {strides = array<i32>} : memref<32768xf32, #tpu.memory_space<vmem>>, vector<16xf32>,
      %add3A_623 = arith.addf %add3A_618, %get3A_622 : vector<16xf32>
      %add3A_624 = arith.constant 29696 : i32
      %add3A_625 = arith.addi %add3A_329, %add3A_624 : i32
      %get3A_626 = arith.index_cast %add3A_625 : i32 to index
      %get3A_627 = tpu.vector_load %arg10[%get3A_626] {strides = array<i32>} : memref<32768xf32, #tpu.memory_space<vmem>>, vector<16xf32>,
      %add3A_628 = arith.addf %add3A_623, %get3A_627 : vector<16xf32>
      %add3A_629 = arith.constant 29696 : i32
      %add3A_630 = arith.addi %add3A_329, %add3A_629 : i32
      %get3A_631 = arith.index_cast %add3A_630 : i32 to index
      %get3A_632 = tpu.vector_load %arg11[%get3A_631] {strides = array<i32>} : memref<32768xf32, #tpu.memory_space<vmem>>, vector<16xf32>,
      %add3A_633 = arith.addf %add3A_628, %get3A_632 : vector<16xf32>
      %add3A_634 = arith.constant 30720 : i32
      %add3A_635 = arith.addi %add3A_329, %add3A_634 : i32
      %get3A_636 = arith.index_cast %add3A_635 : i32 to index
      %get3A_637 = tpu.vector_load %arg10[%get3A_636] {strides = array<i32>} : memref<32768xf32, #tpu.memory_space<vmem>>, vector<16xf32>,
      %add3A_638 = arith.addf %add3A_633, %get3A_637 : vector<16xf32>
      %add3A_639 = arith.constant 30720 : i32
      %add3A_640 = arith.addi %add3A_329, %add3A_639 : i32
      %get3A_641 = arith.index_cast %add3A_640 : i32 to index
      %get3A_642 = tpu.vector_load %arg11[%get3A_641] {strides = array<i32>} : memref<32768xf32, #tpu.memory_space<vmem>>, vector<16xf32>,
      %add3A_643 = arith.addf %add3A_638, %get3A_642 : vector<16xf32>
      %add3A_644 = arith.constant 31744 : i32
      %add3A_645 = arith.addi %add3A_329, %add3A_644 : i32
      %get3A_646 = arith.index_cast %add3A_645 : i32 to index
      %get3A_647 = tpu.vector_load %arg10[%get3A_646] {strides = array<i32>} : memref<32768xf32, #tpu.memory_space<vmem>>, vector<16xf32>,
      %add3A_648 = arith.addf %add3A_643, %get3A_647 : vector<16xf32>
      %add3A_649 = arith.constant 31744 : i32
      %add3A_650 = arith.addi %add3A_329, %add3A_649 : i32
      %get3A_651 = arith.index_cast %add3A_650 : i32 to index
      %get3A_652 = tpu.vector_load %arg11[%get3A_651] {strides = array<i32>} : memref<32768xf32, #tpu.memory_space<vmem>>, vector<16xf32>,
      %add3A_653 = arith.addf %add3A_648, %get3A_652 : vector<16xf32>
      %swap3A = arith.index_cast %add3A_329 : i32 to index
      %swap3A_654 = tpu.vector_load %arg14[%swap3A] {strides = array<i32>} : memref<1024xf32, #tpu.memory_space<vmem>>, vector<16xf32>,
      tpu.vector_store %arg14[%swap3A], %add3A_653 {strides = array<i32>} : memref<1024xf32, #tpu.memory_space<vmem>>, vector<16xf32>,
    }
    %scan3A_313 = arith.constant 64 : i32
    %mul3A_314 = arith.constant 32 : i32
    %mul3A_315 = arith.muli %add3A, %mul3A_314 : i32
    %mul3A_316 = arith.constant 32 : i32
    %mul3A_317 = arith.muli %add3A, %mul3A_316 : i32
    "tpu.region"() ({
      %run_scoped3A = tpu.sem_alloc : memref<!tpu.dma_semaphore, #tpu.memory_space<semaphore_mem>>
      %dma_start3A_325 = tpu.memref_slice %arg14[%mul3A_315] : memref<1024xf32, #tpu.memory_space<vmem>> -> memref<32xf32, #tpu.memory_space<vmem>>
      %dma_start3A_326 = tpu.memref_slice %arg7[%mul3A_317] : memref<1024xf32, #tpu.memory_space<hbm>> -> memref<32xf32, #tpu.memory_space<hbm>>
      %dma_start3A_327 = tpu.memref_slice %arg7[%mul3A_317] : memref<1024xf32, #tpu.memory_space<hbm>> -> memref<32xf32, #tpu.memory_space<hbm>>
      %dma_start3A_328 = tpu.memref_slice %arg14[%mul3A_315] : memref<1024xf32, #tpu.memory_space<vmem>> -> memref<32xf32, #tpu.memory_space<vmem>>
      tpu.enqueue_dma source(%dma_start3A_328 : memref<32xf32, #tpu.memory_space<vmem>>) target(%dma_start3A_327 : memref<32xf32, #tpu.memory_space<hbm>>) target_semaphore(%run_scoped3A : memref<!tpu.dma_semaphore, #tpu.memory_space<semaphore_mem>>)
      %dma_wait3A_329 = tpu.memref_slice %arg14[%mul3A_315] : memref<1024xf32, #tpu.memory_space<vmem>> -> memref<32xf32, #tpu.memory_space<vmem>>
      %dma_wait3A_330 = tpu.memref_slice %arg7[%mul3A_317] : memref<1024xf32, #tpu.memory_space<hbm>> -> memref<32xf32, #tpu.memory_space<hbm>>
      %dma_wait3A_331 = tpu.memref_slice %arg7[%mul3A_317] : memref<1024xf32, #tpu.memory_space<hbm>> -> memref<32xf32, #tpu.memory_space<hbm>>
      %dma_wait3A_332 = tpu.memref_slice %arg14[%mul3A_315] : memref<1024xf32, #tpu.memory_space<vmem>> -> memref<32xf32, #tpu.memory_space<vmem>>
      tpu.wait_dma2 semaphore(%run_scoped3A : memref<!tpu.dma_semaphore, #tpu.memory_space<semaphore_mem>>) src(%dma_wait3A_332 : memref<32xf32, #tpu.memory_space<vmem>>) dst(%dma_wait3A_331 : memref<32xf32, #tpu.memory_space<hbm>>)
      tpu.yield
    }) : () -> ()
    %eq3A = arith.constant 0 : i32
    %eq3A_318 = arith.cmpi eq, %add3A, %eq3A : i32
    %convert_element_type3A = arith.extui %eq3A_318 : i1 to i32
    %cond3A = arith.constant 0 : i32
    %cond3A_319 = arith.cmpi ne, %convert_element_type3A, %cond3A : i32
    scf.if %cond3A_319 {
      %swap3A = arith.constant 0 : index
      %swap3A_325 = tpu.vector_load %arg15[%swap3A] {strides = array<i32>} : memref<48xf32, #tpu.memory_space<vmem>>, vector<16xf32>,
      tpu.vector_store %arg15[%swap3A], %add3A_297 {strides = array<i32>} : memref<48xf32, #tpu.memory_space<vmem>>, vector<16xf32>,
      %swap3A_326 = arith.constant 16 : index
      %swap3A_327 = tpu.vector_load %arg15[%swap3A_326] {strides = array<i32>} : memref<48xf32, #tpu.memory_space<vmem>>, vector<16xf32>,
      tpu.vector_store %arg15[%swap3A_326], %add3A_303 {strides = array<i32>} : memref<48xf32, #tpu.memory_space<vmem>>, vector<16xf32>,
      %swap3A_328 = arith.constant 32 : index
      %swap3A_329 = tpu.vector_load %arg15[%swap3A_328] {strides = array<i32>} : memref<48xf32, #tpu.memory_space<vmem>>, vector<16xf32>,
      tpu.vector_store %arg15[%swap3A_328], %add3A_309 {strides = array<i32>} : memref<48xf32, #tpu.memory_space<vmem>>, vector<16xf32>,
      "tpu.region"() ({
        %run_scoped3A = tpu.sem_alloc : memref<!tpu.dma_semaphore, #tpu.memory_space<semaphore_mem>>
        tpu.enqueue_dma source(%arg15 : memref<48xf32, #tpu.memory_space<vmem>>) target(%arg8 : memref<48xf32, #tpu.memory_space<hbm>>) target_semaphore(%run_scoped3A : memref<!tpu.dma_semaphore, #tpu.memory_space<semaphore_mem>>)
        tpu.wait_dma2 semaphore(%run_scoped3A : memref<!tpu.dma_semaphore, #tpu.memory_space<semaphore_mem>>) src(%arg15 : memref<48xf32, #tpu.memory_space<vmem>>) dst(%arg8 : memref<48xf32, #tpu.memory_space<hbm>>)
        tpu.yield
      }) : () -> ()
    } else {
    }
    %scan3A_320 = arith.constant 0 : i32
    %scan3A_321 = arith.constant 512 : i32
    %scan3A_322 = arith.addi %scan3A_320, %scan3A_321 : i32
    %scan3A_323 = arith.constant 1 : i32
    scf.for %scan3A_325 = %scan3A_320 to %scan3A_322 step %scan3A_323  : i32 {
      %mul3A_326 = arith.constant 16 : i32
      %mul3A_327 = arith.muli %scan3A_325, %mul3A_326 : i32
      %add3A_328 = arith.constant 0 : i32
      %add3A_329 = arith.addi %add3A_328, %mul3A_327 : i32
      %get3A_330 = arith.index_cast %add3A_329 : i32 to index
      %get3A_331 = tpu.vector_load %arg16[%get3A_330] {strides = array<i32>} : memref<8192xi32, #tpu.memory_space<vmem>>, vector<16xi32>,
      %gather3A = tpu.vector_load_idx %arg14[%get3A_331] : memref<1024xf32, #tpu.memory_space<vmem>>[vector<16xi32>], vector<16xf32>,
      %swap3A = arith.index_cast %add3A_329 : i32 to index
      %swap3A_332 = tpu.vector_load %arg17[%swap3A] {strides = array<i32>} : memref<8192xf32, #tpu.memory_space<vmem>>, vector<16xf32>,
      tpu.vector_store %arg17[%swap3A], %gather3A {strides = array<i32>} : memref<8192xf32, #tpu.memory_space<vmem>>, vector<16xf32>,
    }
    %scan3A_324 = arith.constant 512 : i32
    "tpu.region"() ({
      %run_scoped3A = tpu.sem_alloc : memref<!tpu.dma_semaphore, #tpu.memory_space<semaphore_mem>>
      %dma_start3A_325 = tpu.memref_slice %arg9[%mul3A_2] : memref<262144xf32, #tpu.memory_space<hbm>> -> memref<8192xf32, #tpu.memory_space<hbm>>
      %dma_start3A_326 = tpu.memref_slice %arg9[%mul3A_2] : memref<262144xf32, #tpu.memory_space<hbm>> -> memref<8192xf32, #tpu.memory_space<hbm>>
      tpu.enqueue_dma source(%arg17 : memref<8192xf32, #tpu.memory_space<vmem>>) target(%dma_start3A_326 : memref<8192xf32, #tpu.memory_space<hbm>>) target_semaphore(%run_scoped3A : memref<!tpu.dma_semaphore, #tpu.memory_space<semaphore_mem>>)
      %dma_wait3A_327 = tpu.memref_slice %arg9[%mul3A_2] : memref<262144xf32, #tpu.memory_space<hbm>> -> memref<8192xf32, #tpu.memory_space<hbm>>
      %dma_wait3A_328 = tpu.memref_slice %arg9[%mul3A_2] : memref<262144xf32, #tpu.memory_space<hbm>> -> memref<8192xf32, #tpu.memory_space<hbm>>
      tpu.wait_dma2 semaphore(%run_scoped3A : memref<!tpu.dma_semaphore, #tpu.memory_space<semaphore_mem>>) src(%arg17 : memref<8192xf32, #tpu.memory_space<vmem>>) dst(%dma_wait3A_328 : memref<8192xf32, #tpu.memory_space<hbm>>)
      tpu.yield
    }) : () -> ()
    return
  }
}

module attributes {stable_mosaic.version = 14 : i64} {
  func.func @_tc_body(%arg0: i32, %arg1: memref<1x1x16384xf32, #tpu.memory_space<vmem>>, %arg2: memref<1x1x16384xf32, #tpu.memory_space<vmem>>, %arg3: memref<1x1x16384xf32, #tpu.memory_space<vmem>>, %arg4: memref<1x1x16384xi32, #tpu.memory_space<vmem>>, %arg5: memref<16x128xf32, #tpu.memory_space<vmem>>, %arg6: memref<64x16xf32, #tpu.memory_space<vmem>>, %arg7: memref<64x3xf32, #tpu.memory_space<vmem>>, %arg8: memref<8x128xf32, #tpu.memory_space<vmem>>, %arg9: memref<64x1xf32, #tpu.memory_space<vmem>>, %arg10: memref<64x1xf32, #tpu.memory_space<vmem>>, %arg11: memref<1x1xf32, #tpu.memory_space<vmem>>, %arg12: memref<1x1x16384xf32, #tpu.memory_space<vmem>>, %arg13: memref<1x1x16384xf32, #tpu.memory_space<vmem>>, %arg14: memref<1x1x16384xf32, #tpu.memory_space<vmem>>, %arg15: memref<1x1x16384xf32, #tpu.memory_space<vmem>>, %arg16: memref<64x128xf32, #tpu.memory_space<vmem>>) attributes {dimension_semantics = [#tpu.dimension_semantics<arbitrary>], iteration_bounds = array<i64: 16>, scalar_prefetch = 0 : i64, scratch_operands = 1 : i64, tpu.core_type = #tpu.core_type<tc>, window_params = [{transform_indices = @transform_0, window_bounds = array<i64: 1, 1, 16384>}, {transform_indices = @transform_1, window_bounds = array<i64: 1, 1, 16384>}, {transform_indices = @transform_2, window_bounds = array<i64: 1, 1, 16384>}, {transform_indices = @transform_3, window_bounds = array<i64: 1, 1, 16384>}, {pipeline_mode = #tpu.pipeline_mode<synchronous>, transform_indices = @transform_4, window_bounds = array<i64: 16, 128>}, {pipeline_mode = #tpu.pipeline_mode<synchronous>, transform_indices = @transform_5, window_bounds = array<i64: 64, 16>}, {pipeline_mode = #tpu.pipeline_mode<synchronous>, transform_indices = @transform_6, window_bounds = array<i64: 64, 3>}, {pipeline_mode = #tpu.pipeline_mode<synchronous>, transform_indices = @transform_7, window_bounds = array<i64: 8, 128>}, {pipeline_mode = #tpu.pipeline_mode<synchronous>, transform_indices = @transform_8, window_bounds = array<i64: 64, 1>}, {pipeline_mode = #tpu.pipeline_mode<synchronous>, transform_indices = @transform_9, window_bounds = array<i64: 64, 1>}, {pipeline_mode = #tpu.pipeline_mode<synchronous>, transform_indices = @transform_10, window_bounds = array<i64: 1, 1>}, {transform_indices = @transform_11, window_bounds = array<i64: 1, 1, 16384>}, {transform_indices = @transform_12, window_bounds = array<i64: 1, 1, 16384>}, {transform_indices = @transform_13, window_bounds = array<i64: 1, 1, 16384>}, {transform_indices = @transform_14, window_bounds = array<i64: 1, 1, 16384>}]} {
    %eq3A = arith.constant 0 : i32
    %eq3A_0 = arith.cmpi eq, %arg0, %eq3A : i32
    %convert_element_type3A = arith.extui %eq3A_0 : i1 to i32
    %cond3A = arith.constant 0 : i32
    %cond3A_1 = arith.cmpi ne, %convert_element_type3A, %cond3A : i32
    scf.if %cond3A_1 {
      %get3A_177 = arith.constant 0 : index
      %get3A_178 = arith.constant 0 : index
      %get3A_179 = vector.load %arg6[%get3A_177, %get3A_178] : memref<64x16xf32, #tpu.memory_space<vmem>>, vector<64x16xf32>
      %get3A_180 = arith.constant 0 : index
      %get3A_181 = arith.constant 0 : index
      %get3A_182 = vector.load %arg5[%get3A_180, %get3A_181] : memref<16x128xf32, #tpu.memory_space<vmem>>, vector<16x128xf32>
      %dot_general3A_183 = arith.constant dense<0.000000e+00> : vector<64x128xf32>
      %dot_general3A_184 = tpu.matmul %get3A_179, %get3A_182, %dot_general3A_183 {dimension_numbers = #tpu.dot_dimension_numbers<[1], [0], [0], [1], [0, 0, 1, 1], [], []>, transpose_lhs_hint = false} : vector<64x16xf32>, vector<16x128xf32>, vector<64x128xf32> -> vector<64x128xf32>
      %swap3A_185 = arith.constant 0 : index
      %swap3A_186 = arith.constant 0 : index
      %swap3A_187 = vector.load %arg16[%swap3A_185, %swap3A_186] : memref<64x128xf32, #tpu.memory_space<vmem>>, vector<64x128xf32>
      tpu.vector_store %arg16[%swap3A_185, %swap3A_186], %dot_general3A_184 {strides = array<i32>} : memref<64x128xf32, #tpu.memory_space<vmem>>, vector<64x128xf32>,
    } else {
    }
    %get3A = arith.constant 0 : index
    %get3A_2 = arith.constant 0 : index
    %get3A_3 = vector.load %arg16[%get3A, %get3A_2] : memref<64x128xf32, #tpu.memory_space<vmem>>, vector<64x128xf32>
    %get3A_4 = arith.constant 0 : index
    %get3A_5 = arith.constant 0 : index
    %get3A_6 = vector.load %arg9[%get3A_4, %get3A_5] : memref<64x1xf32, #tpu.memory_space<vmem>>, vector<64x1xf32>
    %get3A_7 = arith.constant 0 : index
    %get3A_8 = arith.constant 0 : index
    %get3A_9 = vector.load %arg10[%get3A_7, %get3A_8] : memref<64x1xf32, #tpu.memory_space<vmem>>, vector<64x1xf32>
    %get3A_10 = arith.constant 0 : index
    %get3A_11 = arith.constant 0 : index
    %get3A_12 = arith.constant 0 : index
    %get3A_13 = vector.load %arg1[%get3A_10, %get3A_11, %get3A_12] : memref<1x1x16384xf32, #tpu.memory_space<vmem>>, vector<1x1x16384xf32>
    %get3A_14 = vector.shape_cast %get3A_13 : vector<1x1x16384xf32> to vector<1x16384xf32>
    %slice3A = vector.extract_strided_slice %get3A_14 {offsets = [0, 0], sizes = [1, 8192], strides = [1, 1]} : vector<1x16384xf32> to vector<1x8192xf32>
    %get3A_15 = arith.constant 0 : index
    %get3A_16 = arith.constant 0 : index
    %get3A_17 = arith.constant 0 : index
    %get3A_18 = vector.load %arg2[%get3A_15, %get3A_16, %get3A_17] : memref<1x1x16384xf32, #tpu.memory_space<vmem>>, vector<1x1x16384xf32>
    %get3A_19 = vector.shape_cast %get3A_18 : vector<1x1x16384xf32> to vector<1x16384xf32>
    %slice3A_20 = vector.extract_strided_slice %get3A_19 {offsets = [0, 0], sizes = [1, 8192], strides = [1, 1]} : vector<1x16384xf32> to vector<1x8192xf32>
    %get3A_21 = arith.constant 0 : index
    %get3A_22 = arith.constant 0 : index
    %get3A_23 = arith.constant 0 : index
    %get3A_24 = vector.load %arg3[%get3A_21, %get3A_22, %get3A_23] : memref<1x1x16384xf32, #tpu.memory_space<vmem>>, vector<1x1x16384xf32>
    %get3A_25 = vector.shape_cast %get3A_24 : vector<1x1x16384xf32> to vector<1x16384xf32>
    %slice3A_26 = vector.extract_strided_slice %get3A_25 {offsets = [0, 0], sizes = [1, 8192], strides = [1, 1]} : vector<1x16384xf32> to vector<1x8192xf32>
    %concatenate3A = tpu.concatenate %slice3A, %slice3A_20, %slice3A_26 in 0 : vector<1x8192xf32>, vector<1x8192xf32>, vector<1x8192xf32> -> vector<3x8192xf32>
    %get3A_27 = arith.constant 0 : index
    %get3A_28 = arith.constant 0 : index
    %get3A_29 = arith.constant 0 : index
    %get3A_30 = vector.load %arg4[%get3A_27, %get3A_28, %get3A_29] : memref<1x1x16384xi32, #tpu.memory_space<vmem>>, vector<1x1x16384xi32>
    %get3A_31 = vector.shape_cast %get3A_30 : vector<1x1x16384xi32> to vector<1x16384xi32>
    %slice3A_32 = vector.extract_strided_slice %get3A_31 {offsets = [0, 0], sizes = [1, 8192], strides = [1, 1]} : vector<1x16384xi32> to vector<1x8192xi32>
    %broadcast_in_dim3A = vector.shape_cast %slice3A_32 : vector<1x8192xi32> to vector<1x8192xi32>
    %broadcast_in_dim3A_33 = vector.broadcast %broadcast_in_dim3A : vector<1x8192xi32> to vector<64x8192xi32>
    %lt3A = arith.constant 0 : i32
    %lt3A_34 = vector.broadcast %lt3A : i32 to vector<64x8192xi32>
    %lt3A_35 = arith.cmpi slt, %broadcast_in_dim3A_33, %lt3A_34 : vector<64x8192xi32>
    %add3A = arith.constant 128 : i32
    %add3A_36 = vector.broadcast %add3A : i32 to vector<64x8192xi32>
    %add3A_37 = arith.addi %broadcast_in_dim3A_33, %add3A_36 : vector<64x8192xi32>
    %select_n3A = arith.select %lt3A_35, %add3A_37, %broadcast_in_dim3A_33 : vector<64x8192xi1>, vector<64x8192xi32>
    %reshape3A = vector.shape_cast %select_n3A : vector<64x8192xi32> to vector<64x8192x1xi32>
    %gather3A = vector.shape_cast %reshape3A : vector<64x8192x1xi32> to vector<64x8192xi32>
    %gather3A_38 = tpu.dynamic_gather %get3A_3[%gather3A] in [1] : vector<64x128xf32>, vector<64x8192xi32> -> vector<64x8192xf32>
    %get3A_39 = arith.constant 0 : index
    %get3A_40 = arith.constant 0 : index
    %get3A_41 = vector.load %arg7[%get3A_39, %get3A_40] : memref<64x3xf32, #tpu.memory_space<vmem>>, vector<64x3xf32>
    %dot_general3A = arith.constant dense<0.000000e+00> : vector<64x8192xf32>
    %dot_general3A_42 = tpu.matmul %get3A_41, %concatenate3A, %dot_general3A {dimension_numbers = #tpu.dot_dimension_numbers<[1], [0], [0], [1], [0, 0, 1, 1], [], []>, transpose_lhs_hint = false} : vector<64x3xf32>, vector<3x8192xf32>, vector<64x8192xf32> -> vector<64x8192xf32>
    %add3A_43 = arith.addf %gather3A_38, %dot_general3A_42 : vector<64x8192xf32>
    %add3A_44 = vector.broadcast %get3A_9 : vector<64x1xf32> to vector<64x8192xf32>
    %add3A_45 = arith.addf %add3A_43, %add3A_44 : vector<64x8192xf32>
    %tanh3A = math.tanh %add3A_45 : vector<64x8192xf32>
    %mul3A = vector.broadcast %get3A_6 : vector<64x1xf32> to vector<64x8192xf32>
    %mul3A_46 = arith.mulf %tanh3A, %mul3A : vector<64x8192xf32>
    %mul3A_47 = arith.mulf %tanh3A, %mul3A_46 : vector<64x8192xf32>
    %sub3A = vector.broadcast %get3A_6 : vector<64x1xf32> to vector<64x8192xf32>
    %sub3A_48 = arith.subf %sub3A, %mul3A_47 : vector<64x8192xf32>
    %concatenate3A_49 = tpu.concatenate %tanh3A, %sub3A_48 in 0 : vector<64x8192xf32>, vector<64x8192xf32> -> vector<128x8192xf32>
    %get3A_50 = arith.constant 0 : index
    %get3A_51 = arith.constant 0 : index
    %get3A_52 = vector.load %arg8[%get3A_50, %get3A_51] : memref<8x128xf32, #tpu.memory_space<vmem>>, vector<8x128xf32>
    %dot_general3A_53 = arith.constant dense<0.000000e+00> : vector<8x8192xf32>
    %dot_general3A_54 = tpu.matmul %get3A_52, %concatenate3A_49, %dot_general3A_53 {dimension_numbers = #tpu.dot_dimension_numbers<[1], [0], [0], [1], [0, 0, 1, 1], [], []>, transpose_lhs_hint = false} : vector<8x128xf32>, vector<128x8192xf32>, vector<8x8192xf32> -> vector<8x8192xf32>
    %slice3A_55 = vector.extract_strided_slice %dot_general3A_54 {offsets = [0, 0], sizes = [1, 8192], strides = [1, 1]} : vector<8x8192xf32> to vector<1x8192xf32>
    %get3A_56 = arith.constant 0 : index
    %get3A_57 = arith.constant 0 : index
    %get3A_58 = vector.load %arg11[%get3A_56, %get3A_57] : memref<1x1xf32, #tpu.memory_space<vmem>>, vector<1x1xf32>
    %add3A_59 = vector.broadcast %get3A_58 : vector<1x1xf32> to vector<1x8192xf32>
    %add3A_60 = arith.addf %slice3A_55, %add3A_59 : vector<1x8192xf32>
    %swap3A = arith.constant 0 : index
    %swap3A_61 = arith.constant 0 : index
    %swap3A_62 = arith.constant 0 : index
    %swap3A_63 = vector.load %arg12[%swap3A, %swap3A_61, %swap3A_62] : memref<1x1x16384xf32, #tpu.memory_space<vmem>>, vector<1x1x8192xf32>
    %swap3A_64 = vector.shape_cast %swap3A_63 : vector<1x1x8192xf32> to vector<1x8192xf32>
    %swap3A_65 = vector.shape_cast %add3A_60 : vector<1x8192xf32> to vector<1x1x8192xf32>
    tpu.vector_store %arg12[%swap3A, %swap3A_61, %swap3A_62], %swap3A_65 {strides = array<i32>} : memref<1x1x16384xf32, #tpu.memory_space<vmem>>, vector<1x1x8192xf32>,
    %slice3A_66 = vector.extract_strided_slice %dot_general3A_54 {offsets = [1, 0], sizes = [1, 8192], strides = [1, 1]} : vector<8x8192xf32> to vector<1x8192xf32>
    %swap3A_67 = arith.constant 0 : index
    %swap3A_68 = arith.constant 0 : index
    %swap3A_69 = arith.constant 0 : index
    %swap3A_70 = vector.load %arg13[%swap3A_67, %swap3A_68, %swap3A_69] : memref<1x1x16384xf32, #tpu.memory_space<vmem>>, vector<1x1x8192xf32>
    %swap3A_71 = vector.shape_cast %swap3A_70 : vector<1x1x8192xf32> to vector<1x8192xf32>
    %swap3A_72 = vector.shape_cast %slice3A_66 : vector<1x8192xf32> to vector<1x1x8192xf32>
    tpu.vector_store %arg13[%swap3A_67, %swap3A_68, %swap3A_69], %swap3A_72 {strides = array<i32>} : memref<1x1x16384xf32, #tpu.memory_space<vmem>>, vector<1x1x8192xf32>,
    %slice3A_73 = vector.extract_strided_slice %dot_general3A_54 {offsets = [2, 0], sizes = [1, 8192], strides = [1, 1]} : vector<8x8192xf32> to vector<1x8192xf32>
    %swap3A_74 = arith.constant 0 : index
    %swap3A_75 = arith.constant 0 : index
    %swap3A_76 = arith.constant 0 : index
    %swap3A_77 = vector.load %arg14[%swap3A_74, %swap3A_75, %swap3A_76] : memref<1x1x16384xf32, #tpu.memory_space<vmem>>, vector<1x1x8192xf32>
    %swap3A_78 = vector.shape_cast %swap3A_77 : vector<1x1x8192xf32> to vector<1x8192xf32>
    %swap3A_79 = vector.shape_cast %slice3A_73 : vector<1x8192xf32> to vector<1x1x8192xf32>
    tpu.vector_store %arg14[%swap3A_74, %swap3A_75, %swap3A_76], %swap3A_79 {strides = array<i32>} : memref<1x1x16384xf32, #tpu.memory_space<vmem>>, vector<1x1x8192xf32>,
    %slice3A_80 = vector.extract_strided_slice %dot_general3A_54 {offsets = [3, 0], sizes = [1, 8192], strides = [1, 1]} : vector<8x8192xf32> to vector<1x8192xf32>
    %swap3A_81 = arith.constant 0 : index
    %swap3A_82 = arith.constant 0 : index
    %swap3A_83 = arith.constant 0 : index
    %swap3A_84 = vector.load %arg15[%swap3A_81, %swap3A_82, %swap3A_83] : memref<1x1x16384xf32, #tpu.memory_space<vmem>>, vector<1x1x8192xf32>
    %swap3A_85 = vector.shape_cast %swap3A_84 : vector<1x1x8192xf32> to vector<1x8192xf32>
    %swap3A_86 = vector.shape_cast %slice3A_80 : vector<1x8192xf32> to vector<1x1x8192xf32>
    tpu.vector_store %arg15[%swap3A_81, %swap3A_82, %swap3A_83], %swap3A_86 {strides = array<i32>} : memref<1x1x16384xf32, #tpu.memory_space<vmem>>, vector<1x1x8192xf32>,
    %get3A_87 = arith.constant 0 : index
    %get3A_88 = arith.constant 0 : index
    %get3A_89 = arith.constant 0 : index
    %get3A_90 = vector.load %arg1[%get3A_87, %get3A_88, %get3A_89] : memref<1x1x16384xf32, #tpu.memory_space<vmem>>, vector<1x1x16384xf32>
    %get3A_91 = vector.shape_cast %get3A_90 : vector<1x1x16384xf32> to vector<1x16384xf32>
    %slice3A_92 = vector.extract_strided_slice %get3A_91 {offsets = [0, 8192], sizes = [1, 8192], strides = [1, 1]} : vector<1x16384xf32> to vector<1x8192xf32>
    %get3A_93 = arith.constant 0 : index
    %get3A_94 = arith.constant 0 : index
    %get3A_95 = arith.constant 0 : index
    %get3A_96 = vector.load %arg2[%get3A_93, %get3A_94, %get3A_95] : memref<1x1x16384xf32, #tpu.memory_space<vmem>>, vector<1x1x16384xf32>
    %get3A_97 = vector.shape_cast %get3A_96 : vector<1x1x16384xf32> to vector<1x16384xf32>
    %slice3A_98 = vector.extract_strided_slice %get3A_97 {offsets = [0, 8192], sizes = [1, 8192], strides = [1, 1]} : vector<1x16384xf32> to vector<1x8192xf32>
    %get3A_99 = arith.constant 0 : index
    %get3A_100 = arith.constant 0 : index
    %get3A_101 = arith.constant 0 : index
    %get3A_102 = vector.load %arg3[%get3A_99, %get3A_100, %get3A_101] : memref<1x1x16384xf32, #tpu.memory_space<vmem>>, vector<1x1x16384xf32>
    %get3A_103 = vector.shape_cast %get3A_102 : vector<1x1x16384xf32> to vector<1x16384xf32>
    %slice3A_104 = vector.extract_strided_slice %get3A_103 {offsets = [0, 8192], sizes = [1, 8192], strides = [1, 1]} : vector<1x16384xf32> to vector<1x8192xf32>
    %concatenate3A_105 = tpu.concatenate %slice3A_92, %slice3A_98, %slice3A_104 in 0 : vector<1x8192xf32>, vector<1x8192xf32>, vector<1x8192xf32> -> vector<3x8192xf32>
    %get3A_106 = arith.constant 0 : index
    %get3A_107 = arith.constant 0 : index
    %get3A_108 = arith.constant 0 : index
    %get3A_109 = vector.load %arg4[%get3A_106, %get3A_107, %get3A_108] : memref<1x1x16384xi32, #tpu.memory_space<vmem>>, vector<1x1x16384xi32>
    %get3A_110 = vector.shape_cast %get3A_109 : vector<1x1x16384xi32> to vector<1x16384xi32>
    %slice3A_111 = vector.extract_strided_slice %get3A_110 {offsets = [0, 8192], sizes = [1, 8192], strides = [1, 1]} : vector<1x16384xi32> to vector<1x8192xi32>
    %broadcast_in_dim3A_112 = vector.shape_cast %slice3A_111 : vector<1x8192xi32> to vector<1x8192xi32>
    %broadcast_in_dim3A_113 = vector.broadcast %broadcast_in_dim3A_112 : vector<1x8192xi32> to vector<64x8192xi32>
    %lt3A_114 = arith.constant 0 : i32
    %lt3A_115 = vector.broadcast %lt3A_114 : i32 to vector<64x8192xi32>
    %lt3A_116 = arith.cmpi slt, %broadcast_in_dim3A_113, %lt3A_115 : vector<64x8192xi32>
    %add3A_117 = arith.constant 128 : i32
    %add3A_118 = vector.broadcast %add3A_117 : i32 to vector<64x8192xi32>
    %add3A_119 = arith.addi %broadcast_in_dim3A_113, %add3A_118 : vector<64x8192xi32>
    %select_n3A_120 = arith.select %lt3A_116, %add3A_119, %broadcast_in_dim3A_113 : vector<64x8192xi1>, vector<64x8192xi32>
    %reshape3A_121 = vector.shape_cast %select_n3A_120 : vector<64x8192xi32> to vector<64x8192x1xi32>
    %gather3A_122 = vector.shape_cast %reshape3A_121 : vector<64x8192x1xi32> to vector<64x8192xi32>
    %gather3A_123 = tpu.dynamic_gather %get3A_3[%gather3A_122] in [1] : vector<64x128xf32>, vector<64x8192xi32> -> vector<64x8192xf32>
    %get3A_124 = arith.constant 0 : index
    %get3A_125 = arith.constant 0 : index
    %get3A_126 = vector.load %arg7[%get3A_124, %get3A_125] : memref<64x3xf32, #tpu.memory_space<vmem>>, vector<64x3xf32>
    %dot_general3A_127 = arith.constant dense<0.000000e+00> : vector<64x8192xf32>
    %dot_general3A_128 = tpu.matmul %get3A_126, %concatenate3A_105, %dot_general3A_127 {dimension_numbers = #tpu.dot_dimension_numbers<[1], [0], [0], [1], [0, 0, 1, 1], [], []>, transpose_lhs_hint = false} : vector<64x3xf32>, vector<3x8192xf32>, vector<64x8192xf32> -> vector<64x8192xf32>
    %add3A_129 = arith.addf %gather3A_123, %dot_general3A_128 : vector<64x8192xf32>
    %add3A_130 = vector.broadcast %get3A_9 : vector<64x1xf32> to vector<64x8192xf32>
    %add3A_131 = arith.addf %add3A_129, %add3A_130 : vector<64x8192xf32>
    %tanh3A_132 = math.tanh %add3A_131 : vector<64x8192xf32>
    %mul3A_133 = vector.broadcast %get3A_6 : vector<64x1xf32> to vector<64x8192xf32>
    %mul3A_134 = arith.mulf %tanh3A_132, %mul3A_133 : vector<64x8192xf32>
    %mul3A_135 = arith.mulf %tanh3A_132, %mul3A_134 : vector<64x8192xf32>
    %sub3A_136 = vector.broadcast %get3A_6 : vector<64x1xf32> to vector<64x8192xf32>
    %sub3A_137 = arith.subf %sub3A_136, %mul3A_135 : vector<64x8192xf32>
    %concatenate3A_138 = tpu.concatenate %tanh3A_132, %sub3A_137 in 0 : vector<64x8192xf32>, vector<64x8192xf32> -> vector<128x8192xf32>
    %get3A_139 = arith.constant 0 : index
    %get3A_140 = arith.constant 0 : index
    %get3A_141 = vector.load %arg8[%get3A_139, %get3A_140] : memref<8x128xf32, #tpu.memory_space<vmem>>, vector<8x128xf32>
    %dot_general3A_142 = arith.constant dense<0.000000e+00> : vector<8x8192xf32>
    %dot_general3A_143 = tpu.matmul %get3A_141, %concatenate3A_138, %dot_general3A_142 {dimension_numbers = #tpu.dot_dimension_numbers<[1], [0], [0], [1], [0, 0, 1, 1], [], []>, transpose_lhs_hint = false} : vector<8x128xf32>, vector<128x8192xf32>, vector<8x8192xf32> -> vector<8x8192xf32>
    %slice3A_144 = vector.extract_strided_slice %dot_general3A_143 {offsets = [0, 0], sizes = [1, 8192], strides = [1, 1]} : vector<8x8192xf32> to vector<1x8192xf32>
    %get3A_145 = arith.constant 0 : index
    %get3A_146 = arith.constant 0 : index
    %get3A_147 = vector.load %arg11[%get3A_145, %get3A_146] : memref<1x1xf32, #tpu.memory_space<vmem>>, vector<1x1xf32>
    %add3A_148 = vector.broadcast %get3A_147 : vector<1x1xf32> to vector<1x8192xf32>
    %add3A_149 = arith.addf %slice3A_144, %add3A_148 : vector<1x8192xf32>
    %swap3A_150 = arith.constant 0 : index
    %swap3A_151 = arith.constant 0 : index
    %swap3A_152 = arith.constant 8192 : index
    %swap3A_153 = vector.load %arg12[%swap3A_150, %swap3A_151, %swap3A_152] : memref<1x1x16384xf32, #tpu.memory_space<vmem>>, vector<1x1x8192xf32>
    %swap3A_154 = vector.shape_cast %swap3A_153 : vector<1x1x8192xf32> to vector<1x8192xf32>
    %swap3A_155 = vector.shape_cast %add3A_149 : vector<1x8192xf32> to vector<1x1x8192xf32>
    tpu.vector_store %arg12[%swap3A_150, %swap3A_151, %swap3A_152], %swap3A_155 {strides = array<i32>} : memref<1x1x16384xf32, #tpu.memory_space<vmem>>, vector<1x1x8192xf32>,
    %slice3A_156 = vector.extract_strided_slice %dot_general3A_143 {offsets = [1, 0], sizes = [1, 8192], strides = [1, 1]} : vector<8x8192xf32> to vector<1x8192xf32>
    %swap3A_157 = arith.constant 0 : index
    %swap3A_158 = arith.constant 0 : index
    %swap3A_159 = arith.constant 8192 : index
    %swap3A_160 = vector.load %arg13[%swap3A_157, %swap3A_158, %swap3A_159] : memref<1x1x16384xf32, #tpu.memory_space<vmem>>, vector<1x1x8192xf32>
    %swap3A_161 = vector.shape_cast %swap3A_160 : vector<1x1x8192xf32> to vector<1x8192xf32>
    %swap3A_162 = vector.shape_cast %slice3A_156 : vector<1x8192xf32> to vector<1x1x8192xf32>
    tpu.vector_store %arg13[%swap3A_157, %swap3A_158, %swap3A_159], %swap3A_162 {strides = array<i32>} : memref<1x1x16384xf32, #tpu.memory_space<vmem>>, vector<1x1x8192xf32>,
    %slice3A_163 = vector.extract_strided_slice %dot_general3A_143 {offsets = [2, 0], sizes = [1, 8192], strides = [1, 1]} : vector<8x8192xf32> to vector<1x8192xf32>
    %swap3A_164 = arith.constant 0 : index
    %swap3A_165 = arith.constant 0 : index
    %swap3A_166 = arith.constant 8192 : index
    %swap3A_167 = vector.load %arg14[%swap3A_164, %swap3A_165, %swap3A_166] : memref<1x1x16384xf32, #tpu.memory_space<vmem>>, vector<1x1x8192xf32>
    %swap3A_168 = vector.shape_cast %swap3A_167 : vector<1x1x8192xf32> to vector<1x8192xf32>
    %swap3A_169 = vector.shape_cast %slice3A_163 : vector<1x8192xf32> to vector<1x1x8192xf32>
    tpu.vector_store %arg14[%swap3A_164, %swap3A_165, %swap3A_166], %swap3A_169 {strides = array<i32>} : memref<1x1x16384xf32, #tpu.memory_space<vmem>>, vector<1x1x8192xf32>,
    %slice3A_170 = vector.extract_strided_slice %dot_general3A_143 {offsets = [3, 0], sizes = [1, 8192], strides = [1, 1]} : vector<8x8192xf32> to vector<1x8192xf32>
    %swap3A_171 = arith.constant 0 : index
    %swap3A_172 = arith.constant 0 : index
    %swap3A_173 = arith.constant 8192 : index
    %swap3A_174 = vector.load %arg15[%swap3A_171, %swap3A_172, %swap3A_173] : memref<1x1x16384xf32, #tpu.memory_space<vmem>>, vector<1x1x8192xf32>
    %swap3A_175 = vector.shape_cast %swap3A_174 : vector<1x1x8192xf32> to vector<1x8192xf32>
    %swap3A_176 = vector.shape_cast %slice3A_170 : vector<1x8192xf32> to vector<1x1x8192xf32>
    tpu.vector_store %arg15[%swap3A_171, %swap3A_172, %swap3A_173], %swap3A_176 {strides = array<i32>} : memref<1x1x16384xf32, #tpu.memory_space<vmem>>, vector<1x1x8192xf32>,
    return
  }
  func.func @transform_0(%arg0: i32) -> (i32, i32, i32) {
    %c0_i32 = arith.constant 0 : i32
    %c0_i32_0 = arith.constant 0 : i32
    %c0_i32_1 = arith.constant 0 : i32
    return %arg0, %c0_i32, %c0_i32_0 : i32, i32, i32
  }
  func.func @transform_1(%arg0: i32) -> (i32, i32, i32) {
    %c0_i32 = arith.constant 0 : i32
    %c0_i32_0 = arith.constant 0 : i32
    %c0_i32_1 = arith.constant 0 : i32
    return %arg0, %c0_i32, %c0_i32_0 : i32, i32, i32
  }
  func.func @transform_2(%arg0: i32) -> (i32, i32, i32) {
    %c0_i32 = arith.constant 0 : i32
    %c0_i32_0 = arith.constant 0 : i32
    %c0_i32_1 = arith.constant 0 : i32
    return %arg0, %c0_i32, %c0_i32_0 : i32, i32, i32
  }
  func.func @transform_3(%arg0: i32) -> (i32, i32, i32) {
    %c0_i32 = arith.constant 0 : i32
    %c0_i32_0 = arith.constant 0 : i32
    %c0_i32_1 = arith.constant 0 : i32
    return %arg0, %c0_i32, %c0_i32_0 : i32, i32, i32
  }
  func.func @transform_4(%arg0: i32) -> (i32, i32) {
    %c0_i32 = arith.constant 0 : i32
    %c0_i32_0 = arith.constant 0 : i32
    %c0_i32_1 = arith.constant 0 : i32
    return %c0_i32, %c0_i32_0 : i32, i32
  }
  func.func @transform_5(%arg0: i32) -> (i32, i32) {
    %c0_i32 = arith.constant 0 : i32
    %c0_i32_0 = arith.constant 0 : i32
    %c0_i32_1 = arith.constant 0 : i32
    return %c0_i32, %c0_i32_0 : i32, i32
  }
  func.func @transform_6(%arg0: i32) -> (i32, i32) {
    %c0_i32 = arith.constant 0 : i32
    %c0_i32_0 = arith.constant 0 : i32
    %c0_i32_1 = arith.constant 0 : i32
    return %c0_i32, %c0_i32_0 : i32, i32
  }
  func.func @transform_7(%arg0: i32) -> (i32, i32) {
    %c0_i32 = arith.constant 0 : i32
    %c0_i32_0 = arith.constant 0 : i32
    %c0_i32_1 = arith.constant 0 : i32
    return %c0_i32, %c0_i32_0 : i32, i32
  }
  func.func @transform_8(%arg0: i32) -> (i32, i32) {
    %c0_i32 = arith.constant 0 : i32
    %c0_i32_0 = arith.constant 0 : i32
    %c0_i32_1 = arith.constant 0 : i32
    return %c0_i32, %c0_i32_0 : i32, i32
  }
  func.func @transform_9(%arg0: i32) -> (i32, i32) {
    %c0_i32 = arith.constant 0 : i32
    %c0_i32_0 = arith.constant 0 : i32
    %c0_i32_1 = arith.constant 0 : i32
    return %c0_i32, %c0_i32_0 : i32, i32
  }
  func.func @transform_10(%arg0: i32) -> (i32, i32) {
    %c0_i32 = arith.constant 0 : i32
    %c0_i32_0 = arith.constant 0 : i32
    %c0_i32_1 = arith.constant 0 : i32
    return %c0_i32, %c0_i32_0 : i32, i32
  }
  func.func @transform_11(%arg0: i32) -> (i32, i32, i32) {
    %c0_i32 = arith.constant 0 : i32
    %c0_i32_0 = arith.constant 0 : i32
    %c0_i32_1 = arith.constant 0 : i32
    return %arg0, %c0_i32, %c0_i32_0 : i32, i32, i32
  }
  func.func @transform_12(%arg0: i32) -> (i32, i32, i32) {
    %c0_i32 = arith.constant 0 : i32
    %c0_i32_0 = arith.constant 0 : i32
    %c0_i32_1 = arith.constant 0 : i32
    return %arg0, %c0_i32, %c0_i32_0 : i32, i32, i32
  }
  func.func @transform_13(%arg0: i32) -> (i32, i32, i32) {
    %c0_i32 = arith.constant 0 : i32
    %c0_i32_0 = arith.constant 0 : i32
    %c0_i32_1 = arith.constant 0 : i32
    return %arg0, %c0_i32, %c0_i32_0 : i32, i32, i32
  }
  func.func @transform_14(%arg0: i32) -> (i32, i32, i32) {
    %c0_i32 = arith.constant 0 : i32
    %c0_i32_0 = arith.constant 0 : i32
    %c0_i32_1 = arith.constant 0 : i32
    return %arg0, %c0_i32, %c0_i32_0 : i32, i32, i32
  }
}

module attributes {stable_mosaic.version = 14 : i64} {
  func.func @_tc2_body(%arg0: i32, %arg1: memref<1x1x8192xf32, #tpu.memory_space<vmem>>, %arg2: memref<1x1x8192xf32, #tpu.memory_space<vmem>>, %arg3: memref<1x1x8192xf32, #tpu.memory_space<vmem>>, %arg4: memref<1x1x8192xf32, #tpu.memory_space<vmem>>, %arg5: memref<1x1x8192xf32, #tpu.memory_space<vmem>>, %arg6: memref<1x1x48xf32, #tpu.memory_space<vmem>>, %arg7: memref<6x8192xf32, #tpu.memory_space<vmem>>) attributes {dimension_semantics = [#tpu.dimension_semantics<arbitrary>], iteration_bounds = array<i64: 32>, scalar_prefetch = 0 : i64, scratch_operands = 0 : i64, tpu.core_type = #tpu.core_type<tc>, window_params = [{transform_indices = @transform_0, window_bounds = array<i64: 1, 1, 8192>}, {transform_indices = @transform_1, window_bounds = array<i64: 1, 1, 8192>}, {transform_indices = @transform_2, window_bounds = array<i64: 1, 1, 8192>}, {transform_indices = @transform_3, window_bounds = array<i64: 1, 1, 8192>}, {transform_indices = @transform_4, window_bounds = array<i64: 1, 1, 8192>}, {pipeline_mode = #tpu.pipeline_mode<synchronous>, transform_indices = @transform_5, window_bounds = array<i64: 1, 1, 48>}, {transform_indices = @transform_6, window_bounds = array<i64: 6, 8192>}]} {
    %get3A = arith.constant 0 : index
    %get3A_0 = arith.constant 0 : index
    %get3A_1 = arith.constant 0 : index
    %get3A_2 = vector.load %arg1[%get3A, %get3A_0, %get3A_1] : memref<1x1x8192xf32, #tpu.memory_space<vmem>>, vector<1x1x8192xf32>
    %get3A_3 = vector.shape_cast %get3A_2 : vector<1x1x8192xf32> to vector<1x8192xf32>
    %get3A_4 = arith.constant 0 : index
    %get3A_5 = arith.constant 0 : index
    %get3A_6 = arith.constant 0 : index
    %get3A_7 = vector.load %arg2[%get3A_4, %get3A_5, %get3A_6] : memref<1x1x8192xf32, #tpu.memory_space<vmem>>, vector<1x1x8192xf32>
    %get3A_8 = vector.shape_cast %get3A_7 : vector<1x1x8192xf32> to vector<1x8192xf32>
    %add3A = arith.addf %get3A_3, %get3A_8 : vector<1x8192xf32>
    %get3A_9 = arith.constant 0 : index
    %get3A_10 = arith.constant 0 : index
    %get3A_11 = arith.constant 0 : index
    %get3A_12 = vector.load %arg6[%get3A_9, %get3A_10, %get3A_11] : memref<1x1x48xf32, #tpu.memory_space<vmem>>, vector<1x1x1xf32>
    %get3A_13 = vector.shape_cast %get3A_12 : vector<1x1x1xf32> to vector<1x1xf32>
    %broadcast_in_dim3A = vector.shape_cast %get3A_13 : vector<1x1xf32> to vector<1x1xf32>
    %broadcast_in_dim3A_14 = vector.broadcast %broadcast_in_dim3A : vector<1x1xf32> to vector<1x8192xf32>
    %get3A_15 = arith.constant 0 : index
    %get3A_16 = arith.constant 0 : index
    %get3A_17 = arith.constant 16 : index
    %get3A_18 = vector.load %arg6[%get3A_15, %get3A_16, %get3A_17] : memref<1x1x48xf32, #tpu.memory_space<vmem>>, vector<1x1x1xf32>
    %get3A_19 = vector.shape_cast %get3A_18 : vector<1x1x1xf32> to vector<1x1xf32>
    %broadcast_in_dim3A_20 = vector.shape_cast %get3A_19 : vector<1x1xf32> to vector<1x1xf32>
    %broadcast_in_dim3A_21 = vector.broadcast %broadcast_in_dim3A_20 : vector<1x1xf32> to vector<1x8192xf32>
    %get3A_22 = arith.constant 0 : index
    %get3A_23 = arith.constant 0 : index
    %get3A_24 = arith.constant 32 : index
    %get3A_25 = vector.load %arg6[%get3A_22, %get3A_23, %get3A_24] : memref<1x1x48xf32, #tpu.memory_space<vmem>>, vector<1x1x1xf32>
    %get3A_26 = vector.shape_cast %get3A_25 : vector<1x1x1xf32> to vector<1x1xf32>
    %broadcast_in_dim3A_27 = vector.shape_cast %get3A_26 : vector<1x1xf32> to vector<1x1xf32>
    %broadcast_in_dim3A_28 = vector.broadcast %broadcast_in_dim3A_27 : vector<1x1xf32> to vector<1x8192xf32>
    %get3A_29 = arith.constant 0 : index
    %get3A_30 = arith.constant 0 : index
    %get3A_31 = arith.constant 0 : index
    %get3A_32 = vector.load %arg3[%get3A_29, %get3A_30, %get3A_31] : memref<1x1x8192xf32, #tpu.memory_space<vmem>>, vector<1x1x8192xf32>
    %get3A_33 = vector.shape_cast %get3A_32 : vector<1x1x8192xf32> to vector<1x8192xf32>
    %mul3A = arith.mulf %get3A_33, %get3A_3 : vector<1x8192xf32>
    %get3A_34 = arith.constant 0 : index
    %get3A_35 = arith.constant 0 : index
    %get3A_36 = arith.constant 0 : index
    %get3A_37 = vector.load %arg4[%get3A_34, %get3A_35, %get3A_36] : memref<1x1x8192xf32, #tpu.memory_space<vmem>>, vector<1x1x8192xf32>
    %get3A_38 = vector.shape_cast %get3A_37 : vector<1x1x8192xf32> to vector<1x8192xf32>
    %mul3A_39 = arith.mulf %get3A_38, %get3A_3 : vector<1x8192xf32>
    %get3A_40 = arith.constant 0 : index
    %get3A_41 = arith.constant 0 : index
    %get3A_42 = arith.constant 0 : index
    %get3A_43 = vector.load %arg5[%get3A_40, %get3A_41, %get3A_42] : memref<1x1x8192xf32, #tpu.memory_space<vmem>>, vector<1x1x8192xf32>
    %get3A_44 = vector.shape_cast %get3A_43 : vector<1x1x8192xf32> to vector<1x8192xf32>
    %mul3A_45 = arith.mulf %get3A_44, %get3A_3 : vector<1x8192xf32>
    %mul3A_46 = arith.mulf %add3A, %broadcast_in_dim3A_14 : vector<1x8192xf32>
    %mul3A_47 = arith.mulf %add3A, %broadcast_in_dim3A_21 : vector<1x8192xf32>
    %mul3A_48 = arith.mulf %add3A, %broadcast_in_dim3A_28 : vector<1x8192xf32>
    %concatenate3A = tpu.concatenate %mul3A, %mul3A_39, %mul3A_45, %mul3A_46, %mul3A_47, %mul3A_48 in 0 : vector<1x8192xf32>, vector<1x8192xf32>, vector<1x8192xf32>, vector<1x8192xf32>, vector<1x8192xf32>, vector<1x8192xf32> -> vector<6x8192xf32>
    %swap3A = arith.constant 0 : index
    %swap3A_49 = arith.constant 0 : index
    %swap3A_50 = vector.load %arg7[%swap3A, %swap3A_49] : memref<6x8192xf32, #tpu.memory_space<vmem>>, vector<6x8192xf32>
    tpu.vector_store %arg7[%swap3A, %swap3A_49], %concatenate3A {strides = array<i32>} : memref<6x8192xf32, #tpu.memory_space<vmem>>, vector<6x8192xf32>,
    return
  }
  func.func @transform_0(%arg0: i32) -> (i32, i32, i32) {
    %c0_i32 = arith.constant 0 : i32
    %c0_i32_0 = arith.constant 0 : i32
    %c0_i32_1 = arith.constant 0 : i32
    return %arg0, %c0_i32, %c0_i32_0 : i32, i32, i32
  }
  func.func @transform_1(%arg0: i32) -> (i32, i32, i32) {
    %c0_i32 = arith.constant 0 : i32
    %c0_i32_0 = arith.constant 0 : i32
    %c0_i32_1 = arith.constant 0 : i32
    return %arg0, %c0_i32, %c0_i32_0 : i32, i32, i32
  }
  func.func @transform_2(%arg0: i32) -> (i32, i32, i32) {
    %c0_i32 = arith.constant 0 : i32
    %c0_i32_0 = arith.constant 0 : i32
    %c0_i32_1 = arith.constant 0 : i32
    return %arg0, %c0_i32, %c0_i32_0 : i32, i32, i32
  }
  func.func @transform_3(%arg0: i32) -> (i32, i32, i32) {
    %c0_i32 = arith.constant 0 : i32
    %c0_i32_0 = arith.constant 0 : i32
    %c0_i32_1 = arith.constant 0 : i32
    return %arg0, %c0_i32, %c0_i32_0 : i32, i32, i32
  }
  func.func @transform_4(%arg0: i32) -> (i32, i32, i32) {
    %c0_i32 = arith.constant 0 : i32
    %c0_i32_0 = arith.constant 0 : i32
    %c0_i32_1 = arith.constant 0 : i32
    return %arg0, %c0_i32, %c0_i32_0 : i32, i32, i32
  }
  func.func @transform_5(%arg0: i32) -> (i32, i32, i32) {
    %c0_i32 = arith.constant 0 : i32
    %c0_i32_0 = arith.constant 0 : i32
    %c0_i32_1 = arith.constant 0 : i32
    %c0_i32_2 = arith.constant 0 : i32
    return %c0_i32, %c0_i32_0, %c0_i32_1 : i32, i32, i32
  }
  func.func @transform_6(%arg0: i32) -> (i32, i32) {
    %c0_i32 = arith.constant 0 : i32
    %c0_i32_0 = arith.constant 0 : i32
    return %c0_i32, %arg0 : i32, i32
  }
}

</mosaic_0001>

<sc_bundles>
// kernel: kernel.10.cloned.1.call-start
scs
__scs_entry_jumppad:
0x0: {  	(pc) =	sbr.rel $0x88, $3  }
0x1: {  	(tag) =	ssettag $0x0;
	lr =	simm.s32 $0x1  }
0x2: {  	[smem:$0x3F96] =	sst lr;
	_ =	strace $0xD0000000  }
0x3: {  	_ = 	snop  }
0x4: {  	_ = 	snop  }
0x5: {  	_ = 	snop  }
0x6: {  	_ = 	snop  }
0x7: {  	_ = 	snop  }
__scs_overlays_trampoline_lowered:
0x8: {  	[smem:$0x3FA5] =	sst s0  }
0x9: {  	[smem:$0x3FA6] =	sst s1  }
0xa: {  	[smem:$0x3FA7] =	sst s2  }
0xb: {  	[smem:$0x3FA8] =	sst s3  }
0xc: {  	[smem:$0x3FA9] =	sst s4  }
0xd: {  	[smem:$0x3FAA] =	sst s5  }
0xe: {  	[smem:$0x3FAB] =	sst s6  }
0xf: {  	[smem:$0x3FAC] =	sst s7  }
0x10: {  	[smem:$0x3FAD] =	sst s8  }
0x11: {  	[smem:$0x3FAE] =	sst s9;
	s0 =	simm.s32 @!p0 $0x0  }
0x12: {  	s1 =	sld [smem:$0x3F94];
	s0 =	simm.s32 @p0 $0x1  }
0x13: {  	[smem:$0x3FAF] =	sst s0;
	s0 =	simm.s32 @!p1 $0x0  }
0x14: {  	s2 =	sld [smem:$0x3F93];
	s0 =	simm.s32 @p1 $0x1  }
0x15: {  	[smem:$0x3FB0] =	sst s0;
	s0 =	simm.s32 @!p2 $0x0  }
0x16: {  	s3 =	sld [smem:$0x3FDB];
	s0 =	simm.s32 @p2 $0x1  }
0x17: {  	s4 =	simm.s32 $0x1BF5;
	[smem:$0x3FB2] =	sst s0  }
0x18: {  	s0 =	sld [smem:$0x3F95];
	_ =	swait.ge [sflag:s4], $0x0  }
0x19: {  	s7 =	sld [smem:$0x3F96]  }
0x1a: {  	s8 =	sadd.s32 $0xFFFFE003, lr  }
0x1b: {  	s9 =	sadd.s32 $0xFFFFFEF7, lr;
	s5 =	simm.s32 $0xFFFFFFFF;
	p2 =	slt.u32 s8, $0xFFFFF086  }
0x1c: {  	p1 =	slt.u32 s9, $0xF7A;
	s5 =	simm.s32 @!p2 $0x0  }
0x1d: {  	s5 =	simm.s32 @p1 $0x1;
	p0 =	seq.s32 s7, s2  }
0x1e: {  	s7 =	smul.u32 @!p0 $0xF7A, s2;
	p2 =	seq.s32 @!p0 s5, $0x0  }
0x1f: {  	s9 =	smul.u32 $0xF7A, s1;
	s8 =	simm.s32 @!p0 $0x1BF5;
	p2 =	por !p2, p0  }
0x20: {  	[sflag:s8] =	ssyncset.s32 @!p0 $0xFFFFF086;
	s6 =	sadd.s32 @!p0 s3, s7;
	s7 =	simm.s32 @!p0 $0x108  }
0x21: {  	s3 =	sadd.s32 s3, s9;
	s6 =	sadd.s32 @!p0 $0x88, s6;
	s7 =	simm.s32 @p2 $0x1082  }
0x22: {  	[simem:s7], [sflag:s8] =	dma.local @!p0 [hbm:s6], $0xF7A  }
0x23: {  	s9 =	sor.u32 $0xD0000000, s2;
	s6 =	simm.s32 $0x108;
	_ =	swait.ge @!p0 [sflag:s8], $0x0  }
0x24: {  	s3 =	sadd.s32 $0x88, s3;
	s6 =	simm.s32 @!p1 $0x1082;
	[sflag:s4] =	ssyncset.s32 $0xFFFFF086  }
0x25: {  	[simem:s6], [sflag:s4] =	dma.local [hbm:s3], $0xF7A  }
0x26: {  	[smem:$0x3F96] =	sst s1;
	(tag) =	ssettag s2;
	_ =	strace s9  }
0x27: {  	s1 =	sld [smem:$0x3FA6]  }
0x28: {  	s2 =	sld [smem:$0x3FA7]  }
0x29: {  	s4 =	sld [smem:$0x3FA9]  }
0x2a: {  	p0 =	seq.s32 s5, $0x0;
	s5 =	sld [smem:$0x3FAA]  }
0x2b: {  	s6 =	sld [smem:$0x3FAB]  }
0x2c: {  	s7 =	sld [smem:$0x3FAC]  }
0x2d: {  	s3 =	simm.s32 $0x108;
	s8 =	sld [smem:$0x3FAD]  }
0x2e: {  	s3 =	simm.s32 @!p0 $0x1082;
	s9 =	sld [smem:$0x3FAE]  }
0x2f: {  	lr =	sadd.s32 s0, s3;
	s0 =	sld [smem:$0x3FA5]  }
0x30: {  	s3 =	sld [smem:$0x3FA8]  }
0x31: {  	[smem:$0x3FB1] =	sst s10  }
0x32: {  	s10 =	sld [smem:$0x3FAF];
	_ =	sdelay $0x3  }
0x33: {  	p0 =	seq.s32 s10, $0x1;
	s10 =	sld [smem:$0x3FB1];
	_ =	sdelay $0x3  }
0x34: {  	[smem:$0x3FB1] =	sst s10  }
0x35: {  	s10 =	sld [smem:$0x3FB0];
	_ =	sdelay $0x3  }
0x36: {  	p1 =	seq.s32 s10, $0x1;
	s10 =	sld [smem:$0x3FB1];
	_ =	sdelay $0x3  }
0x37: {  	[smem:$0x3FB1] =	sst s10  }
0x38: {  	s10 =	sld [smem:$0x3FB2]  }
0x39: {  	_ = 	snop;
	(pc) =	sbr.ind lr, $3  }
0x3a: {  	_ = 	snop  }
0x3b: {  	_ = 	snop  }
0x3c: {  	p2 =	seq.s32 s10, $0x1;
	s10 =	sld [smem:$0x3FB1]  }
0x3d: {  	_ =	shalt  }
0x3e: {  	_ =	shalt  }
0x3f: {  	_ =	shalt  }
0x40: {  	_ =	shalt  }
0x41: {  	_ =	shalt  }
0x42: {  	_ =	shalt  }
0x43: {  	_ =	shalt  }
0x44: {  	_ =	shalt  }
0x45: {  	_ =	shalt  }
0x46: {  	_ =	shalt  }
0x47: {  	_ =	shalt  }
0x48: {  	_ =	shalt  }
0x49: {  	_ =	shalt  }
0x4a: {  	_ =	shalt  }
0x4b: {  	_ =	shalt  }
0x4c: {  	_ =	shalt  }
0x4d: {  	_ =	shalt  }
0x4e: {  	_ =	shalt  }
0x4f: {  	_ =	shalt  }
0x50: {  	_ =	shalt  }
0x51: {  	_ =	shalt  }
0x52: {  	_ =	shalt  }
0x53: {  	_ =	shalt  }
0x54: {  	_ =	shalt  }
0x55: {  	_ =	shalt  }
0x56: {  	_ =	shalt  }
0x57: {  	_ =	shalt  }
0x58: {  	_ =	shalt  }
0x59: {  	_ =	shalt  }
0x5a: {  	_ =	shalt  }
0x5b: {  	_ =	shalt  }
0x5c: {  	_ =	shalt  }
0x5d: {  	_ =	shalt  }
0x5e: {  	_ =	shalt  }
0x5f: {  	_ =	shalt  }
0x60: {  	_ =	shalt  }
0x61: {  	_ =	shalt  }
0x62: {  	_ =	shalt  }
0x63: {  	_ =	shalt  }
0x64: {  	_ =	shalt  }
0x65: {  	_ =	shalt  }
0x66: {  	_ =	shalt  }
0x67: {  	_ =	shalt  }
0x68: {  	_ =	shalt  }
0x69: {  	_ =	shalt  }
0x6a: {  	_ =	shalt  }
0x6b: {  	_ =	shalt  }
0x6c: {  	_ =	shalt  }
0x6d: {  	_ =	shalt  }
0x6e: {  	_ =	shalt  }
0x6f: {  	_ =	shalt  }
0x70: {  	_ =	shalt  }
0x71: {  	_ =	shalt  }
0x72: {  	_ =	shalt  }
0x73: {  	_ =	shalt  }
0x74: {  	_ =	shalt  }
0x75: {  	_ =	shalt  }
0x76: {  	_ =	shalt  }
0x77: {  	_ =	shalt  }
0x78: {  	_ =	shalt  }
0x79: {  	_ =	shalt  }
0x7a: {  	_ =	shalt  }
0x7b: {  	_ =	shalt  }
0x7c: {  	_ =	shalt  }
0x7d: {  	_ =	shalt  }
0x7e: {  	_ =	shalt  }
0x7f: {  	_ =	shalt  }
0x80: {  	_ =	shalt  }
0x81: {  	_ =	shalt  }
0x82: {  	_ =	shalt  }
0x83: {  	_ =	shalt  }
0x84: {  	_ =	shalt  }
0x85: {  	_ =	shalt  }
0x86: {  	_ =	shalt  }
0x87: {  	_ =	shalt  }
.Lfunc_end0:
.L_simem_size_0:
called_computation.1_lowered:
.L_overlay_start_0:
0x88: {  	s2 =	sld [smem:$0x3FD9]  }
0x89: {  	s3 =	sld [smem:$0x3FFE];
	_ =	sdelay $0x1  }
0x8a: {  	s1 =	srdreg.scid  }
0x8b: {  	s0 =	sand.u32 $0x1, s1  }
0x8c: {  	s17 =	sshll.u32 s0, $0xA;
	s2 =	sadd.s32 s3, s2  }
0x8d: {  	s2 =	sadd.s32 s2, s17  }
0x8e: {  	[smem:$0x3FBD] =	sst s2  }
0x8f: {  	_ = 	snop  }
0x90: {  	s2 =	sld [smem:$0x3FC7];
	(tm) =	ssettm $0x1  }
0x91: {  	s18 =	sld [smem:$0x3FFB];
	_ =	sdelay $0x3  }
0x92: {  	_ =	strace s18  }
0x93: {  	s3 =	sld [smem:$0x3FFC];
	_ =	sdelay $0x3  }
0x94: {  	_ =	strace s3  }
0x95: {  	s3 =	sld [smem:$0x3FFD];
	_ =	sdelay $0x3  }
0x96: {  	_ =	strace s3  }
0x97: {  	_ =	strace $0x8FFFFFFF  }
0x98: {  	s19 =	sld [smem:$0x3FDB];
	_ =	sdelay $0x1  }
0x99: {  	s4 =	simm.s32 $_scs_section_size  }
0x9a: {  	s5 =	simm.s32 $_size__tile_overlayer_lowered;
	s6 =	simm.s32 $_tile_overlayer_lowered  }
0x9b: {  	s22 =	simm.s32 $0x1BFF;
	s21 =	sshll.u32 s6, $0x1;
	s3 =	sadd.s32 s4, s19  }
0x9c: {  	s7 =	simm.s32 $0x0;
	s20 =	sshll.u32 s5, $0x1;
	s5 =	sadd.s32 s21, s3  }
0x9d: {  	[timem:s7], [sflag:s22] =	dma.local [hbm:s5], s20  }
0x9e: {  	_ =	swait.ge [sflag:s22], s20  }
0x9f: {  	s4 =	ssub.s32 $0x0, s20;
	[sflag:s22] =	ssyncset.done $0x0  }
0xa0: {  	[sflag:s22] =	ssyncadd.s32 s4;
	_ =	sdelay $0x1  }
0xa1: {  	s23 =	simm.s32 $0x1B8B  }
0xa2: {  	_ =	swait.ge [sflag:s23], $0x1  }
0xa3: {  	[sflag:s23] =	ssyncset.done $0x0  }
0xa4: {  	s25 =	simm.s32 $0x1B8E;
	s24 =	sld [smem:$0x3FFE];
	[sflag:s23] =	ssyncadd.s32 $0xFFFFFFFF  }
0xa5: {  	s26 =	simm.s32 $execute0_lowered;
	[smem:$0x3FD2] =	sst s25  }
0xa6: {  	s5 =	sshll.u32 s26, $0x1;
	_ =	strace $0x80000046;
	[dreg:$0x1] =	wrdreg $0xFFFFFFFF  }
0xa7: {  	s28 =	simm.s32 $_size_execute0_lowered;
	s3 =	sadd.s32 s3, s5;
	[dreg:$0x0] =	wrdreg $0x0  }
0xa8: {  	s5 =	sshll.u32 s28, $0x1;
	[dreg:$0x2] =	wrdreg s3  }
0xa9: {  	[dreg:$0x3] =	wrdreg s5  }
0xaa: {  	[dreg:$0x4] =	wrdreg $0xC0  }
0xab: {  	_ =	task [dreg:s7], $0x5FFFF  }
0xac: {  	[dreg:$0x1] =	wrdreg $0xFFFFFFFF  }
0xad: {  	[dreg:$0x0] =	wrdreg $0x60  }
0xae: {  	[dreg:$0x2] =	wrdreg s24  }
0xaf: {  	[dreg:$0x3] =	wrdreg s2  }
0xb0: {  	[dreg:$0x4] =	wrdreg $0xA  }
0xb1: {  	_ =	task.clear_ibuf [dreg:s7], $0x5FFFF;
	_ =	strace $0x90000046  }
0xb2: {  	s29 =	simm.s32 $0xA;
	_ =	strace $0x80000048  }
0xb3: {  	_ =	swait.ge [sflag:s29], $0x1  }
0xb4: {  	[sflag:s29] =	ssyncadd.s32 $0xFFFFFFFF  }
0xb5: {  	_ =	strace $0x90000048  }
0xb6: {  	_ =	sfence  }
0xb7: {  	s30 =	sld [smem:$0x0];
	_ =	sdelay $0x2  }
0xb8: {  	s31 =	sshll.u32 s1, $0xD;
	s1 =	sshrl.u32 s1, $0x2  }
0xb9: {  	s3 =	sand.u32 $0x4000, s31;
	s1 =	sadd.s32 s1, s30  }
0xba: {  	s0 =	sor.u32 s3, s0;
	s1 =	sshll.u32 s1, $0x11  }
0xbb: {  	s0 =	sor.u32 s1, s0  }
0xbc: {  	s0 =	sadd.s32 $0x8F2B, s0  }
0xbd: {  	[sflag:s0] =	ssyncadd.remote.s32 $0x1  }
0xbe: {  	_ =	sfence.sel $0xFFFF  }
0xbf: {  	[dreg:$0x0] =	wrdreg $0xFFFFFFFF;
	(pc) =	sbr.abs _section_cstart, $3  }
0xc0: {  	[dreg:$0x1] =	wrdreg $0xFFFFFFFF  }
0xc1: {  	_ =	task.clear_ibuf [dreg:s7], $0x2FFFF;
	_ =	strace $0x9FFFFFFF  }
0xc2: {  	(tm) =	ssettm $0x7FFFFFFF  }
0xc3: {  	_ =	shalt  }
tec
execute0_lowered:
.L_overlay_start_1:
0x0: {  	(tag) =	ssettag $0x1  }
0x1: {  	s3 =	rddreg [dreg:$0x0]  }
0x2: {  	s4 =	rddreg [dreg:$0x1];
	s1 =	srdreg.scid  }
0x3: {  	v0 =	vimm.s32 $0xFFEDCBA9;
	v1 =	vimm.s32 $0x87654321;
	s0 =	rddreg [dreg:$0x2];
	s2 =	simm.s32 $0x0;
	s10 =	simm.s32 $0x2  }
0x4: {  	v2 =	vimm.s32 $0xEDCBA987;
	s11 =	simm.s32 $0x0;
	v0 =	vunpack.c.l.s4.s8 v0;
	s5 =	sand.u32 $0x1, s1;
	v1 =	vunpack.c.l.s4.s8 v1;
	[smem:$0x7FF] =	sst s2  }
0x5: {  	v3 =	vimm.s32 $0x65432100;
	s1 =	stileid.u32;
	v2 =	vunpack.c.l.s4.s8 v2;
	s6 =	sshll.u32 s5, $0x4;
	s5 =	ssub.s32 $0x2, s5  }
0x6: {  	v3 =	vunpack.c.l.s4.s8 v3;
	_ =	strace $0x80000047;
	v0 =	vunpack.c.0.s8.s32 v0;
	s6 =	sor.u32 s1, s6;
	v1 =	vunpack.c.0.s8.s32 v1;
	s8 =	sshrl.u32 s5, $0x1  }
0x7: {  	v2 =	vunpack.c.0.s8.s32 v2;
	s7 =	sshll.u32 s6, $0xA;
	s6 =	sshll.u32 s6, $0x7;
	s8 =	ssub.s32 s5, s8  }
0x8: {  	v3 =	vunpack.c.0.s8.s32 v3;
	s9 =	sadd.s32 s7, s3;
	s6 =	sadd.s32 s6, s3;
	v1 =	vcombine.low v1, v0;
	s4 =	sadd.s32 s4, s7  }
0x9: {  	vm0 =	vcmask $0x3F3C;
	vm1 =	vmmov $0x1;
	s7 =	simm.s32 $0x2000;
	v2 =	vand.u32 $0xF, v2;
	s3 =	sadd.s32 $0x3000, s9;
	s5 =	sadd.s32 $0xB000, s6  }
0xa: {  	v0 =	vimm.f32 $0.0e+00;
	s6 =	smax.u32 s8, $0x1;
	s8 =	simm.s32 $0x1;
	v2 =	vcombine.low v3, v2;
	s9 =	simm.s32 $0x4000;
	v1 =	vand.u32 $0xF, v1  }
.LBB2_1:
0xb: {  	[tilespmem:s2], [sflag:$0x1] =	stream.linear.gather [hbm4b:s3+s2], $0x2000, $0x38;
	[tilespmem:$0x4400] =	vst v63  }
0xc: {  	s12 =	simm.s32 $0x40;
	s13 =	simm.s32 $0x0  }
0xd: {  	[tilespmem:s7], [sflag:$0x1] =	stream.linear.gather [hbm4b:s4+s2], $0x2000, $0x38;
	[tilespmem:$0x4400] =	vst v63  }
.LBB2_2:
0xe: {  	p0 =	sne.s32 s12, $0xFC0;
	[tilespmem:s13+$0x4000] =	vst v0;
	s13 =	smov.u32 s12;
	s12 =	sadd.s32 $0x40, s12  }
.Ltmp0:
0xf: {  	(pc) =	sbr.rel @p0 .LBB2_2-.Ltmp0, $2  }
0x10: {  	_ =	sdelay $0x2  }
0x11: {  	s13 =	sshra.s32 s13, $0x2  }
0x12: {  	[tilespmem:s13+$0x4000] =	vst v0  }
0x13: {  	_ =	swait.ge [sflag:s8], $0x2000  }
0x14: {  	[sflag:s8] =	ssyncset.done $0x0  }
0x15: {  	[sflag:s8] =	ssyncadd.s32 $0xFFFFE000  }
0x16: {  	_ =	swait.ge [sflag:s8], $0x2000  }
0x17: {  	s12 =	simm.s32 $0x0;
	[sflag:s8] =	ssyncset.done $0x0  }
0x18: {  	v3 =	vor.u32 s12, v1;
	[sflag:s8] =	ssyncadd.s32 $0xFFFFE000  }
0x19: {  	v4 =	vld [tilespmem:s12+$0x0]  }
0x1a: {  	v5 =	vor.u32 s12, v2;
	_ =	sdelay $0x2  }
0x1b: {  	s12 =	simm.s32 $0x2000;
	v3 =	vld.idx.msk [tilespmem:v3+s7+$0x0], $0xffff  }
0x1c: {  	v6 =	vld [tilespmem:s12+$0x0];
	(xrf2) =	vadd.scan.msk.f32 $0xffff, v4  }
0x1d: {  	v5 =	vld.idx.msk [tilespmem:v5+s7+$0x0], $0xffff;
	_ =	sdelay $0x3  }
0x1e: {  	vm2 =	vne.s32 v6, v3  }
0x1f: {  	vm3 =	vne.s32 v6, v5;
	vm2 =	vmor vm2, vm0  }
0x20: {  	vm3 =	vmor vm3, vm1;
	_ =	sdelay $0x2  }
0x21: {  	v3, _, _ =	vpop (xrf2)  }
0x22: {  	v4 =	vsub.f32 v4, v3  }
0x23: {  	s13 =	simm.s32 $0x10;
	[tilespmem:v6+s9+$0x0] =	vst.idx.add.f32.msk vm2, v3  }
0x24: {  	[tilespmem:v6+s9+$0x0] =	vst.idx.add.f32.msk vm3, v4;
	v4 =	vor.u32 s13, v2  }
0x25: {  	v5 =	vor.u32 s13, v1  }
0x26: {  	s14 =	simm.s32 $0x20;
	v3 =	vld [tilespmem:s13+$0x0]  }
.LBB2_4:
0x27: {  	p0 =	sne.s32 s14, $0x1FF0;
	_ =	sdelay $0x1  }
0x28: {  	v4 =	vld.idx.msk [tilespmem:v4+s7+$0x0], $0xffff  }
0x29: {  	s12 =	sadd.s32 $0x10, s12;
	v5 =	vld.idx.msk [tilespmem:v5+s7+$0x0], $0xffff  }
0x2a: {  	v6 =	vld [tilespmem:s12+$0x0];
	(xrf2) =	vadd.scan.msk.f32 $0xffff, v3;
	_ =	sdelay $0x4  }
0x2b: {  	vm2 =	vne.s32 v6, v5  }
0x2c: {  	vm3 =	vne.s32 v6, v4;
	vm2 =	vmor vm2, vm0  }
0x2d: {  	vm3 =	vmor vm3, vm1;
	_ =	sdelay $0x2  }
.Ltmp1:
0x2e: {  	v5, _, _ =	vpop (xrf2);
	(pc) =	sbr.rel @p0 .LBB2_4-.Ltmp1, $4  }
0x2f: {  	v3 =	vsub.f32 v3, v5  }
0x30: {  	v4 =	vor.u32 s14, v2;
	[tilespmem:v6+s9+$0x0] =	vst.idx.add.f32.msk vm2, v5  }
0x31: {  	s13 =	sadd.s32 $0x10, s13;
	v5 =	vor.u32 s14, v1;
	[tilespmem:v6+s9+$0x0] =	vst.idx.add.f32.msk vm3, v3  }
0x32: {  	s14 =	sadd.s32 $0x10, s14;
	v3 =	vld [tilespmem:s13+$0x0]  }
0x33: {  	_ =	sdelay $0x3  }
0x34: {  	v5 =	vld.idx.msk [tilespmem:v5+s7+$0x0], $0xffff;
	s12 =	sadd.s32 $0x10, s12  }
0x35: {  	v6 =	vld [tilespmem:s12+$0x0];
	(xrf2) =	vadd.scan.msk.f32 $0xffff, v3  }
0x36: {  	v4 =	vld.idx.msk [tilespmem:v4+s7+$0x0], $0xffff;
	_ =	sdelay $0x3  }
0x37: {  	vm2 =	vne.s32 v6, v5  }
0x38: {  	vm3 =	vne.s32 v6, v4;
	vm2 =	vmor vm2, vm0  }
0x39: {  	vm3 =	vmor vm3, vm1;
	_ =	sdelay $0x2  }
0x3a: {  	v63, _, _ =	vpop (xrf2)  }
0x3b: {  	s11 =	sadd.s32 $0x1, s11;
	v3 =	vsub.f32 v3, v63  }
0x3c: {  	p0 =	sne.s32 s11, s6;
	[tilespmem:v6+s9+$0x0] =	vst.idx.add.f32.msk vm2, v63  }
.Ltmp2:
0x3d: {  	[tilespmem:v6+s9+$0x0] =	vst.idx.add.f32.msk vm3, v3;
	(pc) =	sbr.rel @p0 .LBB2_1-.Ltmp2, $4  }
0x3e: {  	[hbm4b:s5+s2] =	stream.linear.scatter [tilespmem:s9], [sflag:$0x2], $0x400, $0x38;
	[tilespmem:$0x4400] =	vst v63  }
0x3f: {  	_ =	swait.ge [sflag:s10], $0x400  }
0x40: {  	[sflag:s10] =	ssyncset.done $0x0  }
0x41: {  	[sflag:s10] =	ssyncadd.s32 $0xFFFFFC00  }
0x42: {  	_ =	sfence.sel $0x180000  }
0x43: {  	[bflag:$0x0] =	sbarrier.arrive $0xFFFF  }
0x44: {  	p0 =	sne.s32 s1, $0x0;
	_ =	strace $0x90000047  }
0x45: {  	s0 =	sadd.s32 @!p0 $0x100000, s0;
	[bflag:$0x2] =	sbarrier.arrive $0xFFFF  }
0x46: {  	[sflag:s0] =	ssyncadd.tile.s32 @!p0 $0x1;
	_ =	shalt  }
.Lfunc_end2:
_tile_overlayer_lowered:
.L_overlay_start_2:
0x47: {  	(tag) =	ssettag $0x2  }
0x48: {  	s0 =	rddreg [dreg:$0x0];
	s2 =	stileid.u32  }
0x49: {  	s1 =	rddreg [dreg:$0x1];
	p0 =	sne.s32 s2, $0x0  }
0x4a: {  	s3 =	rddreg [dreg:$0x2];
	[bflag:$0x3] =	sbarrier.arrive $0xFFFF;
	s2 =	simm.s32 @!p0 $0x1C02  }
0x4b: {  	[timem:s3], [sflag:s2] =	dma.local @!p0 [hbm:s0], s1  }
0x4c: {  	s0 =	simm.s32 @!p0 $0x2  }
0x4d: {  	_ =	swait.ge @!p0 [sflag:s0], s1  }
0x4e: {  	s1 =	ssub.s32 @!p0 $0x0, s1;
	[sflag:s0] =	ssyncset.done @!p0 $0x0  }
0x4f: {  	[sflag:s0] =	ssyncadd.s32 @!p0 s1  }
0x50: {  	[bflag:$0x3] =	sbarrier.arrive $0xFFFF  }
0x51: {  	_ =	shalt  }

// kernel: kernel.13.cloned.1.call-start
scs
__scs_entry_jumppad:
0x0: {  	(pc) =	sbr.rel $0x88, $3  }
0x1: {  	(tag) =	ssettag $0x0;
	lr =	simm.s32 $0x1  }
0x2: {  	[smem:$0x3F96] =	sst lr;
	_ =	strace $0xD0000000  }
0x3: {  	_ = 	snop  }
0x4: {  	_ = 	snop  }
0x5: {  	_ = 	snop  }
0x6: {  	_ = 	snop  }
0x7: {  	_ = 	snop  }
__scs_overlays_trampoline_lowered:
0x8: {  	[smem:$0x3FA5] =	sst s0  }
0x9: {  	[smem:$0x3FA6] =	sst s1  }
0xa: {  	[smem:$0x3FA7] =	sst s2  }
0xb: {  	[smem:$0x3FA8] =	sst s3  }
0xc: {  	[smem:$0x3FA9] =	sst s4  }
0xd: {  	[smem:$0x3FAA] =	sst s5  }
0xe: {  	[smem:$0x3FAB] =	sst s6  }
0xf: {  	[smem:$0x3FAC] =	sst s7  }
0x10: {  	[smem:$0x3FAD] =	sst s8  }
0x11: {  	[smem:$0x3FAE] =	sst s9;
	s0 =	simm.s32 @!p0 $0x0  }
0x12: {  	s1 =	sld [smem:$0x3F94];
	s0 =	simm.s32 @p0 $0x1  }
0x13: {  	[smem:$0x3FAF] =	sst s0;
	s0 =	simm.s32 @!p1 $0x0  }
0x14: {  	s2 =	sld [smem:$0x3F93];
	s0 =	simm.s32 @p1 $0x1  }
0x15: {  	[smem:$0x3FB0] =	sst s0;
	s0 =	simm.s32 @!p2 $0x0  }
0x16: {  	s3 =	sld [smem:$0x3FDB];
	s0 =	simm.s32 @p2 $0x1  }
0x17: {  	s4 =	simm.s32 $0x1BF5;
	[smem:$0x3FB2] =	sst s0  }
0x18: {  	s0 =	sld [smem:$0x3F95];
	_ =	swait.ge [sflag:s4], $0x0  }
0x19: {  	s7 =	sld [smem:$0x3F96]  }
0x1a: {  	s8 =	sadd.s32 $0xFFFFE003, lr  }
0x1b: {  	s9 =	sadd.s32 $0xFFFFFEF7, lr;
	s5 =	simm.s32 $0xFFFFFFFF;
	p2 =	slt.u32 s8, $0xFFFFF086  }
0x1c: {  	p1 =	slt.u32 s9, $0xF7A;
	s5 =	simm.s32 @!p2 $0x0  }
0x1d: {  	s5 =	simm.s32 @p1 $0x1;
	p0 =	seq.s32 s7, s2  }
0x1e: {  	s7 =	smul.u32 @!p0 $0xF7A, s2;
	p2 =	seq.s32 @!p0 s5, $0x0  }
0x1f: {  	s9 =	smul.u32 $0xF7A, s1;
	s8 =	simm.s32 @!p0 $0x1BF5;
	p2 =	por !p2, p0  }
0x20: {  	[sflag:s8] =	ssyncset.s32 @!p0 $0xFFFFF086;
	s6 =	sadd.s32 @!p0 s3, s7;
	s7 =	simm.s32 @!p0 $0x108  }
0x21: {  	s3 =	sadd.s32 s3, s9;
	s6 =	sadd.s32 @!p0 $0x88, s6;
	s7 =	simm.s32 @p2 $0x1082  }
0x22: {  	[simem:s7], [sflag:s8] =	dma.local @!p0 [hbm:s6], $0xF7A  }
0x23: {  	s9 =	sor.u32 $0xD0000000, s2;
	s6 =	simm.s32 $0x108;
	_ =	swait.ge @!p0 [sflag:s8], $0x0  }
0x24: {  	s3 =	sadd.s32 $0x88, s3;
	s6 =	simm.s32 @!p1 $0x1082;
	[sflag:s4] =	ssyncset.s32 $0xFFFFF086  }
0x25: {  	[simem:s6], [sflag:s4] =	dma.local [hbm:s3], $0xF7A  }
0x26: {  	[smem:$0x3F96] =	sst s1;
	(tag) =	ssettag s2;
	_ =	strace s9  }
0x27: {  	s1 =	sld [smem:$0x3FA6]  }
0x28: {  	s2 =	sld [smem:$0x3FA7]  }
0x29: {  	s4 =	sld [smem:$0x3FA9]  }
0x2a: {  	p0 =	seq.s32 s5, $0x0;
	s5 =	sld [smem:$0x3FAA]  }
0x2b: {  	s6 =	sld [smem:$0x3FAB]  }
0x2c: {  	s7 =	sld [smem:$0x3FAC]  }
0x2d: {  	s3 =	simm.s32 $0x108;
	s8 =	sld [smem:$0x3FAD]  }
0x2e: {  	s3 =	simm.s32 @!p0 $0x1082;
	s9 =	sld [smem:$0x3FAE]  }
0x2f: {  	lr =	sadd.s32 s0, s3;
	s0 =	sld [smem:$0x3FA5]  }
0x30: {  	s3 =	sld [smem:$0x3FA8]  }
0x31: {  	[smem:$0x3FB1] =	sst s10  }
0x32: {  	s10 =	sld [smem:$0x3FAF];
	_ =	sdelay $0x3  }
0x33: {  	p0 =	seq.s32 s10, $0x1;
	s10 =	sld [smem:$0x3FB1];
	_ =	sdelay $0x3  }
0x34: {  	[smem:$0x3FB1] =	sst s10  }
0x35: {  	s10 =	sld [smem:$0x3FB0];
	_ =	sdelay $0x3  }
0x36: {  	p1 =	seq.s32 s10, $0x1;
	s10 =	sld [smem:$0x3FB1];
	_ =	sdelay $0x3  }
0x37: {  	[smem:$0x3FB1] =	sst s10  }
0x38: {  	s10 =	sld [smem:$0x3FB2]  }
0x39: {  	_ = 	snop;
	(pc) =	sbr.ind lr, $3  }
0x3a: {  	_ = 	snop  }
0x3b: {  	_ = 	snop  }
0x3c: {  	p2 =	seq.s32 s10, $0x1;
	s10 =	sld [smem:$0x3FB1]  }
0x3d: {  	_ =	shalt  }
0x3e: {  	_ =	shalt  }
0x3f: {  	_ =	shalt  }
0x40: {  	_ =	shalt  }
0x41: {  	_ =	shalt  }
0x42: {  	_ =	shalt  }
0x43: {  	_ =	shalt  }
0x44: {  	_ =	shalt  }
0x45: {  	_ =	shalt  }
0x46: {  	_ =	shalt  }
0x47: {  	_ =	shalt  }
0x48: {  	_ =	shalt  }
0x49: {  	_ =	shalt  }
0x4a: {  	_ =	shalt  }
0x4b: {  	_ =	shalt  }
0x4c: {  	_ =	shalt  }
0x4d: {  	_ =	shalt  }
0x4e: {  	_ =	shalt  }
0x4f: {  	_ =	shalt  }
0x50: {  	_ =	shalt  }
0x51: {  	_ =	shalt  }
0x52: {  	_ =	shalt  }
0x53: {  	_ =	shalt  }
0x54: {  	_ =	shalt  }
0x55: {  	_ =	shalt  }
0x56: {  	_ =	shalt  }
0x57: {  	_ =	shalt  }
0x58: {  	_ =	shalt  }
0x59: {  	_ =	shalt  }
0x5a: {  	_ =	shalt  }
0x5b: {  	_ =	shalt  }
0x5c: {  	_ =	shalt  }
0x5d: {  	_ =	shalt  }
0x5e: {  	_ =	shalt  }
0x5f: {  	_ =	shalt  }
0x60: {  	_ =	shalt  }
0x61: {  	_ =	shalt  }
0x62: {  	_ =	shalt  }
0x63: {  	_ =	shalt  }
0x64: {  	_ =	shalt  }
0x65: {  	_ =	shalt  }
0x66: {  	_ =	shalt  }
0x67: {  	_ =	shalt  }
0x68: {  	_ =	shalt  }
0x69: {  	_ =	shalt  }
0x6a: {  	_ =	shalt  }
0x6b: {  	_ =	shalt  }
0x6c: {  	_ =	shalt  }
0x6d: {  	_ =	shalt  }
0x6e: {  	_ =	shalt  }
0x6f: {  	_ =	shalt  }
0x70: {  	_ =	shalt  }
0x71: {  	_ =	shalt  }
0x72: {  	_ =	shalt  }
0x73: {  	_ =	shalt  }
0x74: {  	_ =	shalt  }
0x75: {  	_ =	shalt  }
0x76: {  	_ =	shalt  }
0x77: {  	_ =	shalt  }
0x78: {  	_ =	shalt  }
0x79: {  	_ =	shalt  }
0x7a: {  	_ =	shalt  }
0x7b: {  	_ =	shalt  }
0x7c: {  	_ =	shalt  }
0x7d: {  	_ =	shalt  }
0x7e: {  	_ =	shalt  }
0x7f: {  	_ =	shalt  }
0x80: {  	_ =	shalt  }
0x81: {  	_ =	shalt  }
0x82: {  	_ =	shalt  }
0x83: {  	_ =	shalt  }
0x84: {  	_ =	shalt  }
0x85: {  	_ =	shalt  }
0x86: {  	_ =	shalt  }
0x87: {  	_ =	shalt  }
.Lfunc_end0:
.L_simem_size_0:
called_computation.2_lowered:
.L_overlay_start_0:
0x88: {  	s2 =	sld [smem:$0x3FD9]  }
0x89: {  	s3 =	sld [smem:$0x3FFE];
	_ =	sdelay $0x1  }
0x8a: {  	s1 =	srdreg.scid  }
0x8b: {  	s0 =	sand.u32 $0x1, s1  }
0x8c: {  	s14 =	sshll.u32 s0, $0xA;
	s2 =	sadd.s32 s3, s2  }
0x8d: {  	s2 =	sadd.s32 s2, s14  }
0x8e: {  	[smem:$0x3FBD] =	sst s2  }
0x8f: {  	_ = 	snop  }
0x90: {  	s2 =	sld [smem:$0x3FD0];
	_ =	sdelay $0x1  }
0x91: {  	s15 =	sld [smem:$0x3FC7]  }
0x92: {  	s5 =	simm.s32 $0xB;
	s6 =	simm.s32 $0x10;
	s4 =	sld [smem:$0x3FBF]  }
0x93: {  	[smem:s6], [sflag:s5] =	dma.local [hbm:s2], $0x1  }
0x94: {  	_ =	swait.eq [sflag:s5], $0x1  }
0x95: {  	[sflag:s5] =	ssyncset.done $0x0  }
0x96: {  	s16 =	sld [smem:$0x10];
	[sflag:s5] =	ssyncadd.s32 $0xFFFFFFFF  }
0x97: {  	s17 =	sld [smem:$0x11];
	(tm) =	ssettm $0x1  }
0x98: {  	s18 =	sld [smem:$0x3FFB];
	_ =	sdelay $0x3  }
0x99: {  	_ =	strace s18  }
0x9a: {  	s6 =	sld [smem:$0x3FFC];
	_ =	sdelay $0x3  }
0x9b: {  	_ =	strace s6  }
0x9c: {  	s6 =	sld [smem:$0x3FFD];
	_ =	sdelay $0x3  }
0x9d: {  	_ =	strace s6  }
0x9e: {  	_ =	strace $0x8FFFFFFF  }
0x9f: {  	s19 =	sld [smem:$0x3FDB];
	_ =	sdelay $0x1  }
0xa0: {  	s7 =	simm.s32 $_scs_section_size  }
0xa1: {  	s8 =	simm.s32 $_size__tile_overlayer_lowered;
	s9 =	simm.s32 $_tile_overlayer_lowered  }
0xa2: {  	s22 =	simm.s32 $0x1BFF;
	s21 =	sshll.u32 s9, $0x1;
	s6 =	sadd.s32 s7, s19  }
0xa3: {  	s10 =	simm.s32 $0x0;
	s20 =	sshll.u32 s8, $0x1;
	s8 =	sadd.s32 s21, s6  }
0xa4: {  	[timem:s10], [sflag:s22] =	dma.local [hbm:s8], s20  }
0xa5: {  	_ =	swait.ge [sflag:s22], s20  }
0xa6: {  	s7 =	ssub.s32 $0x0, s20;
	[sflag:s22] =	ssyncset.done $0x0  }
0xa7: {  	[sflag:s22] =	ssyncadd.s32 s7;
	_ =	sdelay $0x1  }
0xa8: {  	s23 =	simm.s32 $0x1B8B  }
0xa9: {  	_ =	swait.ge [sflag:s23], $0x1  }
0xaa: {  	[sflag:s23] =	ssyncset.done $0x0  }
0xab: {  	s25 =	simm.s32 $0x1B8E;
	s24 =	sld [smem:$0x3FFE];
	[sflag:s23] =	ssyncadd.s32 $0xFFFFFFFF  }
0xac: {  	s26 =	simm.s32 $execute0_lowered;
	[smem:$0x3FD2] =	sst s25  }
0xad: {  	s8 =	sshll.u32 s26, $0x1;
	_ =	strace $0x8000004C;
	[dreg:$0x1] =	wrdreg $0xFFFFFFFF  }
0xae: {  	s28 =	simm.s32 $_size_execute0_lowered;
	s6 =	sadd.s32 s6, s8;
	[dreg:$0x0] =	wrdreg $0x0  }
0xaf: {  	s8 =	sshll.u32 s28, $0x1;
	[dreg:$0x2] =	wrdreg s6  }
0xb0: {  	[dreg:$0x3] =	wrdreg s8  }
0xb1: {  	[dreg:$0x4] =	wrdreg $0xC0  }
0xb2: {  	_ =	task [dreg:s10], $0x5FFFF  }
0xb3: {  	[dreg:$0x1] =	wrdreg $0xFFFFFFFF  }
0xb4: {  	[dreg:$0x0] =	wrdreg $0x60  }
0xb5: {  	[dreg:$0x2] =	wrdreg s24  }
0xb6: {  	[dreg:$0x3] =	wrdreg s16  }
0xb7: {  	[dreg:$0x4] =	wrdreg s4  }
0xb8: {  	[dreg:$0x5] =	wrdreg s15  }
0xb9: {  	[dreg:$0x6] =	wrdreg s17  }
0xba: {  	[dreg:$0x7] =	wrdreg $0x9  }
0xbb: {  	_ =	task.clear_ibuf [dreg:s10], $0x8FFFF;
	_ =	strace $0x9000004C  }
0xbc: {  	s29 =	simm.s32 $0x9;
	_ =	strace $0x8000004E  }
0xbd: {  	_ =	swait.ge [sflag:s29], $0x1  }
0xbe: {  	[sflag:s29] =	ssyncadd.s32 $0xFFFFFFFF  }
0xbf: {  	_ =	strace $0x9000004E  }
0xc0: {  	_ =	sfence  }
0xc1: {  	s30 =	sld [smem:$0x0];
	_ =	sdelay $0x2  }
0xc2: {  	s31 =	sshll.u32 s1, $0xD;
	s1 =	sshrl.u32 s1, $0x2  }
0xc3: {  	s3 =	sand.u32 $0x4000, s31;
	s1 =	sadd.s32 s1, s30  }
0xc4: {  	s0 =	sor.u32 s3, s0;
	s1 =	sshll.u32 s1, $0x11  }
0xc5: {  	s0 =	sor.u32 s1, s0  }
0xc6: {  	s0 =	sadd.s32 $0x8F2B, s0  }
0xc7: {  	[sflag:s0] =	ssyncadd.remote.s32 $0x1  }
0xc8: {  	_ =	sfence.sel $0xFFFF  }
0xc9: {  	[dreg:$0x0] =	wrdreg $0xFFFFFFFF;
	(pc) =	sbr.abs _section_cstart, $3  }
0xca: {  	[dreg:$0x1] =	wrdreg $0xFFFFFFFF  }
0xcb: {  	_ =	task.clear_ibuf [dreg:s10], $0x2FFFF;
	_ =	strace $0x9FFFFFFF  }
0xcc: {  	(tm) =	ssettm $0x7FFFFFFF  }
0xcd: {  	_ =	shalt  }
tec
execute0_lowered:
.L_overlay_start_1:
0x0: {  	(tag) =	ssettag $0x1  }
0x1: {  	s7 =	rddreg [dreg:$0x0]  }
0x2: {  	s1 =	rddreg [dreg:$0x1]  }
0x3: {  	s2 =	rddreg [dreg:$0x2]  }
0x4: {  	s8 =	rddreg [dreg:$0x3]  }
0x5: {  	s11 =	rddreg [dreg:$0x4]  }
0x6: {  	s3 =	srdreg.scid;
	s0 =	rddreg [dreg:$0x5]  }
0x7: {  	s4 =	simm.s32 $0x0;
	s15 =	simm.s32 $0x10000;
	s16 =	simm.s32 $0x10600  }
0x8: {  	s17 =	simm.s32 $0x1;
	s19 =	simm.s32 $0x10E00;
	s20 =	simm.s32 $0x10A00  }
0x9: {  	s21 =	simm.s32 $0x12E80;
	s22 =	simm.s32 $0x0;
	s9 =	sand.u32 $0x1, s3  }
0xa: {  	s3 =	stileid.u32;
	[smem:$0x7FF] =	sst s4;
	s6 =	sadd.s32 $0xB000, s7  }
0xb: {  	s5 =	sshll.u32 s9, $0x4;
	_ =	strace $0x8000004D;
	s9 =	ssub.s32 $0x2, s9  }
0xc: {  	s18 =	sor.u32 s3, s5;
	s5 =	sadd.s32 $0x1C000, s7;
	s12 =	sshrl.u32 s9, $0x1  }
0xd: {  	s10 =	sshll.u32 s18, $0x2;
	s13 =	sshll.u32 s18, $0xA;
	s12 =	ssub.s32 s9, s12  }
0xe: {  	s14 =	sshll.u32 s18, $0x5;
	p0 =	sne.s32 s18, $0x0;
	s18 =	simm.s32 $0x2  }
0xf: {  	s10 =	sadd.s32 s10, s7;
	s7 =	sadd.s32 $0x3200, s7;
	s8 =	sadd.s32 s8, s13  }
0x10: {  	s11 =	sadd.s32 s11, s13;
	s12 =	smax.u32 s12, $0x1;
	s13 =	simm.s32 $0x10E80  }
0x11: {  	s9 =	sadd.s32 $0x3000, s10;
	s10 =	sadd.s32 $0x10A00, s14;
	s14 =	simm.s32 $0x8000  }
.LBB2_1:
0x12: {  	[tilespmem:s13], [sflag:$0x1] =	stream.linear.gather [hbm4b:s8+s4], $0x2000, $0x38;
	[tilespmem:$0x14E80] =	vst v63  }
0x13: {  	_ = 	snop  }
0x14: {  	[tilespmem:s4], [sflag:$0x1] =	stream.linear.gather [hbm4b:s5+s4], $0x8000, $0x38;
	[tilespmem:$0x14E80] =	vst v63  }
0x15: {  	_ = 	snop  }
0x16: {  	[tilespmem:s14], [sflag:$0x1] =	stream.linear.gather [hbm4b:s6+s4], $0x8000, $0x38;
	[tilespmem:$0x14E80] =	vst v63  }
0x17: {  	_ = 	snop  }
0x18: {  	[tilespmem:s15], [sflag:$0x1] =	stream.linear.gather [hbm4b:s1+s4], $0x600, $0x38;
	[tilespmem:$0x14E80] =	vst v63  }
0x19: {  	_ = 	snop  }
0x1a: {  	[tilespmem:s16], [sflag:$0x1] =	stream.linear.gather [hbm4b:s2+s4], $0x400, $0x38;
	[tilespmem:$0x14E80] =	vst v63  }
0x1b: {  	_ =	swait.ge [sflag:s17], $0x2000  }
0x1c: {  	[sflag:s17] =	ssyncset.done $0x0  }
0x1d: {  	[sflag:s17] =	ssyncadd.s32 $0xFFFFE000  }
0x1e: {  	_ =	swait.ge [sflag:s17], $0x8000  }
0x1f: {  	[sflag:s17] =	ssyncset.done $0x0  }
0x20: {  	[sflag:s17] =	ssyncadd.s32 $0xFFFF8000  }
0x21: {  	_ =	swait.ge [sflag:s17], $0x8000  }
0x22: {  	[sflag:s17] =	ssyncset.done $0x0  }
0x23: {  	[sflag:s17] =	ssyncadd.s32 $0xFFFF8000  }
0x24: {  	_ =	swait.ge [sflag:s17], $0x600  }
0x25: {  	[sflag:s17] =	ssyncset.done $0x0  }
0x26: {  	[sflag:s17] =	ssyncadd.s32 $0xFFFFFA00  }
0x27: {  	_ =	swait.ge [sflag:s17], $0x400  }
0x28: {  	[sflag:s17] =	ssyncset.done $0x0  }
0x29: {  	[sflag:s17] =	ssyncadd.s32 $0xFFFFFC00  }
0x2a: {  	v0 =	vld [tilespmem:$0x10000];
	_ =	sdelay $0x4  }
0x2b: {  	[tilespmem:$0x1FD60] =	vst v0;
	v0 =	vld [tilespmem:$0x10010];
	_ =	sdelay $0x3  }
0x2c: {  	v43 =	vld [tilespmem:$0x10020]  }
0x2d: {  	[tilespmem:$0x1FD70] =	vst v0;
	v0 =	vld [tilespmem:$0x10030]  }
0x2e: {  	v46 =	vld [tilespmem:$0x10050]  }
0x2f: {  	v47 =	vld [tilespmem:$0x10080]  }
0x30: {  	v48 =	vld [tilespmem:$0x100B0]  }
0x31: {  	v49 =	vld [tilespmem:$0x100E0]  }
0x32: {  	[tilespmem:$0x1FD80] =	vst v0;
	v0 =	vld [tilespmem:$0x10040]  }
0x33: {  	v50 =	vld [tilespmem:$0x10110]  }
0x34: {  	v51 =	vld [tilespmem:$0x10140]  }
0x35: {  	v52 =	vld [tilespmem:$0x10170]  }
0x36: {  	v53 =	vld [tilespmem:$0x101A0]  }
0x37: {  	[tilespmem:$0x1FD90] =	vst v0;
	v0 =	vld [tilespmem:$0x10060]  }
0x38: {  	v54 =	vld [tilespmem:$0x101D0]  }
0x39: {  	v55 =	vld [tilespmem:$0x10200]  }
0x3a: {  	v56 =	vld [tilespmem:$0x10230]  }
0x3b: {  	v57 =	vld [tilespmem:$0x10260]  }
0x3c: {  	[tilespmem:$0x1FDA0] =	vst v0;
	v0 =	vld [tilespmem:$0x10070]  }
0x3d: {  	v58 =	vld [tilespmem:$0x10290]  }
0x3e: {  	v59 =	vld [tilespmem:$0x102C0]  }
0x3f: {  	v60 =	vld [tilespmem:$0x102F0]  }
0x40: {  	v61 =	vld [tilespmem:$0x10320]  }
0x41: {  	[tilespmem:$0x1FDB0] =	vst v0;
	v0 =	vld [tilespmem:$0x10090]  }
0x42: {  	v62 =	vld [tilespmem:$0x10350]  }
0x43: {  	v63 =	vld [tilespmem:$0x10380]  }
0x44: {  	v1 =	vld [tilespmem:$0x103C0]  }
0x45: {  	v42 =	vld [tilespmem:$0x103D0]  }
0x46: {  	[tilespmem:$0x1FDC0] =	vst v0;
	v0 =	vld [tilespmem:$0x100A0]  }
0x47: {  	s24 =	simm.s32 $0x0;
	v2 =	vld [tilespmem:$0x103F0]  }
0x48: {  	v3 =	vld [tilespmem:s24+$0x10600]  }
0x49: {  	v44 =	vld [tilespmem:$0x10400]  }
0x4a: {  	v4 =	vld [tilespmem:s24+$0x0]  }
0x4b: {  	[tilespmem:$0x1FDD0] =	vst v0;
	v0 =	vld [tilespmem:$0x100C0]  }
0x4c: {  	v5 =	vld [tilespmem:s24+$0x8000]  }
0x4d: {  	v45 =	vld [tilespmem:$0x10420]  }
0x4e: {  	v6 =	vld [tilespmem:s24+$0x400]  }
0x4f: {  	v7 =	vld [tilespmem:s24+$0x8400]  }
0x50: {  	[tilespmem:$0x1FDE0] =	vst v0;
	v0 =	vld [tilespmem:$0x100D0]  }
0x51: {  	v8 =	vld [tilespmem:s24+$0x800]  }
0x52: {  	v9 =	vld [tilespmem:s24+$0x8800]  }
0x53: {  	v10 =	vld [tilespmem:s24+$0xC00]  }
0x54: {  	v11 =	vld [tilespmem:s24+$0x8C00]  }
0x55: {  	[tilespmem:$0x1FDF0] =	vst v0;
	v0 =	vld [tilespmem:$0x100F0]  }
0x56: {  	v12 =	vld [tilespmem:s24+$0x1000]  }
0x57: {  	v13 =	vld [tilespmem:s24+$0x9000]  }
0x58: {  	v14 =	vld [tilespmem:s24+$0x1400]  }
0x59: {  	v15 =	vld [tilespmem:s24+$0x9400]  }
0x5a: {  	[tilespmem:$0x1FE00] =	vst v0;
	v0 =	vld [tilespmem:$0x10100]  }
0x5b: {  	v16 =	vld [tilespmem:s24+$0x1800]  }
0x5c: {  	v17 =	vld [tilespmem:s24+$0x9800]  }
0x5d: {  	v18 =	vld [tilespmem:s24+$0x1C00]  }
0x5e: {  	v19 =	vld [tilespmem:s24+$0x9C00]  }
0x5f: {  	[tilespmem:$0x1FE10] =	vst v0;
	v0 =	vld [tilespmem:$0x10120]  }
0x60: {  	v20 =	vld [tilespmem:s24+$0x2000]  }
0x61: {  	v21 =	vld [tilespmem:s24+$0xA000]  }
0x62: {  	v22 =	vld [tilespmem:s24+$0x2400]  }
0x63: {  	v23 =	vld [tilespmem:s24+$0xA400]  }
0x64: {  	v3 =	vsub.f32 $0.0e+00, v3;
	[tilespmem:$0x1FE20] =	vst v0;
	v0 =	vld [tilespmem:$0x10130]  }
0x65: {  	v24 =	vld [tilespmem:s24+$0x2800]  }
0x66: {  	v25 =	vld [tilespmem:s24+$0xA800];
	v4 =	vadd.f32 v4, v3  }
0x67: {  	v26 =	vld [tilespmem:s24+$0x2C00]  }
0x68: {  	v27 =	vld [tilespmem:s24+$0xAC00];
	v4 =	vadd.f32 v5, v4  }
0x69: {  	[tilespmem:$0x1FE30] =	vst v0;
	v0 =	vld [tilespmem:$0x10150]  }
0x6a: {  	v28 =	vld [tilespmem:s24+$0x3000];
	v6 =	vadd.f32 v6, v4  }
0x6b: {  	v29 =	vld [tilespmem:s24+$0xB000]  }
0x6c: {  	v30 =	vld [tilespmem:s24+$0x3400];
	v7 =	vadd.f32 v7, v6  }
0x6d: {  	v31 =	vld [tilespmem:s24+$0xB400]  }
0x6e: {  	v7 =	vadd.f32 v8, v7;
	[tilespmem:$0x1FE40] =	vst v0;
	v0 =	vld [tilespmem:$0x10160]  }
0x6f: {  	v32 =	vld [tilespmem:s24+$0x3800]  }
0x70: {  	v33 =	vld [tilespmem:s24+$0xB800];
	v9 =	vadd.f32 v9, v7  }
0x71: {  	v34 =	vld [tilespmem:s24+$0x3C00]  }
0x72: {  	v35 =	vld [tilespmem:s24+$0xBC00];
	v10 =	vadd.f32 v10, v9  }
0x73: {  	s23 =	simm.s32 $0x10;
	[tilespmem:$0x1FE50] =	vst v0;
	v0 =	vld [tilespmem:$0x10180]  }
0x74: {  	v41 =	vld [tilespmem:s23+$0x10600];
	v10 =	vadd.f32 v11, v10  }
0x75: {  	v36 =	vld [tilespmem:s24+$0x4000]  }
0x76: {  	v37 =	vld [tilespmem:s24+$0xC000];
	v12 =	vadd.f32 v12, v10  }
0x77: {  	v38 =	vld [tilespmem:s24+$0x4400]  }
0x78: {  	v13 =	vadd.f32 v13, v12;
	[tilespmem:$0x1FE60] =	vst v0;
	v0 =	vld [tilespmem:$0x10190]  }
0x79: {  	v39 =	vld [tilespmem:s24+$0xC400]  }
0x7a: {  	v40 =	vld [tilespmem:s24+$0x7800];
	v13 =	vadd.f32 v14, v13  }
0x7b: {  	[tilespmem:$0x1FFE0] =	vst v1;
	v1 =	vld [tilespmem:$0x103E0]  }
0x7c: {  	[tilespmem:$0x1FFF0] =	vst v2;
	v2 =	vld [tilespmem:$0x10410];
	v15 =	vadd.f32 v15, v13  }
0x7d: {  	[tilespmem:$0x1FE70] =	vst v0;
	v0 =	vld [tilespmem:$0x101B0]  }
0x7e: {  	v3 =	vld [tilespmem:$0x10430];
	v16 =	vadd.f32 v16, v15  }
0x7f: {  	v5 =	vld [tilespmem:$0x10440]  }
0x80: {  	v4 =	vld [tilespmem:$0x10450];
	v16 =	vadd.f32 v17, v16  }
0x81: {  	v6 =	vld [tilespmem:$0x10460]  }
0x82: {  	v18 =	vadd.f32 v18, v16;
	[tilespmem:$0x1FE80] =	vst v0;
	v0 =	vld [tilespmem:$0x101C0]  }
0x83: {  	v8 =	vld [tilespmem:$0x10470]  }
0x84: {  	v7 =	vld [tilespmem:$0x10480];
	v19 =	vadd.f32 v19, v18  }
0x85: {  	v9 =	vld [tilespmem:$0x10490]  }
0x86: {  	v11 =	vld [tilespmem:$0x104A0];
	v19 =	vadd.f32 v20, v19  }
0x87: {  	[tilespmem:$0x1FE90] =	vst v0;
	v0 =	vld [tilespmem:$0x101E0]  }
0x88: {  	v10 =	vld [tilespmem:$0x104B0];
	v21 =	vadd.f32 v21, v19  }
0x89: {  	v12 =	vld [tilespmem:$0x104C0]  }
0x8a: {  	v14 =	vld [tilespmem:$0x104D0];
	v22 =	vadd.f32 v22, v21  }
0x8b: {  	v13 =	vld [tilespmem:$0x104E0]  }
0x8c: {  	v22 =	vadd.f32 v23, v22;
	[tilespmem:$0x1FEA0] =	vst v0;
	v0 =	vld [tilespmem:$0x101F0]  }
0x8d: {  	v15 =	vld [tilespmem:$0x104F0]  }
0x8e: {  	v17 =	vld [tilespmem:$0x10500];
	v24 =	vadd.f32 v24, v22  }
0x8f: {  	v16 =	vld [tilespmem:$0x10510]  }
0x90: {  	v18 =	vld [tilespmem:$0x10520];
	v25 =	vadd.f32 v25, v24  }
0x91: {  	[tilespmem:$0x1FEB0] =	vst v0;
	v0 =	vld [tilespmem:$0x10210]  }
0x92: {  	v20 =	vld [tilespmem:$0x10530];
	v25 =	vadd.f32 v26, v25  }
0x93: {  	v19 =	vld [tilespmem:$0x10540]  }
0x94: {  	v21 =	vld [tilespmem:$0x10550];
	v27 =	vadd.f32 v27, v25  }
0x95: {  	v23 =	vld [tilespmem:$0x10560]  }
0x96: {  	v28 =	vadd.f32 v28, v27;
	[tilespmem:$0x1FEC0] =	vst v0;
	v0 =	vld [tilespmem:$0x10220]  }
0x97: {  	v22 =	vld [tilespmem:$0x10570]  }
0x98: {  	v24 =	vld [tilespmem:$0x10580];
	v28 =	vadd.f32 v29, v28  }
0x99: {  	v26 =	vld [tilespmem:$0x10590]  }
0x9a: {  	v25 =	vld [tilespmem:$0x105A0];
	v30 =	vadd.f32 v30, v28  }
0x9b: {  	[tilespmem:$0x1FED0] =	vst v0;
	v0 =	vld [tilespmem:$0x10240]  }
0x9c: {  	v27 =	vld [tilespmem:$0x105B0];
	v31 =	vadd.f32 v31, v30  }
0x9d: {  	v29 =	vld [tilespmem:$0x105C0]  }
0x9e: {  	v28 =	vld [tilespmem:$0x105D0];
	v32 =	vadd.f32 v32, v31  }
0x9f: {  	v30 =	vld [tilespmem:$0x105E0]  }
0xa0: {  	v32 =	vadd.f32 v33, v32;
	[tilespmem:$0x1FEE0] =	vst v0;
	v0 =	vld [tilespmem:$0x10250]  }
0xa1: {  	v31 =	vld [tilespmem:$0x105F0]  }
0xa2: {  	v32 =	vadd.f32 v34, v32;
	v34 =	vld [tilespmem:s23+$0x0]  }
0xa3: {  	v33 =	vsub.f32 $0.0e+00, v41;
	v41 =	vld [tilespmem:s24+$0xF800]  }
0xa4: {  	v32 =	vadd.f32 v35, v32;
	v35 =	vld [tilespmem:s23+$0x8000]  }
0xa5: {  	[tilespmem:$0x1FEF0] =	vst v0;
	v0 =	vld [tilespmem:$0x10270]  }
0xa6: {  	v32 =	vadd.f32 v36, v32;
	v36 =	vld [tilespmem:s23+$0x400]  }
0xa7: {  	v33 =	vadd.f32 v34, v33;
	v34 =	vld [tilespmem:s23+$0x8400]  }
0xa8: {  	v32 =	vadd.f32 v37, v32;
	v37 =	vld [tilespmem:s24+$0x4800]  }
0xa9: {  	v33 =	vadd.f32 v35, v33;
	v35 =	vld [tilespmem:s23+$0x800]  }
0xaa: {  	[tilespmem:$0x1FF00] =	vst v0;
	v0 =	vld [tilespmem:$0x10280]  }
0xab: {  	v32 =	vadd.f32 v38, v32;
	v38 =	vld [tilespmem:s24+$0xC800]  }
0xac: {  	v33 =	vadd.f32 v36, v33;
	v36 =	vld [tilespmem:s23+$0x8800]  }
0xad: {  	v32 =	vadd.f32 v39, v32;
	v39 =	vld [tilespmem:s24+$0x4C00]  }
0xae: {  	v33 =	vadd.f32 v34, v33;
	v34 =	vld [tilespmem:s23+$0xC00]  }
0xaf: {  	[tilespmem:$0x1FF10] =	vst v0;
	v0 =	vld [tilespmem:$0x102A0]  }
0xb0: {  	v32 =	vadd.f32 v37, v32;
	v37 =	vld [tilespmem:s24+$0xCC00]  }
0xb1: {  	v33 =	vadd.f32 v35, v33;
	v35 =	vld [tilespmem:s23+$0x8C00]  }
0xb2: {  	v32 =	vadd.f32 v38, v32;
	v38 =	vld [tilespmem:s24+$0x5000]  }
0xb3: {  	v33 =	vadd.f32 v36, v33;
	v36 =	vld [tilespmem:s23+$0x1000]  }
0xb4: {  	[tilespmem:$0x1FF20] =	vst v0;
	v0 =	vld [tilespmem:$0x102B0]  }
0xb5: {  	v32 =	vadd.f32 v39, v32;
	v39 =	vld [tilespmem:s24+$0xD000]  }
0xb6: {  	v33 =	vadd.f32 v34, v33;
	v34 =	vld [tilespmem:s23+$0x9000]  }
0xb7: {  	v32 =	vadd.f32 v37, v32;
	v37 =	vld [tilespmem:s24+$0x5400]  }
0xb8: {  	v33 =	vadd.f32 v35, v33;
	v35 =	vld [tilespmem:s23+$0x1400]  }
0xb9: {  	[tilespmem:$0x1FF30] =	vst v0;
	v0 =	vld [tilespmem:$0x102D0]  }
0xba: {  	v32 =	vadd.f32 v38, v32;
	v38 =	vld [tilespmem:s24+$0xD400]  }
0xbb: {  	v33 =	vadd.f32 v36, v33;
	v36 =	vld [tilespmem:s23+$0x9400]  }
0xbc: {  	v32 =	vadd.f32 v39, v32;
	v39 =	vld [tilespmem:s24+$0x5800]  }
0xbd: {  	v33 =	vadd.f32 v34, v33;
	v34 =	vld [tilespmem:s23+$0x1800]  }
0xbe: {  	[tilespmem:$0x1FF40] =	vst v0;
	v0 =	vld [tilespmem:$0x102E0]  }
0xbf: {  	v32 =	vadd.f32 v37, v32;
	v37 =	vld [tilespmem:s24+$0xD800]  }
0xc0: {  	v33 =	vadd.f32 v35, v33;
	v35 =	vld [tilespmem:s23+$0x9800]  }
0xc1: {  	v32 =	vadd.f32 v38, v32;
	v38 =	vld [tilespmem:s24+$0x5C00]  }
0xc2: {  	v33 =	vadd.f32 v36, v33;
	v36 =	vld [tilespmem:s23+$0x1C00]  }
0xc3: {  	[tilespmem:$0x1FF50] =	vst v0;
	v0 =	vld [tilespmem:$0x10300]  }
0xc4: {  	v32 =	vadd.f32 v39, v32;
	v39 =	vld [tilespmem:s24+$0xDC00]  }
0xc5: {  	v33 =	vadd.f32 v34, v33;
	v34 =	vld [tilespmem:s23+$0x9C00]  }
0xc6: {  	v32 =	vadd.f32 v37, v32;
	v37 =	vld [tilespmem:s24+$0x6000]  }
0xc7: {  	v33 =	vadd.f32 v35, v33;
	v35 =	vld [tilespmem:s23+$0x2000]  }
0xc8: {  	[tilespmem:$0x1FF60] =	vst v0;
	v0 =	vld [tilespmem:$0x10310]  }
0xc9: {  	v32 =	vadd.f32 v38, v32;
	v38 =	vld [tilespmem:s24+$0xE000]  }
0xca: {  	v33 =	vadd.f32 v36, v33;
	v36 =	vld [tilespmem:s23+$0xA000]  }
0xcb: {  	v32 =	vadd.f32 v39, v32;
	v39 =	vld [tilespmem:s24+$0x6400]  }
0xcc: {  	v33 =	vadd.f32 v34, v33;
	v34 =	vld [tilespmem:s23+$0x2400]  }
0xcd: {  	[tilespmem:$0x1FF70] =	vst v0;
	v0 =	vld [tilespmem:$0x10330]  }
0xce: {  	v32 =	vadd.f32 v37, v32;
	v37 =	vld [tilespmem:s24+$0xE400]  }
0xcf: {  	v33 =	vadd.f32 v35, v33;
	v35 =	vld [tilespmem:s23+$0xA400]  }
0xd0: {  	v32 =	vadd.f32 v38, v32;
	v38 =	vld [tilespmem:s24+$0x6800]  }
0xd1: {  	v33 =	vadd.f32 v36, v33;
	v36 =	vld [tilespmem:s23+$0x2800]  }
0xd2: {  	[tilespmem:$0x1FF80] =	vst v0;
	v0 =	vld [tilespmem:$0x10340]  }
0xd3: {  	v32 =	vadd.f32 v39, v32;
	v39 =	vld [tilespmem:s24+$0xE800]  }
0xd4: {  	v33 =	vadd.f32 v34, v33;
	v34 =	vld [tilespmem:s23+$0xA800]  }
0xd5: {  	v32 =	vadd.f32 v37, v32;
	v37 =	vld [tilespmem:s24+$0x6C00]  }
0xd6: {  	v33 =	vadd.f32 v35, v33;
	v35 =	vld [tilespmem:s23+$0x2C00]  }
0xd7: {  	[tilespmem:$0x1FF90] =	vst v0;
	v0 =	vld [tilespmem:$0x10360]  }
0xd8: {  	v32 =	vadd.f32 v38, v32;
	v38 =	vld [tilespmem:s24+$0xEC00]  }
0xd9: {  	v33 =	vadd.f32 v36, v33;
	v36 =	vld [tilespmem:s23+$0xAC00]  }
0xda: {  	v32 =	vadd.f32 v39, v32;
	v39 =	vld [tilespmem:s24+$0x7000]  }
0xdb: {  	v33 =	vadd.f32 v34, v33;
	v34 =	vld [tilespmem:s23+$0x3000]  }
0xdc: {  	[tilespmem:$0x1FFA0] =	vst v0;
	v0 =	vld [tilespmem:$0x10370]  }
0xdd: {  	v32 =	vadd.f32 v37, v32;
	v37 =	vld [tilespmem:s24+$0xF000]  }
0xde: {  	v33 =	vadd.f32 v35, v33;
	v35 =	vld [tilespmem:s23+$0xB000]  }
0xdf: {  	v32 =	vadd.f32 v38, v32;
	v38 =	vld [tilespmem:s24+$0x7400]  }
0xe0: {  	v33 =	vadd.f32 v36, v33;
	v36 =	vld [tilespmem:s23+$0x3400]  }
0xe1: {  	v32 =	vadd.f32 v39, v32;
	[tilespmem:$0x1FFB0] =	vst v0;
	v0 =	vld [tilespmem:$0x10390]  }
0xe2: {  	v39 =	vld [tilespmem:s24+$0xF400];
	v33 =	vadd.f32 v34, v33  }
0xe3: {  	v32 =	vadd.f32 v37, v32;
	v37 =	vld [tilespmem:s23+$0xB400]  }
0xe4: {  	v34 =	vld [tilespmem:s24+$0x7C00];
	v33 =	vadd.f32 v35, v33  }
0xe5: {  	v32 =	vadd.f32 v38, v32;
	v38 =	vld [tilespmem:s23+$0x3800]  }
0xe6: {  	v33 =	vadd.f32 v36, v33;
	[tilespmem:$0x1FFC0] =	vst v0;
	v0 =	vld [tilespmem:$0x103A0]  }
0xe7: {  	v35 =	vadd.f32 v39, v32;
	v32 =	vld [tilespmem:s23+$0xB800]  }
0xe8: {  	v36 =	vadd.f32 v37, v33;
	v33 =	vld [tilespmem:s23+$0x3C00]  }
0xe9: {  	v39 =	vadd.f32 v40, v35;
	v35 =	vld [tilespmem:s24+$0xFC00]  }
0xea: {  	v37 =	vadd.f32 v38, v36;
	v36 =	vld [tilespmem:s23+$0xBC00]  }
0xeb: {  	s25 =	simm.s32 $0x20;
	s26 =	simm.s32 $0xC0;
	v38 =	vadd.f32 v41, v39;
	[tilespmem:$0x1FFD0] =	vst v0;
	v0 =	vld [tilespmem:$0x103B0]  }
.LBB2_2:
0xec: {  	p1 =	sne.s32 s26, $0xFC0;
	v39 =	vld [tilespmem:s25+$0x10600];
	v32 =	vadd.f32 v32, v37  }
0xed: {  	v37 =	vld [tilespmem:s23+$0x4000];
	v34 =	vadd.f32 v34, v38  }
0xee: {  	v38 =	vld [tilespmem:s25+$0x0];
	v32 =	vadd.f32 v33, v32  }
0xef: {  	v33 =	vld [tilespmem:s23+$0xC000];
	v34 =	vadd.f32 v35, v34  }
0xf0: {  	v35 =	vld [tilespmem:s25+$0x8000];
	v32 =	vadd.f32 v36, v32  }
0xf1: {  	v36 =	vsub.f32 $0.0e+00, v39;
	v39 =	vld [tilespmem:s23+$0x4400];
	[tilespmem:s24+$0x10A00] =	vst v34;
	s24 =	smov.u32 s23;
	s23 =	smov.u32 s25  }
0xf2: {  	v34 =	vld [tilespmem:s23+$0x400];
	v32 =	vadd.f32 v37, v32  }
0xf3: {  	v36 =	vadd.f32 v38, v36;
	v37 =	vld [tilespmem:s24+$0xC400]  }
0xf4: {  	v38 =	vld [tilespmem:s23+$0x8400];
	v32 =	vadd.f32 v33, v32  }
0xf5: {  	v33 =	vadd.f32 v35, v36;
	v35 =	vld [tilespmem:s24+$0x4800]  }
0xf6: {  	v36 =	vld [tilespmem:s23+$0x800];
	v32 =	vadd.f32 v39, v32  }
0xf7: {  	v33 =	vadd.f32 v34, v33;
	v34 =	vld [tilespmem:s24+$0xC800]  }
0xf8: {  	v39 =	vld [tilespmem:s23+$0x8800];
	v32 =	vadd.f32 v37, v32  }
0xf9: {  	v33 =	vadd.f32 v38, v33;
	v37 =	vld [tilespmem:s24+$0x4C00]  }
0xfa: {  	v38 =	vld [tilespmem:s23+$0xC00];
	v32 =	vadd.f32 v35, v32  }
0xfb: {  	v33 =	vadd.f32 v36, v33;
	v35 =	vld [tilespmem:s24+$0xCC00]  }
0xfc: {  	v36 =	vld [tilespmem:s23+$0x8C00];
	v32 =	vadd.f32 v34, v32  }
0xfd: {  	v33 =	vadd.f32 v39, v33;
	v34 =	vld [tilespmem:s24+$0x5000]  }
0xfe: {  	v39 =	vld [tilespmem:s23+$0x1000];
	v32 =	vadd.f32 v37, v32  }
0xff: {  	v33 =	vadd.f32 v38, v33;
	v37 =	vld [tilespmem:s24+$0xD000]  }
0x100: {  	v38 =	vld [tilespmem:s23+$0x9000];
	v32 =	vadd.f32 v35, v32  }
0x101: {  	v33 =	vadd.f32 v36, v33;
	v35 =	vld [tilespmem:s24+$0x5400]  }
0x102: {  	v36 =	vld [tilespmem:s23+$0x1400];
	v32 =	vadd.f32 v34, v32  }
0x103: {  	v33 =	vadd.f32 v39, v33;
	v34 =	vld [tilespmem:s24+$0xD400]  }
0x104: {  	v39 =	vld [tilespmem:s23+$0x9400];
	v32 =	vadd.f32 v37, v32  }
0x105: {  	v33 =	vadd.f32 v38, v33;
	v37 =	vld [tilespmem:s24+$0x5800]  }
0x106: {  	v38 =	vld [tilespmem:s23+$0x1800];
	v32 =	vadd.f32 v35, v32  }
0x107: {  	v33 =	vadd.f32 v36, v33;
	v35 =	vld [tilespmem:s24+$0xD800]  }
0x108: {  	v36 =	vld [tilespmem:s23+$0x9800];
	v32 =	vadd.f32 v34, v32  }
0x109: {  	v33 =	vadd.f32 v39, v33;
	v34 =	vld [tilespmem:s24+$0x5C00]  }
0x10a: {  	v39 =	vld [tilespmem:s23+$0x1C00];
	v32 =	vadd.f32 v37, v32  }
0x10b: {  	v33 =	vadd.f32 v38, v33;
	v37 =	vld [tilespmem:s24+$0xDC00]  }
0x10c: {  	v38 =	vld [tilespmem:s23+$0x9C00];
	v32 =	vadd.f32 v35, v32  }
0x10d: {  	v33 =	vadd.f32 v36, v33;
	v35 =	vld [tilespmem:s24+$0x6000]  }
0x10e: {  	v36 =	vld [tilespmem:s23+$0x2000];
	v32 =	vadd.f32 v34, v32  }
0x10f: {  	v33 =	vadd.f32 v39, v33;
	v34 =	vld [tilespmem:s24+$0xE000]  }
0x110: {  	v39 =	vld [tilespmem:s23+$0xA000];
	v32 =	vadd.f32 v37, v32  }
0x111: {  	v33 =	vadd.f32 v38, v33;
	v37 =	vld [tilespmem:s24+$0x6400]  }
0x112: {  	v38 =	vld [tilespmem:s23+$0x2400];
	v32 =	vadd.f32 v35, v32  }
0x113: {  	v33 =	vadd.f32 v36, v33;
	v35 =	vld [tilespmem:s24+$0xE400]  }
0x114: {  	v36 =	vld [tilespmem:s23+$0xA400];
	v32 =	vadd.f32 v34, v32  }
0x115: {  	v33 =	vadd.f32 v39, v33;
	v34 =	vld [tilespmem:s24+$0x6800]  }
0x116: {  	v39 =	vld [tilespmem:s23+$0x2800];
	v32 =	vadd.f32 v37, v32  }
0x117: {  	v33 =	vadd.f32 v38, v33;
	v37 =	vld [tilespmem:s24+$0xE800]  }
0x118: {  	v38 =	vld [tilespmem:s23+$0xA800];
	v32 =	vadd.f32 v35, v32  }
0x119: {  	v33 =	vadd.f32 v36, v33;
	v35 =	vld [tilespmem:s24+$0x6C00]  }
0x11a: {  	v36 =	vld [tilespmem:s23+$0x2C00];
	v32 =	vadd.f32 v34, v32  }
0x11b: {  	v33 =	vadd.f32 v39, v33;
	v34 =	vld [tilespmem:s24+$0xEC00]  }
0x11c: {  	v39 =	vld [tilespmem:s23+$0xAC00];
	v32 =	vadd.f32 v37, v32  }
0x11d: {  	v33 =	vadd.f32 v38, v33;
	v37 =	vld [tilespmem:s24+$0x7000]  }
0x11e: {  	v38 =	vld [tilespmem:s23+$0x3000];
	v32 =	vadd.f32 v35, v32  }
0x11f: {  	v33 =	vadd.f32 v36, v33;
	v35 =	vld [tilespmem:s24+$0xF000]  }
0x120: {  	v36 =	vld [tilespmem:s23+$0xB000];
	v32 =	vadd.f32 v34, v32  }
0x121: {  	v33 =	vadd.f32 v39, v33;
	v34 =	vld [tilespmem:s24+$0x7400]  }
0x122: {  	v39 =	vld [tilespmem:s23+$0x3400];
	v32 =	vadd.f32 v37, v32  }
0x123: {  	v33 =	vadd.f32 v38, v33;
	v37 =	vld [tilespmem:s24+$0xF400]  }
0x124: {  	v38 =	vld [tilespmem:s23+$0xB400];
	v32 =	vadd.f32 v35, v32  }
0x125: {  	v33 =	vadd.f32 v36, v33;
	v35 =	vld [tilespmem:s24+$0x7800]  }
0x126: {  	v36 =	vld [tilespmem:s23+$0x3800];
	v34 =	vadd.f32 v34, v32  }
0x127: {  	v33 =	vadd.f32 v39, v33;
	v39 =	vld [tilespmem:s24+$0xF800]  }
.Ltmp0:
0x128: {  	v32 =	vld [tilespmem:s23+$0xB800];
	v37 =	vadd.f32 v37, v34;
	(pc) =	sbr.rel @p1 .LBB2_2-.Ltmp0, $4  }
0x129: {  	v38 =	vadd.f32 v38, v33;
	v34 =	vld [tilespmem:s24+$0x7C00]  }
0x12a: {  	v33 =	vld [tilespmem:s23+$0x3C00];
	v40 =	vadd.f32 v35, v37  }
0x12b: {  	v37 =	vadd.f32 v36, v38;
	v35 =	vld [tilespmem:s24+$0xFC00]  }
0x12c: {  	s25 =	sshra.s32 s26, $0x2;
	s26 =	sadd.s32 $0x40, s26;
	v36 =	vld [tilespmem:s23+$0xBC00];
	v38 =	vadd.f32 v39, v40  }
0x12d: {  	v39 =	vld [tilespmem:s25+$0x10600]  }
0x12e: {  	v40 =	vld [tilespmem:s23+$0x4000];
	v32 =	vadd.f32 v32, v37;
	v34 =	vadd.f32 v34, v38  }
0x12f: {  	v37 =	vld [tilespmem:s25+$0x0]  }
0x130: {  	v38 =	vld [tilespmem:s23+$0xC000];
	v32 =	vadd.f32 v33, v32;
	v33 =	vadd.f32 v35, v34  }
0x131: {  	v34 =	vld [tilespmem:s25+$0x8000]  }
0x132: {  	v35 =	vld [tilespmem:s23+$0x4400];
	v32 =	vadd.f32 v36, v32;
	v41 =	vsub.f32 $0.0e+00, v39;
	[tilespmem:s24+$0x10A00] =	vst v33  }
0x133: {  	v33 =	vld [tilespmem:s25+$0x400]  }
0x134: {  	v32 =	vadd.f32 v40, v32;
	v39 =	vld [tilespmem:s25+$0x8400];
	v36 =	vadd.f32 v37, v41  }
0x135: {  	v37 =	vld [tilespmem:s23+$0xC400]  }
0x136: {  	v32 =	vadd.f32 v38, v32;
	v38 =	vld [tilespmem:s25+$0x800];
	v34 =	vadd.f32 v34, v36  }
0x137: {  	v36 =	vld [tilespmem:s23+$0x4800]  }
0x138: {  	v32 =	vadd.f32 v35, v32;
	v35 =	vld [tilespmem:s25+$0x8800];
	v33 =	vadd.f32 v33, v34  }
0x139: {  	v34 =	vld [tilespmem:s23+$0xC800]  }
0x13a: {  	v32 =	vadd.f32 v37, v32;
	v37 =	vld [tilespmem:s23+$0x4C00];
	v33 =	vadd.f32 v39, v33  }
0x13b: {  	v39 =	vld [tilespmem:s25+$0xC00]  }
0x13c: {  	v32 =	vadd.f32 v36, v32;
	v36 =	vld [tilespmem:s23+$0xCC00];
	v33 =	vadd.f32 v38, v33  }
0x13d: {  	v38 =	vld [tilespmem:s25+$0x8C00]  }
0x13e: {  	v32 =	vadd.f32 v34, v32;
	v34 =	vld [tilespmem:s23+$0x5000];
	v33 =	vadd.f32 v35, v33  }
0x13f: {  	v35 =	vld [tilespmem:s25+$0x1000]  }
0x140: {  	v32 =	vadd.f32 v37, v32;
	v37 =	vld [tilespmem:s23+$0xD000];
	v33 =	vadd.f32 v39, v33  }
0x141: {  	v39 =	vld [tilespmem:s25+$0x9000]  }
0x142: {  	v32 =	vadd.f32 v36, v32;
	v36 =	vld [tilespmem:s23+$0x5400];
	v33 =	vadd.f32 v38, v33  }
0x143: {  	v38 =	vld [tilespmem:s25+$0x1400]  }
0x144: {  	v32 =	vadd.f32 v34, v32;
	v34 =	vld [tilespmem:s23+$0xD400];
	v33 =	vadd.f32 v35, v33  }
0x145: {  	v35 =	vld [tilespmem:s25+$0x9400]  }
0x146: {  	v32 =	vadd.f32 v37, v32;
	v37 =	vld [tilespmem:s23+$0x5800];
	v33 =	vadd.f32 v39, v33  }
0x147: {  	v39 =	vld [tilespmem:s25+$0x1800]  }
0x148: {  	v32 =	vadd.f32 v36, v32;
	v36 =	vld [tilespmem:s23+$0xD800];
	v33 =	vadd.f32 v38, v33  }
0x149: {  	v38 =	vld [tilespmem:s25+$0x9800]  }
0x14a: {  	v32 =	vadd.f32 v34, v32;
	v34 =	vld [tilespmem:s23+$0x5C00];
	v33 =	vadd.f32 v35, v33  }
0x14b: {  	v35 =	vld [tilespmem:s25+$0x1C00]  }
0x14c: {  	v32 =	vadd.f32 v37, v32;
	v37 =	vld [tilespmem:s23+$0xDC00];
	v33 =	vadd.f32 v39, v33  }
0x14d: {  	v39 =	vld [tilespmem:s25+$0x9C00]  }
0x14e: {  	v32 =	vadd.f32 v36, v32;
	v36 =	vld [tilespmem:s23+$0x6000];
	v33 =	vadd.f32 v38, v33  }
0x14f: {  	v38 =	vld [tilespmem:s25+$0x2000]  }
0x150: {  	v32 =	vadd.f32 v34, v32;
	v34 =	vld [tilespmem:s23+$0xE000];
	v33 =	vadd.f32 v35, v33  }
0x151: {  	v35 =	vld [tilespmem:s25+$0xA000]  }
0x152: {  	v32 =	vadd.f32 v37, v32;
	v37 =	vld [tilespmem:s23+$0x6400];
	v33 =	vadd.f32 v39, v33  }
0x153: {  	v39 =	vld [tilespmem:s25+$0x2400]  }
0x154: {  	v32 =	vadd.f32 v36, v32;
	v36 =	vld [tilespmem:s23+$0xE400];
	v33 =	vadd.f32 v38, v33  }
0x155: {  	v38 =	vld [tilespmem:s25+$0xA400]  }
0x156: {  	v32 =	vadd.f32 v34, v32;
	v34 =	vld [tilespmem:s23+$0x6800];
	v33 =	vadd.f32 v35, v33  }
0x157: {  	v35 =	vld [tilespmem:s25+$0x2800]  }
0x158: {  	v32 =	vadd.f32 v37, v32;
	v37 =	vld [tilespmem:s23+$0xE800];
	v33 =	vadd.f32 v39, v33  }
0x159: {  	v39 =	vld [tilespmem:s25+$0xA800]  }
0x15a: {  	v32 =	vadd.f32 v36, v32;
	v36 =	vld [tilespmem:s23+$0x6C00];
	v33 =	vadd.f32 v38, v33  }
0x15b: {  	v38 =	vld [tilespmem:s25+$0x2C00]  }
0x15c: {  	v32 =	vadd.f32 v34, v32;
	v34 =	vld [tilespmem:s23+$0xEC00];
	v33 =	vadd.f32 v35, v33  }
0x15d: {  	v35 =	vld [tilespmem:s25+$0xAC00]  }
0x15e: {  	v32 =	vadd.f32 v37, v32;
	v37 =	vld [tilespmem:s23+$0x7000];
	v33 =	vadd.f32 v39, v33  }
0x15f: {  	v39 =	vld [tilespmem:s25+$0x3000]  }
0x160: {  	v32 =	vadd.f32 v36, v32;
	v36 =	vld [tilespmem:s23+$0xF000];
	v33 =	vadd.f32 v38, v33  }
0x161: {  	v38 =	vld [tilespmem:s25+$0xB000]  }
0x162: {  	v32 =	vadd.f32 v34, v32;
	v34 =	vld [tilespmem:s23+$0x7400];
	v33 =	vadd.f32 v35, v33  }
0x163: {  	v35 =	vld [tilespmem:s25+$0x3400]  }
0x164: {  	v32 =	vadd.f32 v37, v32;
	v37 =	vld [tilespmem:s23+$0xF400];
	v33 =	vadd.f32 v39, v33  }
0x165: {  	v39 =	vld [tilespmem:s25+$0xB400]  }
0x166: {  	v32 =	vadd.f32 v36, v32;
	v36 =	vld [tilespmem:s23+$0x7800];
	v33 =	vadd.f32 v38, v33  }
0x167: {  	v38 =	vld [tilespmem:s25+$0x3800]  }
0x168: {  	v32 =	vadd.f32 v34, v32;
	v34 =	vld [tilespmem:s23+$0xF800];
	v33 =	vadd.f32 v35, v33  }
0x169: {  	v35 =	vld [tilespmem:s25+$0xB800]  }
0x16a: {  	v32 =	vadd.f32 v37, v32;
	v37 =	vld [tilespmem:s23+$0x7C00];
	v33 =	vadd.f32 v39, v33  }
0x16b: {  	v39 =	vld [tilespmem:s25+$0x3C00]  }
0x16c: {  	v40 =	vld [tilespmem:s25+$0xBC00];
	v32 =	vadd.f32 v36, v32;
	v33 =	vadd.f32 v38, v33  }
0x16d: {  	v36 =	vld [tilespmem:s23+$0xFC00]  }
0x16e: {  	v32 =	vadd.f32 v34, v32;
	v33 =	vadd.f32 v35, v33  }
0x16f: {  	v41 =	vld [tilespmem:s25+$0x4000]  }
0x170: {  	v32 =	vadd.f32 v37, v32;
	v33 =	vadd.f32 v39, v33  }
0x171: {  	v35 =	vld [tilespmem:s25+$0xC000]  }
0x172: {  	v32 =	vadd.f32 v36, v32;
	v33 =	vadd.f32 v40, v33  }
0x173: {  	v40 =	vld [tilespmem:s25+$0x4400]  }
0x174: {  	[tilespmem:s23+$0x10A00] =	vst v32;
	v41 =	vadd.f32 v41, v33  }
0x175: {  	v37 =	vld [tilespmem:s25+$0xC400]  }
0x176: {  	v32 =	vadd.f32 v35, v41  }
0x177: {  	v38 =	vld [tilespmem:s25+$0x4800]  }
0x178: {  	v32 =	vadd.f32 v40, v32  }
0x179: {  	v39 =	vld [tilespmem:s25+$0xC800]  }
0x17a: {  	v32 =	vadd.f32 v37, v32  }
0x17b: {  	v40 =	vld [tilespmem:s25+$0x4C00]  }
0x17c: {  	v32 =	vadd.f32 v38, v32  }
0x17d: {  	v41 =	vld [tilespmem:s25+$0xCC00]  }
0x17e: {  	v32 =	vadd.f32 v39, v32  }
0x17f: {  	v36 =	vld [tilespmem:s25+$0x5000]  }
0x180: {  	v32 =	vadd.f32 v40, v32  }
0x181: {  	v37 =	vld [tilespmem:s25+$0xD000]  }
0x182: {  	v32 =	vadd.f32 v41, v32  }
0x183: {  	v38 =	vld [tilespmem:s25+$0x5400]  }
0x184: {  	v32 =	vadd.f32 v36, v32  }
0x185: {  	v39 =	vld [tilespmem:s25+$0xD400]  }
0x186: {  	v32 =	vadd.f32 v37, v32  }
0x187: {  	v40 =	vld [tilespmem:s25+$0x5800]  }
0x188: {  	v32 =	vadd.f32 v38, v32  }
0x189: {  	v41 =	vld [tilespmem:s25+$0xD800]  }
0x18a: {  	v32 =	vadd.f32 v39, v32  }
0x18b: {  	v36 =	vld [tilespmem:s25+$0x5C00]  }
0x18c: {  	v32 =	vadd.f32 v40, v32  }
0x18d: {  	v37 =	vld [tilespmem:s25+$0xDC00]  }
0x18e: {  	v32 =	vadd.f32 v41, v32  }
0x18f: {  	v38 =	vld [tilespmem:s25+$0x6000]  }
0x190: {  	v32 =	vadd.f32 v36, v32  }
0x191: {  	v39 =	vld [tilespmem:s25+$0xE000]  }
0x192: {  	v32 =	vadd.f32 v37, v32  }
0x193: {  	v40 =	vld [tilespmem:s25+$0x6400]  }
0x194: {  	v32 =	vadd.f32 v38, v32  }
0x195: {  	v41 =	vld [tilespmem:s25+$0xE400]  }
0x196: {  	v32 =	vadd.f32 v39, v32  }
0x197: {  	v36 =	vld [tilespmem:s25+$0x6800]  }
0x198: {  	v32 =	vadd.f32 v40, v32  }
0x199: {  	v37 =	vld [tilespmem:s25+$0xE800]  }
0x19a: {  	v32 =	vadd.f32 v41, v32  }
0x19b: {  	v38 =	vld [tilespmem:s25+$0x6C00]  }
0x19c: {  	v32 =	vadd.f32 v36, v32  }
0x19d: {  	v39 =	vld [tilespmem:s25+$0xEC00]  }
0x19e: {  	v32 =	vadd.f32 v37, v32  }
0x19f: {  	v40 =	vld [tilespmem:s25+$0x7000]  }
0x1a0: {  	v32 =	vadd.f32 v38, v32  }
0x1a1: {  	v41 =	vld [tilespmem:s25+$0xF000]  }
0x1a2: {  	v32 =	vadd.f32 v39, v32  }
0x1a3: {  	v36 =	vld [tilespmem:s25+$0x7400]  }
0x1a4: {  	v32 =	vadd.f32 v40, v32  }
0x1a5: {  	v37 =	vld [tilespmem:s25+$0xF400]  }
0x1a6: {  	v32 =	vadd.f32 v41, v32  }
0x1a7: {  	v38 =	vld [tilespmem:s25+$0x7800]  }
0x1a8: {  	v32 =	vadd.f32 v36, v32  }
0x1a9: {  	v39 =	vld [tilespmem:s25+$0xF800]  }
0x1aa: {  	v32 =	vadd.f32 v37, v32  }
0x1ab: {  	v40 =	vld [tilespmem:s25+$0x7C00]  }
0x1ac: {  	v32 =	vadd.f32 v38, v32  }
0x1ad: {  	v41 =	vld [tilespmem:s25+$0xFC00]  }
0x1ae: {  	v32 =	vadd.f32 v39, v32;
	_ =	sdelay $0x1  }
0x1af: {  	v32 =	vadd.f32 v40, v32;
	_ =	sdelay $0x1  }
0x1b0: {  	v32 =	vadd.f32 v41, v32;
	_ =	sdelay $0x1  }
.Ltmp1:
0x1b1: {  	[tilespmem:s25+$0x10A00] =	vst v32;
	(pc) =	sbr.rel @p0 .LBB2_5-.Ltmp1, $4  }
0x1b2: {  	[hbm4b:s9+s4] =	stream.linear.scatter [tilespmem:s10], [sflag:$0x2], $0x20, $0x38;
	[tilespmem:$0x14E80] =	vst v63  }
0x1b3: {  	_ =	swait.ge [sflag:s18], $0x20  }
0x1b4: {  	[sflag:s18] =	ssyncset.done $0x0  }
0x1b5: {  	[sflag:s18] =	ssyncadd.s32 $0xFFFFFFE0  }
0x1b6: {  	v32 =	vadd.f32 $0.0e+00, v43;
	v33 =	vld [tilespmem:$0x1FD70]  }
0x1b7: {  	v34 =	vld [tilespmem:$0x1FD60]  }
0x1b8: {  	v35 =	vld [tilespmem:$0x1FD90];
	v32 =	vadd.f32 v46, v32  }
0x1b9: {  	v46 =	vld [tilespmem:$0x1FD80]  }
0x1ba: {  	v32 =	vadd.f32 v47, v32;
	v47 =	vld [tilespmem:$0x1FDB0]  }
0x1bb: {  	v36 =	vld [tilespmem:$0x1FDA0];
	v33 =	vadd.f32 $0.0e+00, v33  }
0x1bc: {  	v37 =	vld [tilespmem:$0x1FDD0];
	v34 =	vadd.f32 $0.0e+00, v34;
	v32 =	vadd.f32 v48, v32  }
0x1bd: {  	v38 =	vld [tilespmem:$0x1FDC0];
	v33 =	vadd.f32 v35, v33  }
0x1be: {  	v39 =	vld [tilespmem:$0x1FDF0];
	v34 =	vadd.f32 v46, v34;
	v32 =	vadd.f32 v49, v32  }
0x1bf: {  	v40 =	vld [tilespmem:$0x1FDE0];
	v33 =	vadd.f32 v47, v33  }
0x1c0: {  	v41 =	vld [tilespmem:$0x1FE10];
	v34 =	vadd.f32 v36, v34;
	v32 =	vadd.f32 v50, v32  }
0x1c1: {  	v43 =	vld [tilespmem:$0x1FE00];
	v33 =	vadd.f32 v37, v33  }
0x1c2: {  	v46 =	vld [tilespmem:$0x1FE30];
	v34 =	vadd.f32 v38, v34;
	v32 =	vadd.f32 v51, v32  }
0x1c3: {  	v47 =	vld [tilespmem:$0x1FE20];
	v33 =	vadd.f32 v39, v33  }
0x1c4: {  	v48 =	vld [tilespmem:$0x1FE50];
	v34 =	vadd.f32 v40, v34;
	v32 =	vadd.f32 v52, v32  }
0x1c5: {  	v49 =	vld [tilespmem:$0x1FE40];
	v33 =	vadd.f32 v41, v33  }
0x1c6: {  	v50 =	vld [tilespmem:$0x1FE70];
	v34 =	vadd.f32 v43, v34;
	v32 =	vadd.f32 v53, v32  }
0x1c7: {  	v51 =	vld [tilespmem:$0x1FE60];
	v33 =	vadd.f32 v46, v33  }
0x1c8: {  	v52 =	vld [tilespmem:$0x1FE90];
	v34 =	vadd.f32 v47, v34;
	v32 =	vadd.f32 v54, v32  }
0x1c9: {  	v53 =	vld [tilespmem:$0x1FE80];
	v33 =	vadd.f32 v48, v33  }
0x1ca: {  	v54 =	vld [tilespmem:$0x1FEB0];
	v34 =	vadd.f32 v49, v34;
	v32 =	vadd.f32 v55, v32  }
0x1cb: {  	v55 =	vld [tilespmem:$0x1FEA0];
	v33 =	vadd.f32 v50, v33  }
0x1cc: {  	v34 =	vadd.f32 v51, v34;
	v32 =	vadd.f32 v56, v32;
	v56 =	vld [tilespmem:$0x1FED0]  }
0x1cd: {  	v36 =	vld [tilespmem:$0x1FEC0];
	v33 =	vadd.f32 v52, v33  }
0x1ce: {  	v37 =	vld [tilespmem:$0x1FEF0];
	v34 =	vadd.f32 v53, v34  }
0x1cf: {  	v38 =	vld [tilespmem:$0x1FEE0];
	v33 =	vadd.f32 v54, v33  }
0x1d0: {  	v39 =	vld [tilespmem:$0x1FF10];
	v34 =	vadd.f32 v55, v34  }
0x1d1: {  	v40 =	vld [tilespmem:$0x1FF00];
	v33 =	vadd.f32 v56, v33  }
0x1d2: {  	v41 =	vld [tilespmem:$0x1FF30];
	v32 =	vadd.f32 v57, v32;
	v34 =	vadd.f32 v36, v34  }
0x1d3: {  	v43 =	vld [tilespmem:$0x1FF20];
	v33 =	vadd.f32 v37, v33  }
0x1d4: {  	v46 =	vld [tilespmem:$0x1FF50];
	v32 =	vadd.f32 v58, v32;
	v34 =	vadd.f32 v38, v34  }
0x1d5: {  	v47 =	vld [tilespmem:$0x1FF40];
	v33 =	vadd.f32 v39, v33  }
0x1d6: {  	v48 =	vld [tilespmem:$0x1FF70];
	v32 =	vadd.f32 v59, v32;
	v34 =	vadd.f32 v40, v34  }
0x1d7: {  	v49 =	vld [tilespmem:$0x1FF60];
	v33 =	vadd.f32 v41, v33  }
0x1d8: {  	v50 =	vld [tilespmem:$0x1FF90];
	v32 =	vadd.f32 v60, v32;
	v34 =	vadd.f32 v43, v34  }
0x1d9: {  	v51 =	vld [tilespmem:$0x1FF80];
	v33 =	vadd.f32 v46, v33  }
0x1da: {  	v52 =	vld [tilespmem:$0x1FFB0];
	v32 =	vadd.f32 v61, v32;
	v34 =	vadd.f32 v47, v34  }
0x1db: {  	v53 =	vld [tilespmem:$0x1FFA0];
	v33 =	vadd.f32 v48, v33  }
0x1dc: {  	v54 =	vld [tilespmem:$0x1FFD0];
	v32 =	vadd.f32 v62, v32;
	v34 =	vadd.f32 v49, v34  }
0x1dd: {  	v55 =	vld [tilespmem:$0x1FFC0];
	v33 =	vadd.f32 v50, v33  }
0x1de: {  	v32 =	vadd.f32 v63, v32;
	v34 =	vadd.f32 v51, v34  }
0x1df: {  	v57 =	vld [tilespmem:$0x1FFE0];
	v33 =	vadd.f32 v52, v33  }
0x1e0: {  	v0 =	vadd.f32 v0, v32;
	v32 =	vadd.f32 v53, v34  }
0x1e1: {  	v59 =	vld [tilespmem:$0x1FFF0];
	v33 =	vadd.f32 v54, v33  }
0x1e2: {  	v0 =	vadd.f32 v1, v0;
	v1 =	vadd.f32 v55, v32  }
0x1e3: {  	v56 =	vadd.f32 v42, v33  }
0x1e4: {  	v0 =	vadd.f32 v2, v0;
	v1 =	vadd.f32 v57, v1  }
0x1e5: {  	v58 =	vadd.f32 v44, v56  }
0x1e6: {  	v0 =	vadd.f32 v5, v0;
	v1 =	vadd.f32 v59, v1  }
0x1e7: {  	v2 =	vadd.f32 v3, v58  }
0x1e8: {  	v0 =	vadd.f32 v8, v0;
	v1 =	vadd.f32 v45, v1  }
0x1e9: {  	v2 =	vadd.f32 v6, v2  }
0x1ea: {  	v0 =	vadd.f32 v11, v0;
	v1 =	vadd.f32 v4, v1  }
0x1eb: {  	v2 =	vadd.f32 v9, v2  }
0x1ec: {  	v0 =	vadd.f32 v14, v0;
	v1 =	vadd.f32 v7, v1  }
0x1ed: {  	v2 =	vadd.f32 v12, v2  }
0x1ee: {  	v0 =	vadd.f32 v17, v0;
	v1 =	vadd.f32 v10, v1  }
0x1ef: {  	v2 =	vadd.f32 v15, v2  }
0x1f0: {  	v0 =	vadd.f32 v20, v0;
	v1 =	vadd.f32 v13, v1  }
0x1f1: {  	v2 =	vadd.f32 v18, v2  }
0x1f2: {  	v0 =	vadd.f32 v23, v0;
	v1 =	vadd.f32 v16, v1  }
0x1f3: {  	v2 =	vadd.f32 v21, v2  }
0x1f4: {  	v0 =	vadd.f32 v26, v0;
	v1 =	vadd.f32 v19, v1  }
0x1f5: {  	v2 =	vadd.f32 v24, v2  }
0x1f6: {  	v0 =	vadd.f32 v29, v0;
	v1 =	vadd.f32 v22, v1  }
0x1f7: {  	v2 =	vadd.f32 v27, v2  }
0x1f8: {  	v0 =	vadd.f32 v31, v0;
	v1 =	vadd.f32 v25, v1  }
0x1f9: {  	v2 =	vadd.f32 v30, v2  }
0x1fa: {  	(xrf2) =	vadd.scan.msk.f32 $0xffff, v0;
	v60 =	vadd.f32 v28, v1  }
0x1fb: {  	(xrf2) =	vadd.scan.msk.f32 $0xffff, v2  }
0x1fc: {  	(xrf2) =	vadd.scan.msk.f32 $0xffff, v60;
	_ =	sdelay $0x7  }
0x1fd: {  	v61, _, _ =	vpop (xrf2)  }
0x1fe: {  	v0 =	vadd.f32 $0.0e+00, v61;
	v62, _, _ =	vpop (xrf2)  }
0x1ff: {  	v63, _, _ =	vpop (xrf2);
	v1 =	vadd.f32 $0.0e+00, v62  }
0x200: {  	v0 =	vbroadcast v0, $0xF;
	v2 =	vadd.f32 $0.0e+00, v63  }
0x201: {  	v1 =	vbroadcast v1, $0xF  }
0x202: {  	[tilespmem:$0x10E20] =	vst v0;
	v2 =	vbroadcast v2, $0xF  }
0x203: {  	[tilespmem:$0x10E10] =	vst v1  }
0x204: {  	[tilespmem:$0x10E00] =	vst v2  }
0x205: {  	[hbm4b:s7+s4] =	stream.linear.scatter [tilespmem:s19], [sflag:$0x2], $0x80, $0x38;
	[tilespmem:$0x14E80] =	vst v63  }
0x206: {  	_ =	swait.ge [sflag:s18], $0x80  }
0x207: {  	[sflag:s18] =	ssyncset.done $0x0  }
0x208: {  	[sflag:s18] =	ssyncadd.s32 $0xFFFFFF80  }
.LBB2_5:
0x209: {  	s23 =	simm.s32 $0x0  }
0x20a: {  	v0 =	vld [tilespmem:s23+$0x10E80];
	_ =	sdelay $0x7  }
0x20b: {  	s24 =	simm.s32 $0x10;
	s25 =	simm.s32 $0x80;
	v0 =	vld.idx.msk [tilespmem:v0+s20+$0x0], $0xffff  }
.LBB2_6:
0x20c: {  	p1 =	sne.s32 s25, $0x7FC0;
	v1 =	vld [tilespmem:s24+$0x10E80];
	_ =	sdelay $0x3  }
.Ltmp2:
0x20d: {  	(pc) =	sbr.rel @p1 .LBB2_6-.Ltmp2, $2  }
0x20e: {  	[tilespmem:s23+$0x12E80] =	vst v0;
	s23 =	smov.u32 s24;
	_ =	sdelay $0x2  }
0x20f: {  	s24 =	sshra.s32 s25, $0x2;
	s25 =	sadd.s32 $0x40, s25;
	v0 =	vld.idx.msk [tilespmem:v1+s20+$0x0], $0xffff  }
0x210: {  	v1 =	vld [tilespmem:s24+$0x10E80];
	_ =	sdelay $0x6  }
0x211: {  	[tilespmem:s23+$0x12E80] =	vst v0  }
0x212: {  	v0 =	vld.idx.msk [tilespmem:v1+s20+$0x0], $0xffff;
	_ =	sdelay $0x2  }
0x213: {  	s22 =	sadd.s32 $0x1, s22  }
0x214: {  	p1 =	sne.s32 s22, s12  }
.Ltmp3:
0x215: {  	[tilespmem:s24+$0x12E80] =	vst v0;
	(pc) =	sbr.rel @p1 .LBB2_1-.Ltmp3, $4  }
0x216: {  	[hbm4b:s11+s4] =	stream.linear.scatter [tilespmem:s21], [sflag:$0x2], $0x2000, $0x38;
	[tilespmem:$0x14E80] =	vst v63  }
0x217: {  	_ =	swait.ge [sflag:s18], $0x2000  }
0x218: {  	[sflag:s18] =	ssyncset.done $0x0  }
0x219: {  	[sflag:s18] =	ssyncadd.s32 $0xFFFFE000  }
0x21a: {  	_ =	sfence.sel $0x180000  }
0x21b: {  	[bflag:$0x0] =	sbarrier.arrive $0xFFFF  }
0x21c: {  	p0 =	sne.s32 s3, $0x0;
	_ =	strace $0x9000004D  }
0x21d: {  	s0 =	sadd.s32 @!p0 $0x100000, s0;
	[bflag:$0x2] =	sbarrier.arrive $0xFFFF  }
0x21e: {  	[sflag:s0] =	ssyncadd.tile.s32 @!p0 $0x1;
	_ =	shalt  }
.Lfunc_end2:
_tile_overlayer_lowered:
.L_overlay_start_2:
0x21f: {  	(tag) =	ssettag $0x2  }
0x220: {  	s0 =	rddreg [dreg:$0x0];
	s2 =	stileid.u32  }
0x221: {  	s1 =	rddreg [dreg:$0x1];
	p0 =	sne.s32 s2, $0x0  }
0x222: {  	s3 =	rddreg [dreg:$0x2];
	[bflag:$0x3] =	sbarrier.arrive $0xFFFF;
	s2 =	simm.s32 @!p0 $0x1C02  }
0x223: {  	[timem:s3], [sflag:s2] =	dma.local @!p0 [hbm:s0], s1  }
0x224: {  	s0 =	simm.s32 @!p0 $0x2  }
0x225: {  	_ =	swait.ge @!p0 [sflag:s0], s1  }
0x226: {  	s1 =	ssub.s32 @!p0 $0x0, s1;
	[sflag:s0] =	ssyncset.done @!p0 $0x0  }
0x227: {  	[sflag:s0] =	ssyncadd.s32 @!p0 s1  }
0x228: {  	[bflag:$0x3] =	sbarrier.arrive $0xFFFF  }
0x229: {  	_ =	shalt  }

// kernel: kernel.7.cloned.1.call-start
scs
__scs_entry_jumppad:
0x0: {  	(pc) =	sbr.rel $0x88, $3  }
0x1: {  	(tag) =	ssettag $0x0;
	lr =	simm.s32 $0x1  }
0x2: {  	[smem:$0x3F96] =	sst lr;
	_ =	strace $0xD0000000  }
0x3: {  	_ = 	snop  }
0x4: {  	_ = 	snop  }
0x5: {  	_ = 	snop  }
0x6: {  	_ = 	snop  }
0x7: {  	_ = 	snop  }
__scs_overlays_trampoline_lowered:
0x8: {  	[smem:$0x3FA5] =	sst s0  }
0x9: {  	[smem:$0x3FA6] =	sst s1  }
0xa: {  	[smem:$0x3FA7] =	sst s2  }
0xb: {  	[smem:$0x3FA8] =	sst s3  }
0xc: {  	[smem:$0x3FA9] =	sst s4  }
0xd: {  	[smem:$0x3FAA] =	sst s5  }
0xe: {  	[smem:$0x3FAB] =	sst s6  }
0xf: {  	[smem:$0x3FAC] =	sst s7  }
0x10: {  	[smem:$0x3FAD] =	sst s8  }
0x11: {  	[smem:$0x3FAE] =	sst s9;
	s0 =	simm.s32 @!p0 $0x0  }
0x12: {  	s1 =	sld [smem:$0x3F94];
	s0 =	simm.s32 @p0 $0x1  }
0x13: {  	[smem:$0x3FAF] =	sst s0;
	s0 =	simm.s32 @!p1 $0x0  }
0x14: {  	s2 =	sld [smem:$0x3F93];
	s0 =	simm.s32 @p1 $0x1  }
0x15: {  	[smem:$0x3FB0] =	sst s0;
	s0 =	simm.s32 @!p2 $0x0  }
0x16: {  	s3 =	sld [smem:$0x3FDB];
	s0 =	simm.s32 @p2 $0x1  }
0x17: {  	s4 =	simm.s32 $0x1BF5;
	[smem:$0x3FB2] =	sst s0  }
0x18: {  	s0 =	sld [smem:$0x3F95];
	_ =	swait.ge [sflag:s4], $0x0  }
0x19: {  	s7 =	sld [smem:$0x3F96]  }
0x1a: {  	s8 =	sadd.s32 $0xFFFFE003, lr  }
0x1b: {  	s9 =	sadd.s32 $0xFFFFFEF7, lr;
	s5 =	simm.s32 $0xFFFFFFFF;
	p2 =	slt.u32 s8, $0xFFFFF086  }
0x1c: {  	p1 =	slt.u32 s9, $0xF7A;
	s5 =	simm.s32 @!p2 $0x0  }
0x1d: {  	s5 =	simm.s32 @p1 $0x1;
	p0 =	seq.s32 s7, s2  }
0x1e: {  	s7 =	smul.u32 @!p0 $0xF7A, s2;
	p2 =	seq.s32 @!p0 s5, $0x0  }
0x1f: {  	s9 =	smul.u32 $0xF7A, s1;
	s8 =	simm.s32 @!p0 $0x1BF5;
	p2 =	por !p2, p0  }
0x20: {  	[sflag:s8] =	ssyncset.s32 @!p0 $0xFFFFF086;
	s6 =	sadd.s32 @!p0 s3, s7;
	s7 =	simm.s32 @!p0 $0x108  }
0x21: {  	s3 =	sadd.s32 s3, s9;
	s6 =	sadd.s32 @!p0 $0x88, s6;
	s7 =	simm.s32 @p2 $0x1082  }
0x22: {  	[simem:s7], [sflag:s8] =	dma.local @!p0 [hbm:s6], $0xF7A  }
0x23: {  	s9 =	sor.u32 $0xD0000000, s2;
	s6 =	simm.s32 $0x108;
	_ =	swait.ge @!p0 [sflag:s8], $0x0  }
0x24: {  	s3 =	sadd.s32 $0x88, s3;
	s6 =	simm.s32 @!p1 $0x1082;
	[sflag:s4] =	ssyncset.s32 $0xFFFFF086  }
0x25: {  	[simem:s6], [sflag:s4] =	dma.local [hbm:s3], $0xF7A  }
0x26: {  	[smem:$0x3F96] =	sst s1;
	(tag) =	ssettag s2;
	_ =	strace s9  }
0x27: {  	s1 =	sld [smem:$0x3FA6]  }
0x28: {  	s2 =	sld [smem:$0x3FA7]  }
0x29: {  	s4 =	sld [smem:$0x3FA9]  }
0x2a: {  	p0 =	seq.s32 s5, $0x0;
	s5 =	sld [smem:$0x3FAA]  }
0x2b: {  	s6 =	sld [smem:$0x3FAB]  }
0x2c: {  	s7 =	sld [smem:$0x3FAC]  }
0x2d: {  	s3 =	simm.s32 $0x108;
	s8 =	sld [smem:$0x3FAD]  }
0x2e: {  	s3 =	simm.s32 @!p0 $0x1082;
	s9 =	sld [smem:$0x3FAE]  }
0x2f: {  	lr =	sadd.s32 s0, s3;
	s0 =	sld [smem:$0x3FA5]  }
0x30: {  	s3 =	sld [smem:$0x3FA8]  }
0x31: {  	[smem:$0x3FB1] =	sst s10  }
0x32: {  	s10 =	sld [smem:$0x3FAF];
	_ =	sdelay $0x3  }
0x33: {  	p0 =	seq.s32 s10, $0x1;
	s10 =	sld [smem:$0x3FB1];
	_ =	sdelay $0x3  }
0x34: {  	[smem:$0x3FB1] =	sst s10  }
0x35: {  	s10 =	sld [smem:$0x3FB0];
	_ =	sdelay $0x3  }
0x36: {  	p1 =	seq.s32 s10, $0x1;
	s10 =	sld [smem:$0x3FB1];
	_ =	sdelay $0x3  }
0x37: {  	[smem:$0x3FB1] =	sst s10  }
0x38: {  	s10 =	sld [smem:$0x3FB2]  }
0x39: {  	_ = 	snop;
	(pc) =	sbr.ind lr, $3  }
0x3a: {  	_ = 	snop  }
0x3b: {  	_ = 	snop  }
0x3c: {  	p2 =	seq.s32 s10, $0x1;
	s10 =	sld [smem:$0x3FB1]  }
0x3d: {  	_ =	shalt  }
0x3e: {  	_ =	shalt  }
0x3f: {  	_ =	shalt  }
0x40: {  	_ =	shalt  }
0x41: {  	_ =	shalt  }
0x42: {  	_ =	shalt  }
0x43: {  	_ =	shalt  }
0x44: {  	_ =	shalt  }
0x45: {  	_ =	shalt  }
0x46: {  	_ =	shalt  }
0x47: {  	_ =	shalt  }
0x48: {  	_ =	shalt  }
0x49: {  	_ =	shalt  }
0x4a: {  	_ =	shalt  }
0x4b: {  	_ =	shalt  }
0x4c: {  	_ =	shalt  }
0x4d: {  	_ =	shalt  }
0x4e: {  	_ =	shalt  }
0x4f: {  	_ =	shalt  }
0x50: {  	_ =	shalt  }
0x51: {  	_ =	shalt  }
0x52: {  	_ =	shalt  }
0x53: {  	_ =	shalt  }
0x54: {  	_ =	shalt  }
0x55: {  	_ =	shalt  }
0x56: {  	_ =	shalt  }
0x57: {  	_ =	shalt  }
0x58: {  	_ =	shalt  }
0x59: {  	_ =	shalt  }
0x5a: {  	_ =	shalt  }
0x5b: {  	_ =	shalt  }
0x5c: {  	_ =	shalt  }
0x5d: {  	_ =	shalt  }
0x5e: {  	_ =	shalt  }
0x5f: {  	_ =	shalt  }
0x60: {  	_ =	shalt  }
0x61: {  	_ =	shalt  }
0x62: {  	_ =	shalt  }
0x63: {  	_ =	shalt  }
0x64: {  	_ =	shalt  }
0x65: {  	_ =	shalt  }
0x66: {  	_ =	shalt  }
0x67: {  	_ =	shalt  }
0x68: {  	_ =	shalt  }
0x69: {  	_ =	shalt  }
0x6a: {  	_ =	shalt  }
0x6b: {  	_ =	shalt  }
0x6c: {  	_ =	shalt  }
0x6d: {  	_ =	shalt  }
0x6e: {  	_ =	shalt  }
0x6f: {  	_ =	shalt  }
0x70: {  	_ =	shalt  }
0x71: {  	_ =	shalt  }
0x72: {  	_ =	shalt  }
0x73: {  	_ =	shalt  }
0x74: {  	_ =	shalt  }
0x75: {  	_ =	shalt  }
0x76: {  	_ =	shalt  }
0x77: {  	_ =	shalt  }
0x78: {  	_ =	shalt  }
0x79: {  	_ =	shalt  }
0x7a: {  	_ =	shalt  }
0x7b: {  	_ =	shalt  }
0x7c: {  	_ =	shalt  }
0x7d: {  	_ =	shalt  }
0x7e: {  	_ =	shalt  }
0x7f: {  	_ =	shalt  }
0x80: {  	_ =	shalt  }
0x81: {  	_ =	shalt  }
0x82: {  	_ =	shalt  }
0x83: {  	_ =	shalt  }
0x84: {  	_ =	shalt  }
0x85: {  	_ =	shalt  }
0x86: {  	_ =	shalt  }
0x87: {  	_ =	shalt  }
.Lfunc_end0:
.L_simem_size_0:
called_computation_lowered:
.L_overlay_start_0:
0x88: {  	s2 =	sld [smem:$0x3FD9]  }
0x89: {  	s3 =	sld [smem:$0x3FFE];
	_ =	sdelay $0x1  }
0x8a: {  	s1 =	srdreg.scid  }
0x8b: {  	s0 =	sand.u32 $0x1, s1  }
0x8c: {  	s15 =	sshll.u32 s0, $0xA;
	s2 =	sadd.s32 s3, s2  }
0x8d: {  	s2 =	sadd.s32 s2, s15  }
0x8e: {  	[smem:$0x3FBD] =	sst s2  }
0x8f: {  	_ = 	snop  }
0x90: {  	s4 =	sld [smem:$0x3FD0];
	_ =	sdelay $0x1  }
0x91: {  	s16 =	sld [smem:$0x3FC7]  }
0x92: {  	s6 =	simm.s32 $0xB;
	s5 =	simm.s32 $0x10;
	s2 =	sld [smem:$0x3FC5]  }
0x93: {  	[smem:s5], [sflag:s6] =	dma.local [hbm:s4], $0x1  }
0x94: {  	_ =	swait.eq [sflag:s6], $0x1  }
0x95: {  	[sflag:s6] =	ssyncset.done $0x0  }
0x96: {  	s17 =	sld [smem:$0x10];
	[sflag:s6] =	ssyncadd.s32 $0xFFFFFFFF  }
0x97: {  	s18 =	sld [smem:$0x11];
	(tm) =	ssettm $0x1  }
0x98: {  	s19 =	sld [smem:$0x3FFB];
	_ =	sdelay $0x3  }
0x99: {  	_ =	strace s19  }
0x9a: {  	s4 =	sld [smem:$0x3FFC];
	_ =	sdelay $0x3  }
0x9b: {  	_ =	strace s4  }
0x9c: {  	s4 =	sld [smem:$0x3FFD];
	_ =	sdelay $0x3  }
0x9d: {  	_ =	strace s4  }
0x9e: {  	_ =	strace $0x8FFFFFFF  }
0x9f: {  	s20 =	sld [smem:$0x3FDB];
	_ =	sdelay $0x1  }
0xa0: {  	s7 =	simm.s32 $_scs_section_size  }
0xa1: {  	s8 =	simm.s32 $_size__tile_overlayer_lowered;
	s9 =	simm.s32 $_tile_overlayer_lowered  }
0xa2: {  	s10 =	simm.s32 $0x1BFF;
	s21 =	sshll.u32 s9, $0x1;
	s7 =	sadd.s32 s7, s20  }
0xa3: {  	s22 =	simm.s32 $0x0;
	s8 =	sshll.u32 s8, $0x1;
	s9 =	sadd.s32 s21, s7  }
0xa4: {  	[timem:s22], [sflag:s10] =	dma.local [hbm:s9], s8  }
0xa5: {  	_ =	swait.ge [sflag:s10], s8  }
0xa6: {  	s8 =	ssub.s32 $0x0, s8;
	[sflag:s10] =	ssyncset.done $0x0  }
0xa7: {  	[sflag:s10] =	ssyncadd.s32 s8;
	_ =	sdelay $0x1  }
0xa8: {  	s23 =	simm.s32 $0x1B8B  }
0xa9: {  	_ =	swait.ge [sflag:s23], $0x1  }
0xaa: {  	[sflag:s23] =	ssyncset.done $0x0  }
0xab: {  	[sflag:s23] =	ssyncadd.s32 $0xFFFFFFFF  }
0xac: {  	s8 =	sld [smem:$0x0]  }
0xad: {  	s9 =	sand.u32 $0xFFFFFFFE, s1  }
0xae: {  	p0 =	sne.s32 s1, s9  }
0xaf: {  	s9 =	sshll.u32 @p0 s9, $0xE  }
0xb0: {  	s9 =	sadd.s32 @p0 $0x11B8D, s9;
	s10 =	sshll.u32 @p0 s8, $0x11  }
0xb1: {  	s9 =	sor.u32 @p0 s10, s9  }
0xb2: {  	[sflag:s9] =	ssyncadd.remote.s32 @p0 $0x1;
	_ =	sdelay $0x1  }
0xb3: {  	s9 =	simm.s32 @p0 $0x1B8D  }
0xb4: {  	_ =	swait.eq @p0 [sflag:s9], $0x1  }
0xb5: {  	[sflag:s9] =	ssyncadd.s32 @p0 $0xFFFFFFFF  }
0xb6: {  	s10 =	sshll.u32 @!p0 s1, $0xE  }
0xb7: {  	s10 =	sor.u32 @!p0 $0x4000, s10;
	s9 =	simm.s32 @!p0 $0x1B8D  }
0xb8: {  	s8 =	sshll.u32 @!p0 s8, $0x11;
	s10 =	sadd.s32 @!p0 $0x11B8D, s10;
	_ =	swait.eq @!p0 [sflag:s9], $0x1  }
0xb9: {  	s8 =	sor.u32 @!p0 s8, s10;
	[sflag:s9] =	ssyncadd.s32 @!p0 $0xFFFFFFFF  }
0xba: {  	s25 =	simm.s32 $0x1B8E;
	s24 =	sld [smem:$0x3FFE];
	[sflag:s8] =	ssyncadd.remote.s32 @!p0 $0x1  }
0xbb: {  	s26 =	simm.s32 $execute0_lowered;
	[smem:$0x3FD2] =	sst s25  }
0xbc: {  	s9 =	sshll.u32 s26, $0x1;
	_ =	strace $0x80000049;
	[dreg:$0x1] =	wrdreg $0xFFFFFFFF  }
0xbd: {  	s28 =	simm.s32 $_size_execute0_lowered;
	s7 =	sadd.s32 s7, s9;
	[dreg:$0x0] =	wrdreg $0x0  }
0xbe: {  	s9 =	sshll.u32 s28, $0x1;
	[dreg:$0x2] =	wrdreg s7  }
0xbf: {  	[dreg:$0x3] =	wrdreg s9  }
0xc0: {  	[dreg:$0x4] =	wrdreg $0xC0  }
0xc1: {  	_ =	task [dreg:s22], $0x5FFFF  }
0xc2: {  	[dreg:$0x1] =	wrdreg $0xFFFFFFFF  }
0xc3: {  	[dreg:$0x0] =	wrdreg $0x60  }
0xc4: {  	[dreg:$0x2] =	wrdreg s16  }
0xc5: {  	[dreg:$0x3] =	wrdreg s24  }
0xc6: {  	[dreg:$0x4] =	wrdreg s18  }
0xc7: {  	[dreg:$0x5] =	wrdreg s2  }
0xc8: {  	[dreg:$0x6] =	wrdreg s17  }
0xc9: {  	[dreg:$0x7] =	wrdreg $0x9  }
0xca: {  	_ =	task.clear_ibuf [dreg:s22], $0x8FFFF;
	_ =	strace $0x90000049  }
0xcb: {  	s29 =	simm.s32 $0x9;
	_ =	strace $0x8000004B  }
0xcc: {  	_ =	swait.ge [sflag:s29], $0x1  }
0xcd: {  	[sflag:s29] =	ssyncadd.s32 $0xFFFFFFFF  }
0xce: {  	_ =	strace $0x9000004B  }
0xcf: {  	_ =	sfence  }
0xd0: {  	s30 =	sld [smem:$0x0];
	_ =	sdelay $0x2  }
0xd1: {  	s31 =	sshll.u32 s1, $0xD;
	s1 =	sshrl.u32 s1, $0x2  }
0xd2: {  	s3 =	sand.u32 $0x4000, s31;
	s1 =	sadd.s32 s1, s30  }
0xd3: {  	s0 =	sor.u32 s3, s0;
	s1 =	sshll.u32 s1, $0x11  }
0xd4: {  	s0 =	sor.u32 s1, s0  }
0xd5: {  	s0 =	sadd.s32 $0x8F2B, s0  }
0xd6: {  	[sflag:s0] =	ssyncadd.remote.s32 $0x1  }
0xd7: {  	_ =	sfence.sel $0xFFFF  }
0xd8: {  	[dreg:$0x0] =	wrdreg $0xFFFFFFFF;
	(pc) =	sbr.abs _section_cstart, $3  }
0xd9: {  	[dreg:$0x1] =	wrdreg $0xFFFFFFFF  }
0xda: {  	_ =	task.clear_ibuf [dreg:s22], $0x2FFFF;
	_ =	strace $0x9FFFFFFF  }
0xdb: {  	(tm) =	ssettm $0x7FFFFFFF  }
tec
execute0_lowered:
.L_overlay_start_1:
0x0: {  	(tag) =	ssettag $0x1  }
0x1: {  	s3 =	rddreg [dreg:$0x0]  }
0x2: {  	s4 =	rddreg [dreg:$0x1]  }
0x3: {  	s6 =	rddreg [dreg:$0x2]  }
0x4: {  	s7 =	rddreg [dreg:$0x3]  }
0x5: {  	s9 =	rddreg [dreg:$0x4];
	s1 =	srdreg.scid  }
0x6: {  	s0 =	rddreg [dreg:$0x5];
	s2 =	simm.s32 $0x0;
	s15 =	simm.s32 $0x1  }
0x7: {  	s16 =	simm.s32 $0xA000;
	s17 =	simm.s32 $0x2;
	s18 =	simm.s32 $0xA400  }
0x8: {  	s19 =	simm.s32 $0x0;
	s5 =	sand.u32 $0x1, s1;
	[smem:$0x7FF] =	sst s2  }
0x9: {  	v0 =	vimm.s32 $0xFFEDCBA9;
	v1 =	vimm.s32 $0x87654321;
	s1 =	stileid.u32;
	s8 =	sshll.u32 s5, $0x4;
	s5 =	ssub.s32 $0x2, s5  }
0xa: {  	v2 =	vimm.s32 $0xEDCBA987;
	v0 =	vunpack.c.l.s4.s8 v0;
	v1 =	vunpack.c.l.s4.s8 v1;
	_ =	strace $0x8000004A;
	s8 =	sor.u32 s1, s8;
	s12 =	sshrl.u32 s5, $0x1  }
0xb: {  	v3 =	vimm.s32 $0x65432100;
	v2 =	vunpack.c.l.s4.s8 v2;
	s10 =	sshll.u32 s8, $0xA;
	s11 =	sshll.u32 s8, $0x7;
	s12 =	ssub.s32 s5, s12  }
0xc: {  	v3 =	vunpack.c.l.s4.s8 v3;
	v0 =	vunpack.c.0.s8.s32 v0;
	v1 =	vunpack.c.0.s8.s32 v1;
	s14 =	smul.u32 $0x6, s8;
	s13 =	sadd.s32 s10, s4;
	s11 =	sadd.s32 s11, s4  }
0xd: {  	v2 =	vunpack.c.0.s8.s32 v2;
	s3 =	sadd.s32 s3, s10;
	s6 =	sadd.s32 s6, s10;
	s7 =	sadd.s32 s7, s10  }
0xe: {  	v3 =	vunpack.c.0.s8.s32 v3;
	s10 =	smax.u32 s12, $0x1;
	v1 =	vcombine.low v1, v0;
	s12 =	simm.s32 $0x4000;
	s4 =	sadd.s32 $0x14000, s13  }
0xf: {  	vm0 =	vcmask $0x3F3C;
	vm1 =	vmmov $0x1;
	v2 =	vand.u32 $0xF, v2;
	s5 =	sadd.s32 $0xC000, s13;
	s8 =	sadd.s32 $0x1C000, s11;
	s9 =	sadd.s32 s9, s14  }
0x10: {  	v0 =	vimm.f32 $0.0e+00;
	s11 =	simm.s32 $0x2000;
	s13 =	simm.s32 $0x6000;
	s14 =	simm.s32 $0x8000;
	v2 =	vcombine.low v3, v2;
	v1 =	vand.u32 $0xF, v1  }
.LBB2_1:
0x11: {  	[tilespmem:s2], [sflag:$0x1] =	stream.linear.gather [hbm4b:s3+s2], $0x2000, $0x38;
	[tilespmem:$0xA480] =	vst v63  }
0x12: {  	_ = 	snop  }
0x13: {  	[tilespmem:s11], [sflag:$0x1] =	stream.linear.gather [hbm4b:s4+s2], $0x2000, $0x38;
	[tilespmem:$0xA480] =	vst v63  }
0x14: {  	_ = 	snop  }
0x15: {  	[tilespmem:s12], [sflag:$0x1] =	stream.linear.gather [hbm4b:s5+s2], $0x2000, $0x38;
	[tilespmem:$0xA480] =	vst v63  }
0x16: {  	_ = 	snop  }
0x17: {  	[tilespmem:s13], [sflag:$0x1] =	stream.linear.gather [hbm4b:s6+s2], $0x2000, $0x38;
	[tilespmem:$0xA480] =	vst v63  }
0x18: {  	s20 =	simm.s32 $0x40;
	s21 =	simm.s32 $0x0  }
0x19: {  	[tilespmem:s14], [sflag:$0x1] =	stream.linear.gather [hbm4b:s7+s2], $0x2000, $0x38;
	[tilespmem:$0xA480] =	vst v63  }
.LBB2_2:
0x1a: {  	p0 =	sne.s32 s20, $0xFC0;
	[tilespmem:s21+$0xA000] =	vst v0;
	s21 =	smov.u32 s20;
	s20 =	sadd.s32 $0x40, s20  }
.Ltmp0:
0x1b: {  	(pc) =	sbr.rel @p0 .LBB2_2-.Ltmp0, $2  }
0x1c: {  	_ =	sdelay $0x2  }
0x1d: {  	s21 =	sshra.s32 s21, $0x2  }
0x1e: {  	[tilespmem:s21+$0xA000] =	vst v0  }
0x1f: {  	[tilespmem:$0xA400] =	vst v0  }
0x20: {  	[tilespmem:$0xA410] =	vst v0  }
0x21: {  	[tilespmem:$0xA420] =	vst v0  }
0x22: {  	_ =	swait.ge [sflag:s15], $0x2000  }
0x23: {  	[sflag:s15] =	ssyncset.done $0x0  }
0x24: {  	[sflag:s15] =	ssyncadd.s32 $0xFFFFE000  }
0x25: {  	_ =	swait.ge [sflag:s15], $0x2000  }
0x26: {  	[sflag:s15] =	ssyncset.done $0x0  }
0x27: {  	[sflag:s15] =	ssyncadd.s32 $0xFFFFE000  }
0x28: {  	_ =	swait.ge [sflag:s15], $0x2000  }
0x29: {  	[sflag:s15] =	ssyncset.done $0x0  }
0x2a: {  	[sflag:s15] =	ssyncadd.s32 $0xFFFFE000  }
0x2b: {  	_ =	swait.ge [sflag:s15], $0x2000  }
0x2c: {  	[sflag:s15] =	ssyncset.done $0x0  }
0x2d: {  	[sflag:s15] =	ssyncadd.s32 $0xFFFFE000  }
0x2e: {  	_ =	swait.ge [sflag:s15], $0x2000  }
0x2f: {  	[sflag:s15] =	ssyncset.done $0x0  }
0x30: {  	s20 =	simm.s32 $0x4000;
	[sflag:s15] =	ssyncadd.s32 $0xFFFFE000  }
0x31: {  	s21 =	simm.s32 $0x2000;
	v3 =	vld [tilespmem:s20+$0x0]  }
0x32: {  	v4 =	vld [tilespmem:s21+$0x0]  }
0x33: {  	s22 =	simm.s32 $0x6000  }
0x34: {  	v5 =	vld [tilespmem:s22+$0x0]  }
0x35: {  	s31 =	simm.s32 $0x8000  }
0x36: {  	v6 =	vld [tilespmem:s31+$0x0]  }
0x37: {  	v7 =	vmul.f32 v4, v4;
	v8 =	vmul.f32 v3, v3  }
0x38: {  	s22 =	simm.s32 $0x0  }
0x39: {  	v9 =	vor.u32 s22, v1;
	v7 =	vadd.f32 v8, v7;
	v8 =	vmul.f32 v5, v5;
	_ =	sdelay $0x1  }
0x3a: {  	v10 =	vor.u32 s22, v2;
	v11 =	vmul.f32 $5.000000000e-01, v6;
	v7 =	vadd.f32 v8, v7;
	_ =	sdelay $0x1  }
0x3b: {  	v7 =	vmul.f32 v7, v11  }
0x3c: {  	v9 =	vld.idx.msk [tilespmem:v9+s2+$0x0], $0xffff  }
0x3d: {  	v8 =	vld [tilespmem:s22+$0x0];
	(xrf2) =	vadd.scan.msk.f32 $0xffff, v7  }
0x3e: {  	v10 =	vld.idx.msk [tilespmem:v10+s2+$0x0], $0xffff;
	_ =	sdelay $0x3  }
0x3f: {  	vm2 =	vne.s32 v8, v9  }
0x40: {  	vm3 =	vne.s32 v8, v10;
	vm2 =	vmor vm2, vm0  }
0x41: {  	vm3 =	vmor vm3, vm1;
	_ =	sdelay $0x2  }
0x42: {  	v58, _, _ =	vpop (xrf2)  }
0x43: {  	v60 =	vshrl.u32 v3, $0x10;
	v7 =	vsub.f32 v7, v58  }
0x44: {  	v12 =	vshrl.u32 v6, $0x10;
	v61 =	vand.u32 $0x1, v60;
	[tilespmem:v8+s16+$0x0] =	vst.idx.add.f32.msk vm2, v58  }
0x45: {  	v59 =	vshrl.u32 v4, $0x10;
	v3 =	vadd.s32 v61, v3;
	[tilespmem:v8+s16+$0x0] =	vst.idx.add.f32.msk vm3, v7;
	v7 =	vand.u32 $0x1, v12  }
0x46: {  	v62 =	vshrl.u32 v5, $0x10;
	v3 =	vadd.s32 $0x7FFF, v3;
	v6 =	vadd.s32 v7, v6  }
0x47: {  	v3 =	vand.u32 $0xFFFF0000, v3;
	v8 =	vand.u32 $0x1, v62;
	v63 =	vld [tilespmem:$0xA410];
	v6 =	vadd.s32 $0x7FFF, v6  }
0x48: {  	v10 =	vand.u32 $0x1, v59;
	v5 =	vadd.s32 v8, v5;
	v7 =	vld [tilespmem:$0xA420];
	v6 =	vand.u32 $0xFFFF0000, v6  }
0x49: {  	v4 =	vadd.s32 v10, v4;
	v5 =	vadd.s32 $0x7FFF, v5;
	v8 =	vmul.f32 v6, v3;
	v3 =	vld [tilespmem:$0xA400]  }
0x4a: {  	v4 =	vadd.s32 $0x7FFF, v4;
	v5 =	vand.u32 $0xFFFF0000, v5  }
0x4b: {  	v4 =	vand.u32 $0xFFFF0000, v4;
	v5 =	vmul.f32 v6, v5  }
0x4c: {  	v4 =	vmul.f32 v6, v4;
	v6 =	vadd.f32 v8, v63  }
0x4d: {  	s23 =	simm.s32 $0x10;
	s24 =	simm.s32 $0x6010;
	s25 =	simm.s32 $0x8010;
	v5 =	vadd.f32 v7, v5  }
.LBB2_4:
0x4e: {  	v3 =	vadd.f32 v4, v3;
	[tilespmem:$0xA410] =	vst v6;
	s22 =	sadd.s32 $0x10, s22;
	s21 =	sadd.s32 $0x10, s21;
	s20 =	sadd.s32 $0x10, s20  }
0x4f: {  	p0 =	sne.s32 s23, $0x1FF0;
	s26 =	smov.u32 s23;
	s23 =	sadd.s32 $0x10, s23;
	[tilespmem:$0xA420] =	vst v5  }
0x50: {  	[tilespmem:$0xA400] =	vst v3  }
0x51: {  	v3 =	vld [tilespmem:s20+$0x0]  }
0x52: {  	v4 =	vld [tilespmem:s21+$0x0];
	_ =	sdelay $0x1  }
0x53: {  	v5 =	vld [tilespmem:s24+$0x0];
	_ =	sdelay $0x1  }
0x54: {  	v6 =	vld [tilespmem:s25+$0x0];
	v7 =	vshrl.u32 v3, $0x10  }
0x55: {  	v9 =	vmul.f32 v3, v3;
	v8 =	vmul.f32 v4, v4;
	v10 =	vshrl.u32 v4, $0x10  }
0x56: {  	v7 =	vand.u32 $0x1, v7;
	v10 =	vand.u32 $0x1, v10  }
0x57: {  	v11 =	vor.u32 s26, v1;
	v8 =	vadd.f32 v9, v8;
	v9 =	vmul.f32 v5, v5  }
0x58: {  	v12 =	vor.u32 s26, v2;
	v4 =	vadd.s32 v10, v4;
	v10 =	vshrl.u32 v5, $0x10  }
0x59: {  	v13 =	vmul.f32 $5.000000000e-01, v6;
	v8 =	vadd.f32 v9, v8;
	v9 =	vshrl.u32 v6, $0x10  }
0x5a: {  	v4 =	vadd.s32 $0x7FFF, v4;
	v10 =	vand.u32 $0x1, v10;
	v9 =	vand.u32 $0x1, v9  }
0x5b: {  	v5 =	vadd.s32 v10, v5;
	v14 =	vld [tilespmem:s22+$0x0];
	v8 =	vmul.f32 v8, v13;
	v6 =	vadd.s32 v9, v6  }
0x5c: {  	v3 =	vadd.s32 v7, v3;
	v5 =	vadd.s32 $0x7FFF, v5;
	v9 =	vld.idx.msk [tilespmem:v11+s2+$0x0], $0xffff;
	v6 =	vadd.s32 $0x7FFF, v6  }
0x5d: {  	v10 =	vadd.s32 $0x7FFF, v3;
	v7 =	vld.idx.msk [tilespmem:v12+s2+$0x0], $0xffff;
	v6 =	vand.u32 $0xFFFF0000, v6;
	(xrf2) =	vadd.scan.msk.f32 $0xffff, v8;
	_ =	sdelay $0x4  }
0x5e: {  	vm2 =	vne.s32 v14, v9  }
0x5f: {  	vm2 =	vmor vm2, vm0;
	vm3 =	vne.s32 v14, v7  }
0x60: {  	vm3 =	vmor vm3, vm1;
	_ =	sdelay $0x2  }
0x61: {  	v3, _, _ =	vpop (xrf2)  }
0x62: {  	v7 =	vsub.f32 v8, v3  }
0x63: {  	[tilespmem:v14+s16+$0x0] =	vst.idx.add.f32.msk vm2, v3  }
0x64: {  	[tilespmem:v14+s16+$0x0] =	vst.idx.add.f32.msk vm3, v7  }
0x65: {  	v7 =	vld [tilespmem:$0xA410]  }
0x66: {  	v8 =	vld [tilespmem:$0xA420]  }
.Ltmp1:
0x67: {  	v4 =	vand.u32 $0xFFFF0000, v4;
	v9 =	vand.u32 $0xFFFF0000, v10;
	v3 =	vld [tilespmem:$0xA400];
	(pc) =	sbr.rel @p0 .LBB2_4-.Ltmp1, $4  }
0x68: {  	v5 =	vand.u32 $0xFFFF0000, v5;
	v4 =	vmul.f32 v6, v4;
	v9 =	vmul.f32 v6, v9  }
0x69: {  	v5 =	vmul.f32 v6, v5  }
0x6a: {  	v6 =	vadd.f32 v9, v7  }
0x6b: {  	s24 =	sadd.s32 $0x10, s24;
	s25 =	sadd.s32 $0x10, s25;
	v5 =	vadd.f32 v8, v5  }
0x6c: {  	v3 =	vadd.f32 v4, v3;
	[tilespmem:$0xA410] =	vst v6  }
0x6d: {  	[tilespmem:$0xA420] =	vst v5  }
0x6e: {  	[tilespmem:$0xA400] =	vst v3  }
0x6f: {  	[hbm4b:s8+s2] =	stream.linear.scatter [tilespmem:s16], [sflag:$0x2], $0x400, $0x38;
	[tilespmem:$0xA480] =	vst v63  }
0x70: {  	s19 =	sadd.s32 $0x1, s19;
	_ =	swait.ge [sflag:s17], $0x400  }
0x71: {  	p0 =	sne.s32 s19, s10;
	[sflag:s17] =	ssyncset.done $0x0  }
.Ltmp2:
0x72: {  	[sflag:s17] =	ssyncadd.s32 $0xFFFFFC00;
	(pc) =	sbr.rel @p0 .LBB2_1-.Ltmp2, $4  }
0x73: {  	[hbm4b:s9+s2] =	stream.linear.scatter [tilespmem:s18], [sflag:$0x2], $0x30, $0x38;
	[tilespmem:$0xA480] =	vst v63  }
0x74: {  	_ =	swait.ge [sflag:s17], $0x30  }
0x75: {  	[sflag:s17] =	ssyncset.done $0x0  }
0x76: {  	[sflag:s17] =	ssyncadd.s32 $0xFFFFFFD0  }
0x77: {  	_ =	sfence.sel $0x180000  }
0x78: {  	[bflag:$0x0] =	sbarrier.arrive $0xFFFF  }
0x79: {  	p0 =	sne.s32 s1, $0x0;
	_ =	strace $0x9000004A  }
0x7a: {  	s0 =	sadd.s32 @!p0 $0x100000, s0;
	[bflag:$0x2] =	sbarrier.arrive $0xFFFF  }
0x7b: {  	[sflag:s0] =	ssyncadd.tile.s32 @!p0 $0x1;
	_ =	shalt  }
.Lfunc_end2:
_tile_overlayer_lowered:
.L_overlay_start_2:
0x7c: {  	(tag) =	ssettag $0x2  }
0x7d: {  	s0 =	rddreg [dreg:$0x0];
	s2 =	stileid.u32  }
0x7e: {  	s1 =	rddreg [dreg:$0x1];
	p0 =	sne.s32 s2, $0x0  }
0x7f: {  	s3 =	rddreg [dreg:$0x2];
	[bflag:$0x3] =	sbarrier.arrive $0xFFFF;
	s2 =	simm.s32 @!p0 $0x1C02  }
0x80: {  	[timem:s3], [sflag:s2] =	dma.local @!p0 [hbm:s0], s1  }
0x81: {  	s0 =	simm.s32 @!p0 $0x2  }
0x82: {  	_ =	swait.ge @!p0 [sflag:s0], s1  }
0x83: {  	s1 =	ssub.s32 @!p0 $0x0, s1;
	[sflag:s0] =	ssyncset.done @!p0 $0x0  }
0x84: {  	[sflag:s0] =	ssyncadd.s32 @!p0 s1  }
0x85: {  	[bflag:$0x3] =	sbarrier.arrive $0xFFFF  }
0x86: {  	_ =	shalt  }

</sc_bundles>
